<compile_context>
chip_gen: v7x
topology: tpu7x:2x2x1
jax: 0.10.2.dev20260603
libtpu: 0.0.44.dev20260713+nightly
codegen_flags: <defaults>
</compile_context>

<pallas_src>
import functools
import math

import jax
import jax.numpy as jnp
import numpy as np
from jax import lax
from jax.experimental import pallas as pl
from jax.experimental.pallas import tpu as pltpu
from jax.experimental.pallas import tpu_sc as plsc

_SPARSITY = 0.05
_L = 16
_UNROLL = 16
_NACC = 8

_SIGN = np.int32(-(2**31))
_ONE = np.int32(1)
_ZERO = np.int32(0)
_NEGINF = np.float32(-np.inf)
_POSINF = np.float32(np.inf)


def _lane_sum(v):
    s = v[0]
    for lane in range(1, _L):
        s = s + v[lane]
    return s


def _lane_max(v):
    m = v[0]
    for lane in range(1, _L):
        m = jnp.maximum(m, v[lane])
    return m


def _lane_min(v):
    m = v[0]
    for lane in range(1, _L):
        m = jnp.minimum(m, v[lane])
    return m


def _key2f_scalar(s):
    b = jnp.where(s >= 0, s, jnp.bitwise_not(s ^ _SIGN))
    return lax.bitcast_convert_type(b, jnp.float32)



def _kwta_sc_rows(x, B, B_sc, N, k):
    n_chunks = N // (_L * _UNROLL)

    mesh = plsc.VectorSubcoreMesh(core_axis_name="c", subcore_axis_name="s")

    @functools.partial(
        pl.kernel,
        mesh=mesh,
        out_type=jax.ShapeDtypeStruct((B_sc, N), jnp.float32),
        scratch_types=[
            pltpu.VMEM((N,), jnp.float32),
            pltpu.VMEM((N,), jnp.float32),
        ],
    )
    def kwta(x_hbm, out_hbm, xbuf, obuf):
        wid = lax.axis_index("s") * 2 + lax.axis_index("c")
        rows_per_w = B_sc // 32

        def count_ge(fc, n):
            def body(j, accs):
                base = j * (_L * _UNROLL)
                accs = list(accs)
                for u in range(_UNROLL):
                    v = xbuf[pl.ds(base + u * _L, _L)]
                    a = u % _NACC
                    accs[a] = accs[a] + jnp.where(v >= fc, _ONE, _ZERO)
                return tuple(accs)
            accs = lax.fori_loop(
                0, n, body,
                tuple(jnp.zeros((_L,), jnp.int32) for _ in range(_NACC)))
            tot = accs[0]
            for a in range(1, _NACC):
                tot = tot + accs[a]
            return _lane_sum(tot)

        for r in range(rows_per_w):
            row = wid * rows_per_w + r
            pltpu.sync_copy(x_hbm.at[row], xbuf)

            cnt0 = count_ge(np.float32(0.0), n_chunks)
            p0 = jnp.where(cnt0 >= k, np.int32(0), _SIGN)

            def bit_body(i, carry):
                p, cntp = carry
                n = jnp.where(cntp == k, 0, n_chunks)
                c = p | (np.int32(1) << (np.int32(30) - i))
                cnt = count_ge(_key2f_scalar(c), n)
                take = jnp.logical_and(cntp != k, cnt >= k)
                return (jnp.where(take, c, p), jnp.where(take, cnt, cntp))
            p, cntp = lax.fori_loop(0, 31, bit_body, (p0, cnt0))
            fp = _key2f_scalar(p)

            def mm_body(j, carry):
                mns, mxs = list(carry[0]), list(carry[1])
                base = j * (_L * _UNROLL)
                for u in range(_UNROLL):
                    v = xbuf[pl.ds(base + u * _L, _L)]
                    ge = v >= fp
                    a = u % _NACC
                    mns[a] = jnp.minimum(mns[a], jnp.where(ge, v, _POSINF))
                    mxs[a] = jnp.maximum(mxs[a], jnp.where(ge, _NEGINF, v))
                return tuple(mns), tuple(mxs)
            mnvs, mxvs = lax.fori_loop(
                0, n_chunks, mm_body,
                (tuple(jnp.full((_L,), _POSINF, jnp.float32)
                       for _ in range(_NACC)),
                 tuple(jnp.full((_L,), _NEGINF, jnp.float32)
                       for _ in range(_NACC))))
            totn, totm = mnvs[0], mxvs[0]
            for a in range(1, _NACC):
                totn = jnp.minimum(totn, mnvs[a])
                totm = jnp.maximum(totm, mxvs[a])
            vk = _lane_min(totn)
            vk1 = _lane_max(totm)

            thr = jnp.where(cntp == k,
                            (vk + vk1) * np.float32(0.5), fp)

            def mask_body(j, _):
                base = j * (_L * _UNROLL)
                for u in range(_UNROLL):
                    v = xbuf[pl.ds(base + u * _L, _L)]
                    obuf[pl.ds(base + u * _L, _L)] = jnp.where(
                        v > thr, np.float32(1.0), np.float32(0.0))
                return 0
            lax.fori_loop(0, n_chunks, mask_body, 0)

            pltpu.sync_copy(obuf, out_hbm.at[row])

    return kwta(x)



def _kwta_tc_rows(x, B_tc, k):
    B, N = x.shape

    def body(x_ref, o_ref, kref):
        xb = x_ref[...]
        bits = pltpu.bitcast(xb, jnp.int32)
        keys = jnp.where(bits >= 0, bits, jnp.bitwise_not(bits) ^ _SIGN)
        kref[...] = keys

        def count_ge(c):
            m = keys >= c
            return jnp.sum(jnp.where(m, _ONE, _ZERO), axis=1, keepdims=True)

        cnt0 = count_ge(jnp.zeros((B_tc, 1), jnp.int32))
        p = jnp.where(cnt0 >= k, np.int32(0), _SIGN)

        def bit_body(i, p):
            c = p | (np.int32(1) << (np.int32(30) - i))
            cnt = count_ge(c)
            return jnp.where(cnt >= k, c, p)
        p = lax.fori_loop(0, 31, bit_body, p, unroll=True)

        ge = keys >= p
        cnt_ge = jnp.sum(jnp.where(ge, _ONE, _ZERO), axis=1, keepdims=True)
        low = jnp.where(ge, _SIGN, keys)
        max_low = jnp.max(low, axis=1, keepdims=True)
        s2 = jnp.where(cnt_ge >= k + 1, p, max_low)

        def k2f(s):
            b = jnp.where(s >= 0, s, jnp.bitwise_not(s ^ _SIGN))
            return pltpu.bitcast(b, jnp.float32)

        thr = (k2f(p) + k2f(s2)) * np.float32(0.5)
        o_ref[...] = jnp.where(xb > thr, np.float32(1.0), np.float32(0.0))

    return pl.pallas_call(
        body,
        grid=(1,),
        in_specs=[pl.BlockSpec((B_tc, N), lambda i: (1, 0))],
        out_specs=pl.BlockSpec((B_tc, N), lambda i: (1, 0)),
        out_shape=jax.ShapeDtypeStruct((B, N), jnp.float32),
        scratch_shapes=[pltpu.VMEM((B_tc, N), jnp.int32)],
    )(x)


@functools.partial(jax.jit, static_argnums=(1, 2, 3))
def _kwta(x, B, N, k):
    b_sc = 32 if B > 32 else B
    out_sc = _kwta_sc_rows(x, B, b_sc, N, k)
    if b_sc == B:
        return out_sc
    out_tc_full = _kwta_tc_rows(x, B - b_sc, k)
    return lax.dynamic_update_slice(out_tc_full, out_sc, (0, 0))


def kernel(x):
    B, N = x.shape
    k = math.ceil(_SPARSITY * N)
    if k == N:
        k -= 1
    return _kwta(x, B, N, k)

# --- scband reference (transcript-rebuilt; emitter-appended) ---
"""Pipeline reference for scband-kwinners-take-all-54176717471901 (READ-ONLY COPY).

The authoritative reference and input builder live on the scoring server;
editing this copy changes nothing except your own understanding.
"""

import math
import jax, jax.numpy as jnp
import numpy as np

SPARSITY = 0.05

def setup_inputs(seed: int = 0) -> dict:
    key = jax.random.key(seed)
    x = jax.random.normal(key, (64, 8192), dtype=jnp.float32)
    return {"x": x}

def reference(x):
    # KWinnersTakeAll.forward with float sparsity
    embedding_dim = x.shape[1]
    k_active = math.ceil(SPARSITY * embedding_dim)
    if k_active == embedding_dim:
        k_active -= 1
    # sort descending along dim 1
    x_sorted = jnp.sort(x, axis=1)[:, ::-1]
    # threshold = mean of elements at positions [k_active-1, k_active]
    threshold = (x_sorted[:, k_active - 1] + x_sorted[:, k_active]) * 0.5
    threshold = threshold[:, None]
    mask_active = x > threshold
    return mask_active.astype(jnp.float32)

if __name__ == "__main__":
    import jax
    _d = setup_inputs()
    print(jax.jit(kernel)(*tuple(_d.values())))

</pallas_src>

<mosaic_0001>
#map = affine_map<(d0, d1) -> (0, 0)>
module attributes {stable_mosaic.version = 14 : i64} {
  func.func @kwta(%arg0: i32, %arg1: i32, %arg2: memref<64x8192xf32, #tpu.memory_space<hbm>>, %arg3: memref<32x8192xf32, #tpu.memory_space<hbm>>, %arg4: memref<8192xf32, #tpu.memory_space<vmem>>, %arg5: memref<8192xf32, #tpu.memory_space<vmem>>) attributes {dimension_semantics = [#tpu.dimension_semantics<core_parallel>, #tpu.dimension_semantics<subcore_parallel>], iteration_bounds = array<i64: 2, 16>, scalar_prefetch = 0 : i64, scratch_operands = 2 : i64, tpu.core_type = #tpu.core_type<sc_vector_subcore>, window_params = [{transform_indices = #map}, {transform_indices = #map}]} {
    %mul3A = arith.constant 2 : i32
    %mul3A_0 = arith.muli %arg1, %mul3A : i32
    %add3A = arith.addi %mul3A_0, %arg0 : i32
    %mul3A_1 = arith.constant 1 : i32
    %mul3A_2 = arith.muli %add3A, %mul3A_1 : i32
    %add3A_3 = arith.constant 0 : i32
    %add3A_4 = arith.addi %mul3A_2, %add3A_3 : i32
    "tpu.region"() ({
      %run_scoped3A = tpu.sem_alloc : memref<!tpu.dma_semaphore, #tpu.memory_space<semaphore_mem>>
      %dma_start3A = arith.constant 0 : i32
      %dma_start3A_246 = tpu.memref_slice %arg2[%add3A_4, %dma_start3A] : memref<64x8192xf32, #tpu.memory_space<hbm>> -> memref<1x8192xf32, #tpu.memory_space<hbm>>
      %dma_start3A_247 = tpu.memref_squeeze %dma_start3A_246 : memref<1x8192xf32, #tpu.memory_space<hbm>> -> memref<8192xf32, #tpu.memory_space<hbm>>
      %dma_start3A_248 = arith.constant 0 : i32
      %dma_start3A_249 = tpu.memref_slice %arg2[%add3A_4, %dma_start3A_248] : memref<64x8192xf32, #tpu.memory_space<hbm>> -> memref<1x8192xf32, #tpu.memory_space<hbm>>
      %dma_start3A_250 = tpu.memref_squeeze %dma_start3A_249 : memref<1x8192xf32, #tpu.memory_space<hbm>> -> memref<8192xf32, #tpu.memory_space<hbm>>
      tpu.enqueue_dma source(%dma_start3A_250 : memref<8192xf32, #tpu.memory_space<hbm>>) target(%arg4 : memref<8192xf32, #tpu.memory_space<vmem>>) target_semaphore(%run_scoped3A : memref<!tpu.dma_semaphore, #tpu.memory_space<semaphore_mem>>)
      %dma_wait3A = arith.constant 0 : i32
      %dma_wait3A_251 = tpu.memref_slice %arg2[%add3A_4, %dma_wait3A] : memref<64x8192xf32, #tpu.memory_space<hbm>> -> memref<1x8192xf32, #tpu.memory_space<hbm>>
      %dma_wait3A_252 = tpu.memref_squeeze %dma_wait3A_251 : memref<1x8192xf32, #tpu.memory_space<hbm>> -> memref<8192xf32, #tpu.memory_space<hbm>>
      %dma_wait3A_253 = arith.constant 0 : i32
      %dma_wait3A_254 = tpu.memref_slice %arg2[%add3A_4, %dma_wait3A_253] : memref<64x8192xf32, #tpu.memory_space<hbm>> -> memref<1x8192xf32, #tpu.memory_space<hbm>>
      %dma_wait3A_255 = tpu.memref_squeeze %dma_wait3A_254 : memref<1x8192xf32, #tpu.memory_space<hbm>> -> memref<8192xf32, #tpu.memory_space<hbm>>
      tpu.wait_dma2 semaphore(%run_scoped3A : memref<!tpu.dma_semaphore, #tpu.memory_space<semaphore_mem>>) src(%dma_wait3A_255 : memref<8192xf32, #tpu.memory_space<hbm>>) dst(%arg4 : memref<8192xf32, #tpu.memory_space<vmem>>)
      tpu.yield
    }) : () -> ()
    %broadcast_in_dim3A = arith.constant 0 : i32
    %broadcast_in_dim3A_5 = vector.broadcast %broadcast_in_dim3A : i32 to vector<16xi32>
    %broadcast_in_dim3A_6 = arith.constant 0 : i32
    %broadcast_in_dim3A_7 = vector.broadcast %broadcast_in_dim3A_6 : i32 to vector<16xi32>
    %broadcast_in_dim3A_8 = arith.constant 0 : i32
    %broadcast_in_dim3A_9 = vector.broadcast %broadcast_in_dim3A_8 : i32 to vector<16xi32>
    %broadcast_in_dim3A_10 = arith.constant 0 : i32
    %broadcast_in_dim3A_11 = vector.broadcast %broadcast_in_dim3A_10 : i32 to vector<16xi32>
    %broadcast_in_dim3A_12 = arith.constant 0 : i32
    %broadcast_in_dim3A_13 = vector.broadcast %broadcast_in_dim3A_12 : i32 to vector<16xi32>
    %broadcast_in_dim3A_14 = arith.constant 0 : i32
    %broadcast_in_dim3A_15 = vector.broadcast %broadcast_in_dim3A_14 : i32 to vector<16xi32>
    %broadcast_in_dim3A_16 = arith.constant 0 : i32
    %broadcast_in_dim3A_17 = vector.broadcast %broadcast_in_dim3A_16 : i32 to vector<16xi32>
    %broadcast_in_dim3A_18 = arith.constant 0 : i32
    %broadcast_in_dim3A_19 = vector.broadcast %broadcast_in_dim3A_18 : i32 to vector<16xi32>
    %scan3A = arith.constant 0 : i32
    %scan3A_20 = arith.constant 32 : i32
    %scan3A_21 = arith.addi %scan3A, %scan3A_20 : i32
    %scan3A_22 = arith.constant 1 : i32
    %scan3A_23:8 = scf.for %scan3A_246 = %scan3A to %scan3A_21 step %scan3A_22 iter_args(%scan3A_247 = %broadcast_in_dim3A_5, %scan3A_248 = %broadcast_in_dim3A_7, %scan3A_249 = %broadcast_in_dim3A_9, %scan3A_250 = %broadcast_in_dim3A_11, %scan3A_251 = %broadcast_in_dim3A_13, %scan3A_252 = %broadcast_in_dim3A_15, %scan3A_253 = %broadcast_in_dim3A_17, %scan3A_254 = %broadcast_in_dim3A_19) -> (vector<16xi32>, vector<16xi32>, vector<16xi32>, vector<16xi32>, vector<16xi32>, vector<16xi32>, vector<16xi32>, vector<16xi32>)  : i32 {
      %mul3A_255 = arith.constant 256 : i32
      %mul3A_256 = arith.muli %scan3A_246, %mul3A_255 : i32
      %add3A_257 = arith.constant 0 : i32
      %add3A_258 = arith.addi %mul3A_256, %add3A_257 : i32
      %get3A = arith.index_cast %add3A_258 : i32 to index
      %get3A_259 = tpu.vector_load %arg4[%get3A] {strides = array<i32>} : memref<8192xf32, #tpu.memory_space<vmem>>, vector<16xf32>,
      %get3A_260 = vector.shape_cast %get3A_259 : vector<16xf32> to vector<16xf32>
      %ge3A_261 = arith.constant 0.000000e+00 : f32
      %ge3A_262 = vector.broadcast %ge3A_261 : f32 to vector<16xf32>
      %ge3A_263 = arith.cmpf oge, %get3A_260, %ge3A_262 : vector<16xf32>
      %jit3A_264 = arith.constant 1 : i32
      %jit3A_265 = arith.constant 0 : i32
      %broadcast_in_dim3A_266 = vector.broadcast %jit3A_264 : i32 to vector<16xi32>
      %broadcast_in_dim3A_267 = vector.broadcast %jit3A_265 : i32 to vector<16xi32>
      %select_n3A_268 = arith.select %ge3A_263, %broadcast_in_dim3A_266, %broadcast_in_dim3A_267 : vector<16xi1>, vector<16xi32>
      %add3A_269 = arith.addi %scan3A_247, %select_n3A_268 : vector<16xi32>
      %add3A_270 = arith.constant 16 : i32
      %add3A_271 = arith.addi %mul3A_256, %add3A_270 : i32
      %get3A_272 = arith.index_cast %add3A_271 : i32 to index
      %get3A_273 = tpu.vector_load %arg4[%get3A_272] {strides = array<i32>} : memref<8192xf32, #tpu.memory_space<vmem>>, vector<16xf32>,
      %get3A_274 = vector.shape_cast %get3A_273 : vector<16xf32> to vector<16xf32>
      %ge3A_275 = arith.constant 0.000000e+00 : f32
      %ge3A_276 = vector.broadcast %ge3A_275 : f32 to vector<16xf32>
      %ge3A_277 = arith.cmpf oge, %get3A_274, %ge3A_276 : vector<16xf32>
      %jit3A_278 = arith.constant 1 : i32
      %jit3A_279 = arith.constant 0 : i32
      %broadcast_in_dim3A_280 = vector.broadcast %jit3A_278 : i32 to vector<16xi32>
      %broadcast_in_dim3A_281 = vector.broadcast %jit3A_279 : i32 to vector<16xi32>
      %select_n3A_282 = arith.select %ge3A_277, %broadcast_in_dim3A_280, %broadcast_in_dim3A_281 : vector<16xi1>, vector<16xi32>
      %add3A_283 = arith.addi %scan3A_248, %select_n3A_282 : vector<16xi32>
      %add3A_284 = arith.constant 32 : i32
      %add3A_285 = arith.addi %mul3A_256, %add3A_284 : i32
      %get3A_286 = arith.index_cast %add3A_285 : i32 to index
      %get3A_287 = tpu.vector_load %arg4[%get3A_286] {strides = array<i32>} : memref<8192xf32, #tpu.memory_space<vmem>>, vector<16xf32>,
      %get3A_288 = vector.shape_cast %get3A_287 : vector<16xf32> to vector<16xf32>
      %ge3A_289 = arith.constant 0.000000e+00 : f32
      %ge3A_290 = vector.broadcast %ge3A_289 : f32 to vector<16xf32>
      %ge3A_291 = arith.cmpf oge, %get3A_288, %ge3A_290 : vector<16xf32>
      %jit3A_292 = arith.constant 1 : i32
      %jit3A_293 = arith.constant 0 : i32
      %broadcast_in_dim3A_294 = vector.broadcast %jit3A_292 : i32 to vector<16xi32>
      %broadcast_in_dim3A_295 = vector.broadcast %jit3A_293 : i32 to vector<16xi32>
      %select_n3A_296 = arith.select %ge3A_291, %broadcast_in_dim3A_294, %broadcast_in_dim3A_295 : vector<16xi1>, vector<16xi32>
      %add3A_297 = arith.addi %scan3A_249, %select_n3A_296 : vector<16xi32>
      %add3A_298 = arith.constant 48 : i32
      %add3A_299 = arith.addi %mul3A_256, %add3A_298 : i32
      %get3A_300 = arith.index_cast %add3A_299 : i32 to index
      %get3A_301 = tpu.vector_load %arg4[%get3A_300] {strides = array<i32>} : memref<8192xf32, #tpu.memory_space<vmem>>, vector<16xf32>,
      %get3A_302 = vector.shape_cast %get3A_301 : vector<16xf32> to vector<16xf32>
      %ge3A_303 = arith.constant 0.000000e+00 : f32
      %ge3A_304 = vector.broadcast %ge3A_303 : f32 to vector<16xf32>
      %ge3A_305 = arith.cmpf oge, %get3A_302, %ge3A_304 : vector<16xf32>
      %jit3A_306 = arith.constant 1 : i32
      %jit3A_307 = arith.constant 0 : i32
      %broadcast_in_dim3A_308 = vector.broadcast %jit3A_306 : i32 to vector<16xi32>
      %broadcast_in_dim3A_309 = vector.broadcast %jit3A_307 : i32 to vector<16xi32>
      %select_n3A_310 = arith.select %ge3A_305, %broadcast_in_dim3A_308, %broadcast_in_dim3A_309 : vector<16xi1>, vector<16xi32>
      %add3A_311 = arith.addi %scan3A_250, %select_n3A_310 : vector<16xi32>
      %add3A_312 = arith.constant 64 : i32
      %add3A_313 = arith.addi %mul3A_256, %add3A_312 : i32
      %get3A_314 = arith.index_cast %add3A_313 : i32 to index
      %get3A_315 = tpu.vector_load %arg4[%get3A_314] {strides = array<i32>} : memref<8192xf32, #tpu.memory_space<vmem>>, vector<16xf32>,
      %get3A_316 = vector.shape_cast %get3A_315 : vector<16xf32> to vector<16xf32>
      %ge3A_317 = arith.constant 0.000000e+00 : f32
      %ge3A_318 = vector.broadcast %ge3A_317 : f32 to vector<16xf32>
      %ge3A_319 = arith.cmpf oge, %get3A_316, %ge3A_318 : vector<16xf32>
      %jit3A_320 = arith.constant 1 : i32
      %jit3A_321 = arith.constant 0 : i32
      %broadcast_in_dim3A_322 = vector.broadcast %jit3A_320 : i32 to vector<16xi32>
      %broadcast_in_dim3A_323 = vector.broadcast %jit3A_321 : i32 to vector<16xi32>
      %select_n3A_324 = arith.select %ge3A_319, %broadcast_in_dim3A_322, %broadcast_in_dim3A_323 : vector<16xi1>, vector<16xi32>
      %add3A_325 = arith.addi %scan3A_251, %select_n3A_324 : vector<16xi32>
      %add3A_326 = arith.constant 80 : i32
      %add3A_327 = arith.addi %mul3A_256, %add3A_326 : i32
      %get3A_328 = arith.index_cast %add3A_327 : i32 to index
      %get3A_329 = tpu.vector_load %arg4[%get3A_328] {strides = array<i32>} : memref<8192xf32, #tpu.memory_space<vmem>>, vector<16xf32>,
      %get3A_330 = vector.shape_cast %get3A_329 : vector<16xf32> to vector<16xf32>
      %ge3A_331 = arith.constant 0.000000e+00 : f32
      %ge3A_332 = vector.broadcast %ge3A_331 : f32 to vector<16xf32>
      %ge3A_333 = arith.cmpf oge, %get3A_330, %ge3A_332 : vector<16xf32>
      %jit3A_334 = arith.constant 1 : i32
      %jit3A_335 = arith.constant 0 : i32
      %broadcast_in_dim3A_336 = vector.broadcast %jit3A_334 : i32 to vector<16xi32>
      %broadcast_in_dim3A_337 = vector.broadcast %jit3A_335 : i32 to vector<16xi32>
      %select_n3A_338 = arith.select %ge3A_333, %broadcast_in_dim3A_336, %broadcast_in_dim3A_337 : vector<16xi1>, vector<16xi32>
      %add3A_339 = arith.addi %scan3A_252, %select_n3A_338 : vector<16xi32>
      %add3A_340 = arith.constant 96 : i32
      %add3A_341 = arith.addi %mul3A_256, %add3A_340 : i32
      %get3A_342 = arith.index_cast %add3A_341 : i32 to index
      %get3A_343 = tpu.vector_load %arg4[%get3A_342] {strides = array<i32>} : memref<8192xf32, #tpu.memory_space<vmem>>, vector<16xf32>,
      %get3A_344 = vector.shape_cast %get3A_343 : vector<16xf32> to vector<16xf32>
      %ge3A_345 = arith.constant 0.000000e+00 : f32
      %ge3A_346 = vector.broadcast %ge3A_345 : f32 to vector<16xf32>
      %ge3A_347 = arith.cmpf oge, %get3A_344, %ge3A_346 : vector<16xf32>
      %jit3A_348 = arith.constant 1 : i32
      %jit3A_349 = arith.constant 0 : i32
      %broadcast_in_dim3A_350 = vector.broadcast %jit3A_348 : i32 to vector<16xi32>
      %broadcast_in_dim3A_351 = vector.broadcast %jit3A_349 : i32 to vector<16xi32>
      %select_n3A_352 = arith.select %ge3A_347, %broadcast_in_dim3A_350, %broadcast_in_dim3A_351 : vector<16xi1>, vector<16xi32>
      %add3A_353 = arith.addi %scan3A_253, %select_n3A_352 : vector<16xi32>
      %add3A_354 = arith.constant 112 : i32
      %add3A_355 = arith.addi %mul3A_256, %add3A_354 : i32
      %get3A_356 = arith.index_cast %add3A_355 : i32 to index
      %get3A_357 = tpu.vector_load %arg4[%get3A_356] {strides = array<i32>} : memref<8192xf32, #tpu.memory_space<vmem>>, vector<16xf32>,
      %get3A_358 = vector.shape_cast %get3A_357 : vector<16xf32> to vector<16xf32>
      %ge3A_359 = arith.constant 0.000000e+00 : f32
      %ge3A_360 = vector.broadcast %ge3A_359 : f32 to vector<16xf32>
      %ge3A_361 = arith.cmpf oge, %get3A_358, %ge3A_360 : vector<16xf32>
      %jit3A_362 = arith.constant 1 : i32
      %jit3A_363 = arith.constant 0 : i32
      %broadcast_in_dim3A_364 = vector.broadcast %jit3A_362 : i32 to vector<16xi32>
      %broadcast_in_dim3A_365 = vector.broadcast %jit3A_363 : i32 to vector<16xi32>
      %select_n3A_366 = arith.select %ge3A_361, %broadcast_in_dim3A_364, %broadcast_in_dim3A_365 : vector<16xi1>, vector<16xi32>
      %add3A_367 = arith.addi %scan3A_254, %select_n3A_366 : vector<16xi32>
      %add3A_368 = arith.constant 128 : i32
      %add3A_369 = arith.addi %mul3A_256, %add3A_368 : i32
      %get3A_370 = arith.index_cast %add3A_369 : i32 to index
      %get3A_371 = tpu.vector_load %arg4[%get3A_370] {strides = array<i32>} : memref<8192xf32, #tpu.memory_space<vmem>>, vector<16xf32>,
      %get3A_372 = vector.shape_cast %get3A_371 : vector<16xf32> to vector<16xf32>
      %ge3A_373 = arith.constant 0.000000e+00 : f32
      %ge3A_374 = vector.broadcast %ge3A_373 : f32 to vector<16xf32>
      %ge3A_375 = arith.cmpf oge, %get3A_372, %ge3A_374 : vector<16xf32>
      %jit3A_376 = arith.constant 1 : i32
      %jit3A_377 = arith.constant 0 : i32
      %broadcast_in_dim3A_378 = vector.broadcast %jit3A_376 : i32 to vector<16xi32>
      %broadcast_in_dim3A_379 = vector.broadcast %jit3A_377 : i32 to vector<16xi32>
      %select_n3A_380 = arith.select %ge3A_375, %broadcast_in_dim3A_378, %broadcast_in_dim3A_379 : vector<16xi1>, vector<16xi32>
      %add3A_381 = arith.addi %add3A_269, %select_n3A_380 : vector<16xi32>
      %add3A_382 = arith.constant 144 : i32
      %add3A_383 = arith.addi %mul3A_256, %add3A_382 : i32
      %get3A_384 = arith.index_cast %add3A_383 : i32 to index
      %get3A_385 = tpu.vector_load %arg4[%get3A_384] {strides = array<i32>} : memref<8192xf32, #tpu.memory_space<vmem>>, vector<16xf32>,
      %get3A_386 = vector.shape_cast %get3A_385 : vector<16xf32> to vector<16xf32>
      %ge3A_387 = arith.constant 0.000000e+00 : f32
      %ge3A_388 = vector.broadcast %ge3A_387 : f32 to vector<16xf32>
      %ge3A_389 = arith.cmpf oge, %get3A_386, %ge3A_388 : vector<16xf32>
      %jit3A_390 = arith.constant 1 : i32
      %jit3A_391 = arith.constant 0 : i32
      %broadcast_in_dim3A_392 = vector.broadcast %jit3A_390 : i32 to vector<16xi32>
      %broadcast_in_dim3A_393 = vector.broadcast %jit3A_391 : i32 to vector<16xi32>
      %select_n3A_394 = arith.select %ge3A_389, %broadcast_in_dim3A_392, %broadcast_in_dim3A_393 : vector<16xi1>, vector<16xi32>
      %add3A_395 = arith.addi %add3A_283, %select_n3A_394 : vector<16xi32>
      %add3A_396 = arith.constant 160 : i32
      %add3A_397 = arith.addi %mul3A_256, %add3A_396 : i32
      %get3A_398 = arith.index_cast %add3A_397 : i32 to index
      %get3A_399 = tpu.vector_load %arg4[%get3A_398] {strides = array<i32>} : memref<8192xf32, #tpu.memory_space<vmem>>, vector<16xf32>,
      %get3A_400 = vector.shape_cast %get3A_399 : vector<16xf32> to vector<16xf32>
      %ge3A_401 = arith.constant 0.000000e+00 : f32
      %ge3A_402 = vector.broadcast %ge3A_401 : f32 to vector<16xf32>
      %ge3A_403 = arith.cmpf oge, %get3A_400, %ge3A_402 : vector<16xf32>
      %jit3A_404 = arith.constant 1 : i32
      %jit3A_405 = arith.constant 0 : i32
      %broadcast_in_dim3A_406 = vector.broadcast %jit3A_404 : i32 to vector<16xi32>
      %broadcast_in_dim3A_407 = vector.broadcast %jit3A_405 : i32 to vector<16xi32>
      %select_n3A_408 = arith.select %ge3A_403, %broadcast_in_dim3A_406, %broadcast_in_dim3A_407 : vector<16xi1>, vector<16xi32>
      %add3A_409 = arith.addi %add3A_297, %select_n3A_408 : vector<16xi32>
      %add3A_410 = arith.constant 176 : i32
      %add3A_411 = arith.addi %mul3A_256, %add3A_410 : i32
      %get3A_412 = arith.index_cast %add3A_411 : i32 to index
      %get3A_413 = tpu.vector_load %arg4[%get3A_412] {strides = array<i32>} : memref<8192xf32, #tpu.memory_space<vmem>>, vector<16xf32>,
      %get3A_414 = vector.shape_cast %get3A_413 : vector<16xf32> to vector<16xf32>
      %ge3A_415 = arith.constant 0.000000e+00 : f32
      %ge3A_416 = vector.broadcast %ge3A_415 : f32 to vector<16xf32>
      %ge3A_417 = arith.cmpf oge, %get3A_414, %ge3A_416 : vector<16xf32>
      %jit3A_418 = arith.constant 1 : i32
      %jit3A_419 = arith.constant 0 : i32
      %broadcast_in_dim3A_420 = vector.broadcast %jit3A_418 : i32 to vector<16xi32>
      %broadcast_in_dim3A_421 = vector.broadcast %jit3A_419 : i32 to vector<16xi32>
      %select_n3A_422 = arith.select %ge3A_417, %broadcast_in_dim3A_420, %broadcast_in_dim3A_421 : vector<16xi1>, vector<16xi32>
      %add3A_423 = arith.addi %add3A_311, %select_n3A_422 : vector<16xi32>
      %add3A_424 = arith.constant 192 : i32
      %add3A_425 = arith.addi %mul3A_256, %add3A_424 : i32
      %get3A_426 = arith.index_cast %add3A_425 : i32 to index
      %get3A_427 = tpu.vector_load %arg4[%get3A_426] {strides = array<i32>} : memref<8192xf32, #tpu.memory_space<vmem>>, vector<16xf32>,
      %get3A_428 = vector.shape_cast %get3A_427 : vector<16xf32> to vector<16xf32>
      %ge3A_429 = arith.constant 0.000000e+00 : f32
      %ge3A_430 = vector.broadcast %ge3A_429 : f32 to vector<16xf32>
      %ge3A_431 = arith.cmpf oge, %get3A_428, %ge3A_430 : vector<16xf32>
      %jit3A_432 = arith.constant 1 : i32
      %jit3A_433 = arith.constant 0 : i32
      %broadcast_in_dim3A_434 = vector.broadcast %jit3A_432 : i32 to vector<16xi32>
      %broadcast_in_dim3A_435 = vector.broadcast %jit3A_433 : i32 to vector<16xi32>
      %select_n3A_436 = arith.select %ge3A_431, %broadcast_in_dim3A_434, %broadcast_in_dim3A_435 : vector<16xi1>, vector<16xi32>
      %add3A_437 = arith.addi %add3A_325, %select_n3A_436 : vector<16xi32>
      %add3A_438 = arith.constant 208 : i32
      %add3A_439 = arith.addi %mul3A_256, %add3A_438 : i32
      %get3A_440 = arith.index_cast %add3A_439 : i32 to index
      %get3A_441 = tpu.vector_load %arg4[%get3A_440] {strides = array<i32>} : memref<8192xf32, #tpu.memory_space<vmem>>, vector<16xf32>,
      %get3A_442 = vector.shape_cast %get3A_441 : vector<16xf32> to vector<16xf32>
      %ge3A_443 = arith.constant 0.000000e+00 : f32
      %ge3A_444 = vector.broadcast %ge3A_443 : f32 to vector<16xf32>
      %ge3A_445 = arith.cmpf oge, %get3A_442, %ge3A_444 : vector<16xf32>
      %jit3A_446 = arith.constant 1 : i32
      %jit3A_447 = arith.constant 0 : i32
      %broadcast_in_dim3A_448 = vector.broadcast %jit3A_446 : i32 to vector<16xi32>
      %broadcast_in_dim3A_449 = vector.broadcast %jit3A_447 : i32 to vector<16xi32>
      %select_n3A_450 = arith.select %ge3A_445, %broadcast_in_dim3A_448, %broadcast_in_dim3A_449 : vector<16xi1>, vector<16xi32>
      %add3A_451 = arith.addi %add3A_339, %select_n3A_450 : vector<16xi32>
      %add3A_452 = arith.constant 224 : i32
      %add3A_453 = arith.addi %mul3A_256, %add3A_452 : i32
      %get3A_454 = arith.index_cast %add3A_453 : i32 to index
      %get3A_455 = tpu.vector_load %arg4[%get3A_454] {strides = array<i32>} : memref<8192xf32, #tpu.memory_space<vmem>>, vector<16xf32>,
      %get3A_456 = vector.shape_cast %get3A_455 : vector<16xf32> to vector<16xf32>
      %ge3A_457 = arith.constant 0.000000e+00 : f32
      %ge3A_458 = vector.broadcast %ge3A_457 : f32 to vector<16xf32>
      %ge3A_459 = arith.cmpf oge, %get3A_456, %ge3A_458 : vector<16xf32>
      %jit3A_460 = arith.constant 1 : i32
      %jit3A_461 = arith.constant 0 : i32
      %broadcast_in_dim3A_462 = vector.broadcast %jit3A_460 : i32 to vector<16xi32>
      %broadcast_in_dim3A_463 = vector.broadcast %jit3A_461 : i32 to vector<16xi32>
      %select_n3A_464 = arith.select %ge3A_459, %broadcast_in_dim3A_462, %broadcast_in_dim3A_463 : vector<16xi1>, vector<16xi32>
      %add3A_465 = arith.addi %add3A_353, %select_n3A_464 : vector<16xi32>
      %add3A_466 = arith.constant 240 : i32
      %add3A_467 = arith.addi %mul3A_256, %add3A_466 : i32
      %get3A_468 = arith.index_cast %add3A_467 : i32 to index
      %get3A_469 = tpu.vector_load %arg4[%get3A_468] {strides = array<i32>} : memref<8192xf32, #tpu.memory_space<vmem>>, vector<16xf32>,
      %get3A_470 = vector.shape_cast %get3A_469 : vector<16xf32> to vector<16xf32>
      %ge3A_471 = arith.constant 0.000000e+00 : f32
      %ge3A_472 = vector.broadcast %ge3A_471 : f32 to vector<16xf32>
      %ge3A_473 = arith.cmpf oge, %get3A_470, %ge3A_472 : vector<16xf32>
      %jit3A_474 = arith.constant 1 : i32
      %jit3A_475 = arith.constant 0 : i32
      %broadcast_in_dim3A_476 = vector.broadcast %jit3A_474 : i32 to vector<16xi32>
      %broadcast_in_dim3A_477 = vector.broadcast %jit3A_475 : i32 to vector<16xi32>
      %select_n3A_478 = arith.select %ge3A_473, %broadcast_in_dim3A_476, %broadcast_in_dim3A_477 : vector<16xi1>, vector<16xi32>
      %add3A_479 = arith.addi %add3A_367, %select_n3A_478 : vector<16xi32>
      scf.yield %add3A_381, %add3A_395, %add3A_409, %add3A_423, %add3A_437, %add3A_451, %add3A_465, %add3A_479 : vector<16xi32>, vector<16xi32>, vector<16xi32>, vector<16xi32>, vector<16xi32>, vector<16xi32>, vector<16xi32>, vector<16xi32>
    }
    %scan3A_24 = arith.constant 32 : i32
    %add3A_25 = arith.addi %scan3A_23#0, %scan3A_23#1 : vector<16xi32>
    %add3A_26 = arith.addi %add3A_25, %scan3A_23#2 : vector<16xi32>
    %add3A_27 = arith.addi %add3A_26, %scan3A_23#3 : vector<16xi32>
    %add3A_28 = arith.addi %add3A_27, %scan3A_23#4 : vector<16xi32>
    %add3A_29 = arith.addi %add3A_28, %scan3A_23#5 : vector<16xi32>
    %add3A_30 = arith.addi %add3A_29, %scan3A_23#6 : vector<16xi32>
    %add3A_31 = arith.addi %add3A_30, %scan3A_23#7 : vector<16xi32>
    %slice3A = vector.extract_strided_slice %add3A_31 {offsets = [0], sizes = [1], strides = [1]} : vector<16xi32> to vector<1xi32>
    %squeeze3A = vector.extract %slice3A[0] : i32 from vector<1xi32>
    %slice3A_32 = vector.extract_strided_slice %add3A_31 {offsets = [1], sizes = [1], strides = [1]} : vector<16xi32> to vector<1xi32>
    %squeeze3A_33 = vector.extract %slice3A_32[0] : i32 from vector<1xi32>
    %add3A_34 = arith.addi %squeeze3A, %squeeze3A_33 : i32
    %slice3A_35 = vector.extract_strided_slice %add3A_31 {offsets = [2], sizes = [1], strides = [1]} : vector<16xi32> to vector<1xi32>
    %squeeze3A_36 = vector.extract %slice3A_35[0] : i32 from vector<1xi32>
    %add3A_37 = arith.addi %add3A_34, %squeeze3A_36 : i32
    %slice3A_38 = vector.extract_strided_slice %add3A_31 {offsets = [3], sizes = [1], strides = [1]} : vector<16xi32> to vector<1xi32>
    %squeeze3A_39 = vector.extract %slice3A_38[0] : i32 from vector<1xi32>
    %add3A_40 = arith.addi %add3A_37, %squeeze3A_39 : i32
    %slice3A_41 = vector.extract_strided_slice %add3A_31 {offsets = [4], sizes = [1], strides = [1]} : vector<16xi32> to vector<1xi32>
    %squeeze3A_42 = vector.extract %slice3A_41[0] : i32 from vector<1xi32>
    %add3A_43 = arith.addi %add3A_40, %squeeze3A_42 : i32
    %slice3A_44 = vector.extract_strided_slice %add3A_31 {offsets = [5], sizes = [1], strides = [1]} : vector<16xi32> to vector<1xi32>
    %squeeze3A_45 = vector.extract %slice3A_44[0] : i32 from vector<1xi32>
    %add3A_46 = arith.addi %add3A_43, %squeeze3A_45 : i32
    %slice3A_47 = vector.extract_strided_slice %add3A_31 {offsets = [6], sizes = [1], strides = [1]} : vector<16xi32> to vector<1xi32>
    %squeeze3A_48 = vector.extract %slice3A_47[0] : i32 from vector<1xi32>
    %add3A_49 = arith.addi %add3A_46, %squeeze3A_48 : i32
    %slice3A_50 = vector.extract_strided_slice %add3A_31 {offsets = [7], sizes = [1], strides = [1]} : vector<16xi32> to vector<1xi32>
    %squeeze3A_51 = vector.extract %slice3A_50[0] : i32 from vector<1xi32>
    %add3A_52 = arith.addi %add3A_49, %squeeze3A_51 : i32
    %slice3A_53 = vector.extract_strided_slice %add3A_31 {offsets = [8], sizes = [1], strides = [1]} : vector<16xi32> to vector<1xi32>
    %squeeze3A_54 = vector.extract %slice3A_53[0] : i32 from vector<1xi32>
    %add3A_55 = arith.addi %add3A_52, %squeeze3A_54 : i32
    %slice3A_56 = vector.extract_strided_slice %add3A_31 {offsets = [9], sizes = [1], strides = [1]} : vector<16xi32> to vector<1xi32>
    %squeeze3A_57 = vector.extract %slice3A_56[0] : i32 from vector<1xi32>
    %add3A_58 = arith.addi %add3A_55, %squeeze3A_57 : i32
    %slice3A_59 = vector.extract_strided_slice %add3A_31 {offsets = [10], sizes = [1], strides = [1]} : vector<16xi32> to vector<1xi32>
    %squeeze3A_60 = vector.extract %slice3A_59[0] : i32 from vector<1xi32>
    %add3A_61 = arith.addi %add3A_58, %squeeze3A_60 : i32
    %slice3A_62 = vector.extract_strided_slice %add3A_31 {offsets = [11], sizes = [1], strides = [1]} : vector<16xi32> to vector<1xi32>
    %squeeze3A_63 = vector.extract %slice3A_62[0] : i32 from vector<1xi32>
    %add3A_64 = arith.addi %add3A_61, %squeeze3A_63 : i32
    %slice3A_65 = vector.extract_strided_slice %add3A_31 {offsets = [12], sizes = [1], strides = [1]} : vector<16xi32> to vector<1xi32>
    %squeeze3A_66 = vector.extract %slice3A_65[0] : i32 from vector<1xi32>
    %add3A_67 = arith.addi %add3A_64, %squeeze3A_66 : i32
    %slice3A_68 = vector.extract_strided_slice %add3A_31 {offsets = [13], sizes = [1], strides = [1]} : vector<16xi32> to vector<1xi32>
    %squeeze3A_69 = vector.extract %slice3A_68[0] : i32 from vector<1xi32>
    %add3A_70 = arith.addi %add3A_67, %squeeze3A_69 : i32
    %slice3A_71 = vector.extract_strided_slice %add3A_31 {offsets = [14], sizes = [1], strides = [1]} : vector<16xi32> to vector<1xi32>
    %squeeze3A_72 = vector.extract %slice3A_71[0] : i32 from vector<1xi32>
    %add3A_73 = arith.addi %add3A_70, %squeeze3A_72 : i32
    %slice3A_74 = vector.extract_strided_slice %add3A_31 {offsets = [15], sizes = [1], strides = [1]} : vector<16xi32> to vector<1xi32>
    %squeeze3A_75 = vector.extract %slice3A_74[0] : i32 from vector<1xi32>
    %add3A_76 = arith.addi %add3A_73, %squeeze3A_75 : i32
    %ge3A = arith.constant 410 : i32
    %ge3A_77 = arith.cmpi sge, %add3A_76, %ge3A : i32
    %jit3A = arith.constant 0 : i32
    %jit3A_78 = arith.constant -2147483648 : i32
    %select_n3A = arith.select %ge3A_77, %jit3A, %jit3A_78 : i32
    %scan3A_79 = arith.constant 0 : i32
    %scan3A_80 = arith.constant 31 : i32
    %scan3A_81 = arith.addi %scan3A_79, %scan3A_80 : i32
    %scan3A_82 = arith.constant 1 : i32
    %scan3A_83:2 = scf.for %scan3A_246 = %scan3A_79 to %scan3A_81 step %scan3A_82 iter_args(%scan3A_247 = %select_n3A, %scan3A_248 = %add3A_76) -> (i32, i32)  : i32 {
      %eq3A_249 = arith.constant 410 : i32
      %eq3A_250 = arith.cmpi eq, %scan3A_248, %eq3A_249 : i32
      %jit3A_251 = arith.constant 0 : i32
      %jit3A_252 = arith.constant 32 : i32
      %select_n3A_253 = arith.select %eq3A_250, %jit3A_251, %jit3A_252 : i32
      %sub3A = arith.constant 30 : i32
      %sub3A_254 = arith.subi %sub3A, %scan3A_246 : i32
      %shift_left3A = arith.constant 1 : i32
      %shift_left3A_255 = arith.shli %shift_left3A, %sub3A_254 : i32
      %or3A = arith.ori %scan3A_247, %shift_left3A_255 : i32
      %ge3A_256 = arith.constant 0 : i32
      %ge3A_257 = arith.cmpi sge, %or3A, %ge3A_256 : i32
      %xor3A_258 = arith.constant -2147483648 : i32
      %xor3A_259 = arith.xori %or3A, %xor3A_258 : i32
      %not3A_260 = arith.constant -1 : i32
      %not3A_261 = arith.xori %xor3A_259, %not3A_260 : i32
      %select_n3A_262 = arith.select %ge3A_257, %or3A, %not3A_261 : i32
      %bitcast_convert_type3A_263 = arith.bitcast %select_n3A_262 : i32 to f32
      %broadcast_in_dim3A_264 = arith.constant 0 : i32
      %broadcast_in_dim3A_265 = vector.broadcast %broadcast_in_dim3A_264 : i32 to vector<16xi32>
      %broadcast_in_dim3A_266 = arith.constant 0 : i32
      %broadcast_in_dim3A_267 = vector.broadcast %broadcast_in_dim3A_266 : i32 to vector<16xi32>
      %broadcast_in_dim3A_268 = arith.constant 0 : i32
      %broadcast_in_dim3A_269 = vector.broadcast %broadcast_in_dim3A_268 : i32 to vector<16xi32>
      %broadcast_in_dim3A_270 = arith.constant 0 : i32
      %broadcast_in_dim3A_271 = vector.broadcast %broadcast_in_dim3A_270 : i32 to vector<16xi32>
      %broadcast_in_dim3A_272 = arith.constant 0 : i32
      %broadcast_in_dim3A_273 = vector.broadcast %broadcast_in_dim3A_272 : i32 to vector<16xi32>
      %broadcast_in_dim3A_274 = arith.constant 0 : i32
      %broadcast_in_dim3A_275 = vector.broadcast %broadcast_in_dim3A_274 : i32 to vector<16xi32>
      %broadcast_in_dim3A_276 = arith.constant 0 : i32
      %broadcast_in_dim3A_277 = vector.broadcast %broadcast_in_dim3A_276 : i32 to vector<16xi32>
      %broadcast_in_dim3A_278 = arith.constant 0 : i32
      %broadcast_in_dim3A_279 = vector.broadcast %broadcast_in_dim3A_278 : i32 to vector<16xi32>
      %while3A = arith.constant 0 : i32
      %while3A_280 = arith.subi %select_n3A_253, %while3A : i32
      %while3A_281 = arith.addi %while3A, %while3A_280 : i32
      %while3A_282 = arith.constant 1 : i32
      %while3A_283 = arith.divsi %while3A_280, %while3A_282 : i32
      %while3A_284 = arith.muli %while3A_283, %while3A_282 : i32
      %while3A_285 = arith.addi %while3A, %while3A_284 : i32
      %while3A_286 = arith.constant 1 : i32
      %while3A_287:8 = scf.for %while3A_349 = %while3A to %while3A_285 step %while3A_286 iter_args(%while3A_350 = %broadcast_in_dim3A_265, %while3A_351 = %broadcast_in_dim3A_267, %while3A_352 = %broadcast_in_dim3A_269, %while3A_353 = %broadcast_in_dim3A_271, %while3A_354 = %broadcast_in_dim3A_273, %while3A_355 = %broadcast_in_dim3A_275, %while3A_356 = %broadcast_in_dim3A_277, %while3A_357 = %broadcast_in_dim3A_279) -> (vector<16xi32>, vector<16xi32>, vector<16xi32>, vector<16xi32>, vector<16xi32>, vector<16xi32>, vector<16xi32>, vector<16xi32>)  : i32 {
        %mul3A_358 = arith.constant 256 : i32
        %mul3A_359 = arith.muli %while3A_349, %mul3A_358 : i32
        %add3A_360 = arith.constant 0 : i32
        %add3A_361 = arith.addi %mul3A_359, %add3A_360 : i32
        %get3A = arith.index_cast %add3A_361 : i32 to index
        %get3A_362 = tpu.vector_load %arg4[%get3A] {strides = array<i32>} : memref<8192xf32, #tpu.memory_space<vmem>>, vector<16xf32>,
        %get3A_363 = vector.shape_cast %get3A_362 : vector<16xf32> to vector<16xf32>
        %ge3A_364 = vector.broadcast %bitcast_convert_type3A_263 : f32 to vector<16xf32>
        %ge3A_365 = arith.cmpf oge, %get3A_363, %ge3A_364 : vector<16xf32>
        %jit3A_366 = arith.constant 1 : i32
        %jit3A_367 = arith.constant 0 : i32
        %broadcast_in_dim3A_368 = vector.broadcast %jit3A_366 : i32 to vector<16xi32>
        %broadcast_in_dim3A_369 = vector.broadcast %jit3A_367 : i32 to vector<16xi32>
        %select_n3A_370 = arith.select %ge3A_365, %broadcast_in_dim3A_368, %broadcast_in_dim3A_369 : vector<16xi1>, vector<16xi32>
        %add3A_371 = arith.addi %while3A_350, %select_n3A_370 : vector<16xi32>
        %add3A_372 = arith.constant 16 : i32
        %add3A_373 = arith.addi %mul3A_359, %add3A_372 : i32
        %get3A_374 = arith.index_cast %add3A_373 : i32 to index
        %get3A_375 = tpu.vector_load %arg4[%get3A_374] {strides = array<i32>} : memref<8192xf32, #tpu.memory_space<vmem>>, vector<16xf32>,
        %get3A_376 = vector.shape_cast %get3A_375 : vector<16xf32> to vector<16xf32>
        %ge3A_377 = vector.broadcast %bitcast_convert_type3A_263 : f32 to vector<16xf32>
        %ge3A_378 = arith.cmpf oge, %get3A_376, %ge3A_377 : vector<16xf32>
        %jit3A_379 = arith.constant 1 : i32
        %jit3A_380 = arith.constant 0 : i32
        %broadcast_in_dim3A_381 = vector.broadcast %jit3A_379 : i32 to vector<16xi32>
        %broadcast_in_dim3A_382 = vector.broadcast %jit3A_380 : i32 to vector<16xi32>
        %select_n3A_383 = arith.select %ge3A_378, %broadcast_in_dim3A_381, %broadcast_in_dim3A_382 : vector<16xi1>, vector<16xi32>
        %add3A_384 = arith.addi %while3A_351, %select_n3A_383 : vector<16xi32>
        %add3A_385 = arith.constant 32 : i32
        %add3A_386 = arith.addi %mul3A_359, %add3A_385 : i32
        %get3A_387 = arith.index_cast %add3A_386 : i32 to index
        %get3A_388 = tpu.vector_load %arg4[%get3A_387] {strides = array<i32>} : memref<8192xf32, #tpu.memory_space<vmem>>, vector<16xf32>,
        %get3A_389 = vector.shape_cast %get3A_388 : vector<16xf32> to vector<16xf32>
        %ge3A_390 = vector.broadcast %bitcast_convert_type3A_263 : f32 to vector<16xf32>
        %ge3A_391 = arith.cmpf oge, %get3A_389, %ge3A_390 : vector<16xf32>
        %jit3A_392 = arith.constant 1 : i32
        %jit3A_393 = arith.constant 0 : i32
        %broadcast_in_dim3A_394 = vector.broadcast %jit3A_392 : i32 to vector<16xi32>
        %broadcast_in_dim3A_395 = vector.broadcast %jit3A_393 : i32 to vector<16xi32>
        %select_n3A_396 = arith.select %ge3A_391, %broadcast_in_dim3A_394, %broadcast_in_dim3A_395 : vector<16xi1>, vector<16xi32>
        %add3A_397 = arith.addi %while3A_352, %select_n3A_396 : vector<16xi32>
        %add3A_398 = arith.constant 48 : i32
        %add3A_399 = arith.addi %mul3A_359, %add3A_398 : i32
        %get3A_400 = arith.index_cast %add3A_399 : i32 to index
        %get3A_401 = tpu.vector_load %arg4[%get3A_400] {strides = array<i32>} : memref<8192xf32, #tpu.memory_space<vmem>>, vector<16xf32>,
        %get3A_402 = vector.shape_cast %get3A_401 : vector<16xf32> to vector<16xf32>
        %ge3A_403 = vector.broadcast %bitcast_convert_type3A_263 : f32 to vector<16xf32>
        %ge3A_404 = arith.cmpf oge, %get3A_402, %ge3A_403 : vector<16xf32>
        %jit3A_405 = arith.constant 1 : i32
        %jit3A_406 = arith.constant 0 : i32
        %broadcast_in_dim3A_407 = vector.broadcast %jit3A_405 : i32 to vector<16xi32>
        %broadcast_in_dim3A_408 = vector.broadcast %jit3A_406 : i32 to vector<16xi32>
        %select_n3A_409 = arith.select %ge3A_404, %broadcast_in_dim3A_407, %broadcast_in_dim3A_408 : vector<16xi1>, vector<16xi32>
        %add3A_410 = arith.addi %while3A_353, %select_n3A_409 : vector<16xi32>
        %add3A_411 = arith.constant 64 : i32
        %add3A_412 = arith.addi %mul3A_359, %add3A_411 : i32
        %get3A_413 = arith.index_cast %add3A_412 : i32 to index
        %get3A_414 = tpu.vector_load %arg4[%get3A_413] {strides = array<i32>} : memref<8192xf32, #tpu.memory_space<vmem>>, vector<16xf32>,
        %get3A_415 = vector.shape_cast %get3A_414 : vector<16xf32> to vector<16xf32>
        %ge3A_416 = vector.broadcast %bitcast_convert_type3A_263 : f32 to vector<16xf32>
        %ge3A_417 = arith.cmpf oge, %get3A_415, %ge3A_416 : vector<16xf32>
        %jit3A_418 = arith.constant 1 : i32
        %jit3A_419 = arith.constant 0 : i32
        %broadcast_in_dim3A_420 = vector.broadcast %jit3A_418 : i32 to vector<16xi32>
        %broadcast_in_dim3A_421 = vector.broadcast %jit3A_419 : i32 to vector<16xi32>
        %select_n3A_422 = arith.select %ge3A_417, %broadcast_in_dim3A_420, %broadcast_in_dim3A_421 : vector<16xi1>, vector<16xi32>
        %add3A_423 = arith.addi %while3A_354, %select_n3A_422 : vector<16xi32>
        %add3A_424 = arith.constant 80 : i32
        %add3A_425 = arith.addi %mul3A_359, %add3A_424 : i32
        %get3A_426 = arith.index_cast %add3A_425 : i32 to index
        %get3A_427 = tpu.vector_load %arg4[%get3A_426] {strides = array<i32>} : memref<8192xf32, #tpu.memory_space<vmem>>, vector<16xf32>,
        %get3A_428 = vector.shape_cast %get3A_427 : vector<16xf32> to vector<16xf32>
        %ge3A_429 = vector.broadcast %bitcast_convert_type3A_263 : f32 to vector<16xf32>
        %ge3A_430 = arith.cmpf oge, %get3A_428, %ge3A_429 : vector<16xf32>
        %jit3A_431 = arith.constant 1 : i32
        %jit3A_432 = arith.constant 0 : i32
        %broadcast_in_dim3A_433 = vector.broadcast %jit3A_431 : i32 to vector<16xi32>
        %broadcast_in_dim3A_434 = vector.broadcast %jit3A_432 : i32 to vector<16xi32>
        %select_n3A_435 = arith.select %ge3A_430, %broadcast_in_dim3A_433, %broadcast_in_dim3A_434 : vector<16xi1>, vector<16xi32>
        %add3A_436 = arith.addi %while3A_355, %select_n3A_435 : vector<16xi32>
        %add3A_437 = arith.constant 96 : i32
        %add3A_438 = arith.addi %mul3A_359, %add3A_437 : i32
        %get3A_439 = arith.index_cast %add3A_438 : i32 to index
        %get3A_440 = tpu.vector_load %arg4[%get3A_439] {strides = array<i32>} : memref<8192xf32, #tpu.memory_space<vmem>>, vector<16xf32>,
        %get3A_441 = vector.shape_cast %get3A_440 : vector<16xf32> to vector<16xf32>
        %ge3A_442 = vector.broadcast %bitcast_convert_type3A_263 : f32 to vector<16xf32>
        %ge3A_443 = arith.cmpf oge, %get3A_441, %ge3A_442 : vector<16xf32>
        %jit3A_444 = arith.constant 1 : i32
        %jit3A_445 = arith.constant 0 : i32
        %broadcast_in_dim3A_446 = vector.broadcast %jit3A_444 : i32 to vector<16xi32>
        %broadcast_in_dim3A_447 = vector.broadcast %jit3A_445 : i32 to vector<16xi32>
        %select_n3A_448 = arith.select %ge3A_443, %broadcast_in_dim3A_446, %broadcast_in_dim3A_447 : vector<16xi1>, vector<16xi32>
        %add3A_449 = arith.addi %while3A_356, %select_n3A_448 : vector<16xi32>
        %add3A_450 = arith.constant 112 : i32
        %add3A_451 = arith.addi %mul3A_359, %add3A_450 : i32
        %get3A_452 = arith.index_cast %add3A_451 : i32 to index
        %get3A_453 = tpu.vector_load %arg4[%get3A_452] {strides = array<i32>} : memref<8192xf32, #tpu.memory_space<vmem>>, vector<16xf32>,
        %get3A_454 = vector.shape_cast %get3A_453 : vector<16xf32> to vector<16xf32>
        %ge3A_455 = vector.broadcast %bitcast_convert_type3A_263 : f32 to vector<16xf32>
        %ge3A_456 = arith.cmpf oge, %get3A_454, %ge3A_455 : vector<16xf32>
        %jit3A_457 = arith.constant 1 : i32
        %jit3A_458 = arith.constant 0 : i32
        %broadcast_in_dim3A_459 = vector.broadcast %jit3A_457 : i32 to vector<16xi32>
        %broadcast_in_dim3A_460 = vector.broadcast %jit3A_458 : i32 to vector<16xi32>
        %select_n3A_461 = arith.select %ge3A_456, %broadcast_in_dim3A_459, %broadcast_in_dim3A_460 : vector<16xi1>, vector<16xi32>
        %add3A_462 = arith.addi %while3A_357, %select_n3A_461 : vector<16xi32>
        %add3A_463 = arith.constant 128 : i32
        %add3A_464 = arith.addi %mul3A_359, %add3A_463 : i32
        %get3A_465 = arith.index_cast %add3A_464 : i32 to index
        %get3A_466 = tpu.vector_load %arg4[%get3A_465] {strides = array<i32>} : memref<8192xf32, #tpu.memory_space<vmem>>, vector<16xf32>,
        %get3A_467 = vector.shape_cast %get3A_466 : vector<16xf32> to vector<16xf32>
        %ge3A_468 = vector.broadcast %bitcast_convert_type3A_263 : f32 to vector<16xf32>
        %ge3A_469 = arith.cmpf oge, %get3A_467, %ge3A_468 : vector<16xf32>
        %jit3A_470 = arith.constant 1 : i32
        %jit3A_471 = arith.constant 0 : i32
        %broadcast_in_dim3A_472 = vector.broadcast %jit3A_470 : i32 to vector<16xi32>
        %broadcast_in_dim3A_473 = vector.broadcast %jit3A_471 : i32 to vector<16xi32>
        %select_n3A_474 = arith.select %ge3A_469, %broadcast_in_dim3A_472, %broadcast_in_dim3A_473 : vector<16xi1>, vector<16xi32>
        %add3A_475 = arith.addi %add3A_371, %select_n3A_474 : vector<16xi32>
        %add3A_476 = arith.constant 144 : i32
        %add3A_477 = arith.addi %mul3A_359, %add3A_476 : i32
        %get3A_478 = arith.index_cast %add3A_477 : i32 to index
        %get3A_479 = tpu.vector_load %arg4[%get3A_478] {strides = array<i32>} : memref<8192xf32, #tpu.memory_space<vmem>>, vector<16xf32>,
        %get3A_480 = vector.shape_cast %get3A_479 : vector<16xf32> to vector<16xf32>
        %ge3A_481 = vector.broadcast %bitcast_convert_type3A_263 : f32 to vector<16xf32>
        %ge3A_482 = arith.cmpf oge, %get3A_480, %ge3A_481 : vector<16xf32>
        %jit3A_483 = arith.constant 1 : i32
        %jit3A_484 = arith.constant 0 : i32
        %broadcast_in_dim3A_485 = vector.broadcast %jit3A_483 : i32 to vector<16xi32>
        %broadcast_in_dim3A_486 = vector.broadcast %jit3A_484 : i32 to vector<16xi32>
        %select_n3A_487 = arith.select %ge3A_482, %broadcast_in_dim3A_485, %broadcast_in_dim3A_486 : vector<16xi1>, vector<16xi32>
        %add3A_488 = arith.addi %add3A_384, %select_n3A_487 : vector<16xi32>
        %add3A_489 = arith.constant 160 : i32
        %add3A_490 = arith.addi %mul3A_359, %add3A_489 : i32
        %get3A_491 = arith.index_cast %add3A_490 : i32 to index
        %get3A_492 = tpu.vector_load %arg4[%get3A_491] {strides = array<i32>} : memref<8192xf32, #tpu.memory_space<vmem>>, vector<16xf32>,
        %get3A_493 = vector.shape_cast %get3A_492 : vector<16xf32> to vector<16xf32>
        %ge3A_494 = vector.broadcast %bitcast_convert_type3A_263 : f32 to vector<16xf32>
        %ge3A_495 = arith.cmpf oge, %get3A_493, %ge3A_494 : vector<16xf32>
        %jit3A_496 = arith.constant 1 : i32
        %jit3A_497 = arith.constant 0 : i32
        %broadcast_in_dim3A_498 = vector.broadcast %jit3A_496 : i32 to vector<16xi32>
        %broadcast_in_dim3A_499 = vector.broadcast %jit3A_497 : i32 to vector<16xi32>
        %select_n3A_500 = arith.select %ge3A_495, %broadcast_in_dim3A_498, %broadcast_in_dim3A_499 : vector<16xi1>, vector<16xi32>
        %add3A_501 = arith.addi %add3A_397, %select_n3A_500 : vector<16xi32>
        %add3A_502 = arith.constant 176 : i32
        %add3A_503 = arith.addi %mul3A_359, %add3A_502 : i32
        %get3A_504 = arith.index_cast %add3A_503 : i32 to index
        %get3A_505 = tpu.vector_load %arg4[%get3A_504] {strides = array<i32>} : memref<8192xf32, #tpu.memory_space<vmem>>, vector<16xf32>,
        %get3A_506 = vector.shape_cast %get3A_505 : vector<16xf32> to vector<16xf32>
        %ge3A_507 = vector.broadcast %bitcast_convert_type3A_263 : f32 to vector<16xf32>
        %ge3A_508 = arith.cmpf oge, %get3A_506, %ge3A_507 : vector<16xf32>
        %jit3A_509 = arith.constant 1 : i32
        %jit3A_510 = arith.constant 0 : i32
        %broadcast_in_dim3A_511 = vector.broadcast %jit3A_509 : i32 to vector<16xi32>
        %broadcast_in_dim3A_512 = vector.broadcast %jit3A_510 : i32 to vector<16xi32>
        %select_n3A_513 = arith.select %ge3A_508, %broadcast_in_dim3A_511, %broadcast_in_dim3A_512 : vector<16xi1>, vector<16xi32>
        %add3A_514 = arith.addi %add3A_410, %select_n3A_513 : vector<16xi32>
        %add3A_515 = arith.constant 192 : i32
        %add3A_516 = arith.addi %mul3A_359, %add3A_515 : i32
        %get3A_517 = arith.index_cast %add3A_516 : i32 to index
        %get3A_518 = tpu.vector_load %arg4[%get3A_517] {strides = array<i32>} : memref<8192xf32, #tpu.memory_space<vmem>>, vector<16xf32>,
        %get3A_519 = vector.shape_cast %get3A_518 : vector<16xf32> to vector<16xf32>
        %ge3A_520 = vector.broadcast %bitcast_convert_type3A_263 : f32 to vector<16xf32>
        %ge3A_521 = arith.cmpf oge, %get3A_519, %ge3A_520 : vector<16xf32>
        %jit3A_522 = arith.constant 1 : i32
        %jit3A_523 = arith.constant 0 : i32
        %broadcast_in_dim3A_524 = vector.broadcast %jit3A_522 : i32 to vector<16xi32>
        %broadcast_in_dim3A_525 = vector.broadcast %jit3A_523 : i32 to vector<16xi32>
        %select_n3A_526 = arith.select %ge3A_521, %broadcast_in_dim3A_524, %broadcast_in_dim3A_525 : vector<16xi1>, vector<16xi32>
        %add3A_527 = arith.addi %add3A_423, %select_n3A_526 : vector<16xi32>
        %add3A_528 = arith.constant 208 : i32
        %add3A_529 = arith.addi %mul3A_359, %add3A_528 : i32
        %get3A_530 = arith.index_cast %add3A_529 : i32 to index
        %get3A_531 = tpu.vector_load %arg4[%get3A_530] {strides = array<i32>} : memref<8192xf32, #tpu.memory_space<vmem>>, vector<16xf32>,
        %get3A_532 = vector.shape_cast %get3A_531 : vector<16xf32> to vector<16xf32>
        %ge3A_533 = vector.broadcast %bitcast_convert_type3A_263 : f32 to vector<16xf32>
        %ge3A_534 = arith.cmpf oge, %get3A_532, %ge3A_533 : vector<16xf32>
        %jit3A_535 = arith.constant 1 : i32
        %jit3A_536 = arith.constant 0 : i32
        %broadcast_in_dim3A_537 = vector.broadcast %jit3A_535 : i32 to vector<16xi32>
        %broadcast_in_dim3A_538 = vector.broadcast %jit3A_536 : i32 to vector<16xi32>
        %select_n3A_539 = arith.select %ge3A_534, %broadcast_in_dim3A_537, %broadcast_in_dim3A_538 : vector<16xi1>, vector<16xi32>
        %add3A_540 = arith.addi %add3A_436, %select_n3A_539 : vector<16xi32>
        %add3A_541 = arith.constant 224 : i32
        %add3A_542 = arith.addi %mul3A_359, %add3A_541 : i32
        %get3A_543 = arith.index_cast %add3A_542 : i32 to index
        %get3A_544 = tpu.vector_load %arg4[%get3A_543] {strides = array<i32>} : memref<8192xf32, #tpu.memory_space<vmem>>, vector<16xf32>,
        %get3A_545 = vector.shape_cast %get3A_544 : vector<16xf32> to vector<16xf32>
        %ge3A_546 = vector.broadcast %bitcast_convert_type3A_263 : f32 to vector<16xf32>
        %ge3A_547 = arith.cmpf oge, %get3A_545, %ge3A_546 : vector<16xf32>
        %jit3A_548 = arith.constant 1 : i32
        %jit3A_549 = arith.constant 0 : i32
        %broadcast_in_dim3A_550 = vector.broadcast %jit3A_548 : i32 to vector<16xi32>
        %broadcast_in_dim3A_551 = vector.broadcast %jit3A_549 : i32 to vector<16xi32>
        %select_n3A_552 = arith.select %ge3A_547, %broadcast_in_dim3A_550, %broadcast_in_dim3A_551 : vector<16xi1>, vector<16xi32>
        %add3A_553 = arith.addi %add3A_449, %select_n3A_552 : vector<16xi32>
        %add3A_554 = arith.constant 240 : i32
        %add3A_555 = arith.addi %mul3A_359, %add3A_554 : i32
        %get3A_556 = arith.index_cast %add3A_555 : i32 to index
        %get3A_557 = tpu.vector_load %arg4[%get3A_556] {strides = array<i32>} : memref<8192xf32, #tpu.memory_space<vmem>>, vector<16xf32>,
        %get3A_558 = vector.shape_cast %get3A_557 : vector<16xf32> to vector<16xf32>
        %ge3A_559 = vector.broadcast %bitcast_convert_type3A_263 : f32 to vector<16xf32>
        %ge3A_560 = arith.cmpf oge, %get3A_558, %ge3A_559 : vector<16xf32>
        %jit3A_561 = arith.constant 1 : i32
        %jit3A_562 = arith.constant 0 : i32
        %broadcast_in_dim3A_563 = vector.broadcast %jit3A_561 : i32 to vector<16xi32>
        %broadcast_in_dim3A_564 = vector.broadcast %jit3A_562 : i32 to vector<16xi32>
        %select_n3A_565 = arith.select %ge3A_560, %broadcast_in_dim3A_563, %broadcast_in_dim3A_564 : vector<16xi1>, vector<16xi32>
        %add3A_566 = arith.addi %add3A_462, %select_n3A_565 : vector<16xi32>
        scf.yield %add3A_475, %add3A_488, %add3A_501, %add3A_514, %add3A_527, %add3A_540, %add3A_553, %add3A_566 : vector<16xi32>, vector<16xi32>, vector<16xi32>, vector<16xi32>, vector<16xi32>, vector<16xi32>, vector<16xi32>, vector<16xi32>
      }
      %while3A_288 = arith.constant 1 : i32
      %while3A_289:8 = scf.for %while3A_349 = %while3A_285 to %while3A_281 step %while3A_288 iter_args(%while3A_350 = %while3A_287#0, %while3A_351 = %while3A_287#1, %while3A_352 = %while3A_287#2, %while3A_353 = %while3A_287#3, %while3A_354 = %while3A_287#4, %while3A_355 = %while3A_287#5, %while3A_356 = %while3A_287#6, %while3A_357 = %while3A_287#7) -> (vector<16xi32>, vector<16xi32>, vector<16xi32>, vector<16xi32>, vector<16xi32>, vector<16xi32>, vector<16xi32>, vector<16xi32>)  : i32 {
        %mul3A_358 = arith.constant 256 : i32
        %mul3A_359 = arith.muli %while3A_349, %mul3A_358 : i32
        %add3A_360 = arith.constant 0 : i32
        %add3A_361 = arith.addi %mul3A_359, %add3A_360 : i32
        %get3A = arith.index_cast %add3A_361 : i32 to index
        %get3A_362 = tpu.vector_load %arg4[%get3A] {strides = array<i32>} : memref<8192xf32, #tpu.memory_space<vmem>>, vector<16xf32>,
        %get3A_363 = vector.shape_cast %get3A_362 : vector<16xf32> to vector<16xf32>
        %ge3A_364 = vector.broadcast %bitcast_convert_type3A_263 : f32 to vector<16xf32>
        %ge3A_365 = arith.cmpf oge, %get3A_363, %ge3A_364 : vector<16xf32>
        %jit3A_366 = arith.constant 1 : i32
        %jit3A_367 = arith.constant 0 : i32
        %broadcast_in_dim3A_368 = vector.broadcast %jit3A_366 : i32 to vector<16xi32>
        %broadcast_in_dim3A_369 = vector.broadcast %jit3A_367 : i32 to vector<16xi32>
        %select_n3A_370 = arith.select %ge3A_365, %broadcast_in_dim3A_368, %broadcast_in_dim3A_369 : vector<16xi1>, vector<16xi32>
        %add3A_371 = arith.addi %while3A_350, %select_n3A_370 : vector<16xi32>
        %add3A_372 = arith.constant 16 : i32
        %add3A_373 = arith.addi %mul3A_359, %add3A_372 : i32
        %get3A_374 = arith.index_cast %add3A_373 : i32 to index
        %get3A_375 = tpu.vector_load %arg4[%get3A_374] {strides = array<i32>} : memref<8192xf32, #tpu.memory_space<vmem>>, vector<16xf32>,
        %get3A_376 = vector.shape_cast %get3A_375 : vector<16xf32> to vector<16xf32>
        %ge3A_377 = vector.broadcast %bitcast_convert_type3A_263 : f32 to vector<16xf32>
        %ge3A_378 = arith.cmpf oge, %get3A_376, %ge3A_377 : vector<16xf32>
        %jit3A_379 = arith.constant 1 : i32
        %jit3A_380 = arith.constant 0 : i32
        %broadcast_in_dim3A_381 = vector.broadcast %jit3A_379 : i32 to vector<16xi32>
        %broadcast_in_dim3A_382 = vector.broadcast %jit3A_380 : i32 to vector<16xi32>
        %select_n3A_383 = arith.select %ge3A_378, %broadcast_in_dim3A_381, %broadcast_in_dim3A_382 : vector<16xi1>, vector<16xi32>
        %add3A_384 = arith.addi %while3A_351, %select_n3A_383 : vector<16xi32>
        %add3A_385 = arith.constant 32 : i32
        %add3A_386 = arith.addi %mul3A_359, %add3A_385 : i32
        %get3A_387 = arith.index_cast %add3A_386 : i32 to index
        %get3A_388 = tpu.vector_load %arg4[%get3A_387] {strides = array<i32>} : memref<8192xf32, #tpu.memory_space<vmem>>, vector<16xf32>,
        %get3A_389 = vector.shape_cast %get3A_388 : vector<16xf32> to vector<16xf32>
        %ge3A_390 = vector.broadcast %bitcast_convert_type3A_263 : f32 to vector<16xf32>
        %ge3A_391 = arith.cmpf oge, %get3A_389, %ge3A_390 : vector<16xf32>
        %jit3A_392 = arith.constant 1 : i32
        %jit3A_393 = arith.constant 0 : i32
        %broadcast_in_dim3A_394 = vector.broadcast %jit3A_392 : i32 to vector<16xi32>
        %broadcast_in_dim3A_395 = vector.broadcast %jit3A_393 : i32 to vector<16xi32>
        %select_n3A_396 = arith.select %ge3A_391, %broadcast_in_dim3A_394, %broadcast_in_dim3A_395 : vector<16xi1>, vector<16xi32>
        %add3A_397 = arith.addi %while3A_352, %select_n3A_396 : vector<16xi32>
        %add3A_398 = arith.constant 48 : i32
        %add3A_399 = arith.addi %mul3A_359, %add3A_398 : i32
        %get3A_400 = arith.index_cast %add3A_399 : i32 to index
        %get3A_401 = tpu.vector_load %arg4[%get3A_400] {strides = array<i32>} : memref<8192xf32, #tpu.memory_space<vmem>>, vector<16xf32>,
        %get3A_402 = vector.shape_cast %get3A_401 : vector<16xf32> to vector<16xf32>
        %ge3A_403 = vector.broadcast %bitcast_convert_type3A_263 : f32 to vector<16xf32>
        %ge3A_404 = arith.cmpf oge, %get3A_402, %ge3A_403 : vector<16xf32>
        %jit3A_405 = arith.constant 1 : i32
        %jit3A_406 = arith.constant 0 : i32
        %broadcast_in_dim3A_407 = vector.broadcast %jit3A_405 : i32 to vector<16xi32>
        %broadcast_in_dim3A_408 = vector.broadcast %jit3A_406 : i32 to vector<16xi32>
        %select_n3A_409 = arith.select %ge3A_404, %broadcast_in_dim3A_407, %broadcast_in_dim3A_408 : vector<16xi1>, vector<16xi32>
        %add3A_410 = arith.addi %while3A_353, %select_n3A_409 : vector<16xi32>
        %add3A_411 = arith.constant 64 : i32
        %add3A_412 = arith.addi %mul3A_359, %add3A_411 : i32
        %get3A_413 = arith.index_cast %add3A_412 : i32 to index
        %get3A_414 = tpu.vector_load %arg4[%get3A_413] {strides = array<i32>} : memref<8192xf32, #tpu.memory_space<vmem>>, vector<16xf32>,
        %get3A_415 = vector.shape_cast %get3A_414 : vector<16xf32> to vector<16xf32>
        %ge3A_416 = vector.broadcast %bitcast_convert_type3A_263 : f32 to vector<16xf32>
        %ge3A_417 = arith.cmpf oge, %get3A_415, %ge3A_416 : vector<16xf32>
        %jit3A_418 = arith.constant 1 : i32
        %jit3A_419 = arith.constant 0 : i32
        %broadcast_in_dim3A_420 = vector.broadcast %jit3A_418 : i32 to vector<16xi32>
        %broadcast_in_dim3A_421 = vector.broadcast %jit3A_419 : i32 to vector<16xi32>
        %select_n3A_422 = arith.select %ge3A_417, %broadcast_in_dim3A_420, %broadcast_in_dim3A_421 : vector<16xi1>, vector<16xi32>
        %add3A_423 = arith.addi %while3A_354, %select_n3A_422 : vector<16xi32>
        %add3A_424 = arith.constant 80 : i32
        %add3A_425 = arith.addi %mul3A_359, %add3A_424 : i32
        %get3A_426 = arith.index_cast %add3A_425 : i32 to index
        %get3A_427 = tpu.vector_load %arg4[%get3A_426] {strides = array<i32>} : memref<8192xf32, #tpu.memory_space<vmem>>, vector<16xf32>,
        %get3A_428 = vector.shape_cast %get3A_427 : vector<16xf32> to vector<16xf32>
        %ge3A_429 = vector.broadcast %bitcast_convert_type3A_263 : f32 to vector<16xf32>
        %ge3A_430 = arith.cmpf oge, %get3A_428, %ge3A_429 : vector<16xf32>
        %jit3A_431 = arith.constant 1 : i32
        %jit3A_432 = arith.constant 0 : i32
        %broadcast_in_dim3A_433 = vector.broadcast %jit3A_431 : i32 to vector<16xi32>
        %broadcast_in_dim3A_434 = vector.broadcast %jit3A_432 : i32 to vector<16xi32>
        %select_n3A_435 = arith.select %ge3A_430, %broadcast_in_dim3A_433, %broadcast_in_dim3A_434 : vector<16xi1>, vector<16xi32>
        %add3A_436 = arith.addi %while3A_355, %select_n3A_435 : vector<16xi32>
        %add3A_437 = arith.constant 96 : i32
        %add3A_438 = arith.addi %mul3A_359, %add3A_437 : i32
        %get3A_439 = arith.index_cast %add3A_438 : i32 to index
        %get3A_440 = tpu.vector_load %arg4[%get3A_439] {strides = array<i32>} : memref<8192xf32, #tpu.memory_space<vmem>>, vector<16xf32>,
        %get3A_441 = vector.shape_cast %get3A_440 : vector<16xf32> to vector<16xf32>
        %ge3A_442 = vector.broadcast %bitcast_convert_type3A_263 : f32 to vector<16xf32>
        %ge3A_443 = arith.cmpf oge, %get3A_441, %ge3A_442 : vector<16xf32>
        %jit3A_444 = arith.constant 1 : i32
        %jit3A_445 = arith.constant 0 : i32
        %broadcast_in_dim3A_446 = vector.broadcast %jit3A_444 : i32 to vector<16xi32>
        %broadcast_in_dim3A_447 = vector.broadcast %jit3A_445 : i32 to vector<16xi32>
        %select_n3A_448 = arith.select %ge3A_443, %broadcast_in_dim3A_446, %broadcast_in_dim3A_447 : vector<16xi1>, vector<16xi32>
        %add3A_449 = arith.addi %while3A_356, %select_n3A_448 : vector<16xi32>
        %add3A_450 = arith.constant 112 : i32
        %add3A_451 = arith.addi %mul3A_359, %add3A_450 : i32
        %get3A_452 = arith.index_cast %add3A_451 : i32 to index
        %get3A_453 = tpu.vector_load %arg4[%get3A_452] {strides = array<i32>} : memref<8192xf32, #tpu.memory_space<vmem>>, vector<16xf32>,
        %get3A_454 = vector.shape_cast %get3A_453 : vector<16xf32> to vector<16xf32>
        %ge3A_455 = vector.broadcast %bitcast_convert_type3A_263 : f32 to vector<16xf32>
        %ge3A_456 = arith.cmpf oge, %get3A_454, %ge3A_455 : vector<16xf32>
        %jit3A_457 = arith.constant 1 : i32
        %jit3A_458 = arith.constant 0 : i32
        %broadcast_in_dim3A_459 = vector.broadcast %jit3A_457 : i32 to vector<16xi32>
        %broadcast_in_dim3A_460 = vector.broadcast %jit3A_458 : i32 to vector<16xi32>
        %select_n3A_461 = arith.select %ge3A_456, %broadcast_in_dim3A_459, %broadcast_in_dim3A_460 : vector<16xi1>, vector<16xi32>
        %add3A_462 = arith.addi %while3A_357, %select_n3A_461 : vector<16xi32>
        %add3A_463 = arith.constant 128 : i32
        %add3A_464 = arith.addi %mul3A_359, %add3A_463 : i32
        %get3A_465 = arith.index_cast %add3A_464 : i32 to index
        %get3A_466 = tpu.vector_load %arg4[%get3A_465] {strides = array<i32>} : memref<8192xf32, #tpu.memory_space<vmem>>, vector<16xf32>,
        %get3A_467 = vector.shape_cast %get3A_466 : vector<16xf32> to vector<16xf32>
        %ge3A_468 = vector.broadcast %bitcast_convert_type3A_263 : f32 to vector<16xf32>
        %ge3A_469 = arith.cmpf oge, %get3A_467, %ge3A_468 : vector<16xf32>
        %jit3A_470 = arith.constant 1 : i32
        %jit3A_471 = arith.constant 0 : i32
        %broadcast_in_dim3A_472 = vector.broadcast %jit3A_470 : i32 to vector<16xi32>
        %broadcast_in_dim3A_473 = vector.broadcast %jit3A_471 : i32 to vector<16xi32>
        %select_n3A_474 = arith.select %ge3A_469, %broadcast_in_dim3A_472, %broadcast_in_dim3A_473 : vector<16xi1>, vector<16xi32>
        %add3A_475 = arith.addi %add3A_371, %select_n3A_474 : vector<16xi32>
        %add3A_476 = arith.constant 144 : i32
        %add3A_477 = arith.addi %mul3A_359, %add3A_476 : i32
        %get3A_478 = arith.index_cast %add3A_477 : i32 to index
        %get3A_479 = tpu.vector_load %arg4[%get3A_478] {strides = array<i32>} : memref<8192xf32, #tpu.memory_space<vmem>>, vector<16xf32>,
        %get3A_480 = vector.shape_cast %get3A_479 : vector<16xf32> to vector<16xf32>
        %ge3A_481 = vector.broadcast %bitcast_convert_type3A_263 : f32 to vector<16xf32>
        %ge3A_482 = arith.cmpf oge, %get3A_480, %ge3A_481 : vector<16xf32>
        %jit3A_483 = arith.constant 1 : i32
        %jit3A_484 = arith.constant 0 : i32
        %broadcast_in_dim3A_485 = vector.broadcast %jit3A_483 : i32 to vector<16xi32>
        %broadcast_in_dim3A_486 = vector.broadcast %jit3A_484 : i32 to vector<16xi32>
        %select_n3A_487 = arith.select %ge3A_482, %broadcast_in_dim3A_485, %broadcast_in_dim3A_486 : vector<16xi1>, vector<16xi32>
        %add3A_488 = arith.addi %add3A_384, %select_n3A_487 : vector<16xi32>
        %add3A_489 = arith.constant 160 : i32
        %add3A_490 = arith.addi %mul3A_359, %add3A_489 : i32
        %get3A_491 = arith.index_cast %add3A_490 : i32 to index
        %get3A_492 = tpu.vector_load %arg4[%get3A_491] {strides = array<i32>} : memref<8192xf32, #tpu.memory_space<vmem>>, vector<16xf32>,
        %get3A_493 = vector.shape_cast %get3A_492 : vector<16xf32> to vector<16xf32>
        %ge3A_494 = vector.broadcast %bitcast_convert_type3A_263 : f32 to vector<16xf32>
        %ge3A_495 = arith.cmpf oge, %get3A_493, %ge3A_494 : vector<16xf32>
        %jit3A_496 = arith.constant 1 : i32
        %jit3A_497 = arith.constant 0 : i32
        %broadcast_in_dim3A_498 = vector.broadcast %jit3A_496 : i32 to vector<16xi32>
        %broadcast_in_dim3A_499 = vector.broadcast %jit3A_497 : i32 to vector<16xi32>
        %select_n3A_500 = arith.select %ge3A_495, %broadcast_in_dim3A_498, %broadcast_in_dim3A_499 : vector<16xi1>, vector<16xi32>
        %add3A_501 = arith.addi %add3A_397, %select_n3A_500 : vector<16xi32>
        %add3A_502 = arith.constant 176 : i32
        %add3A_503 = arith.addi %mul3A_359, %add3A_502 : i32
        %get3A_504 = arith.index_cast %add3A_503 : i32 to index
        %get3A_505 = tpu.vector_load %arg4[%get3A_504] {strides = array<i32>} : memref<8192xf32, #tpu.memory_space<vmem>>, vector<16xf32>,
        %get3A_506 = vector.shape_cast %get3A_505 : vector<16xf32> to vector<16xf32>
        %ge3A_507 = vector.broadcast %bitcast_convert_type3A_263 : f32 to vector<16xf32>
        %ge3A_508 = arith.cmpf oge, %get3A_506, %ge3A_507 : vector<16xf32>
        %jit3A_509 = arith.constant 1 : i32
        %jit3A_510 = arith.constant 0 : i32
        %broadcast_in_dim3A_511 = vector.broadcast %jit3A_509 : i32 to vector<16xi32>
        %broadcast_in_dim3A_512 = vector.broadcast %jit3A_510 : i32 to vector<16xi32>
        %select_n3A_513 = arith.select %ge3A_508, %broadcast_in_dim3A_511, %broadcast_in_dim3A_512 : vector<16xi1>, vector<16xi32>
        %add3A_514 = arith.addi %add3A_410, %select_n3A_513 : vector<16xi32>
        %add3A_515 = arith.constant 192 : i32
        %add3A_516 = arith.addi %mul3A_359, %add3A_515 : i32
        %get3A_517 = arith.index_cast %add3A_516 : i32 to index
        %get3A_518 = tpu.vector_load %arg4[%get3A_517] {strides = array<i32>} : memref<8192xf32, #tpu.memory_space<vmem>>, vector<16xf32>,
        %get3A_519 = vector.shape_cast %get3A_518 : vector<16xf32> to vector<16xf32>
        %ge3A_520 = vector.broadcast %bitcast_convert_type3A_263 : f32 to vector<16xf32>
        %ge3A_521 = arith.cmpf oge, %get3A_519, %ge3A_520 : vector<16xf32>
        %jit3A_522 = arith.constant 1 : i32
        %jit3A_523 = arith.constant 0 : i32
        %broadcast_in_dim3A_524 = vector.broadcast %jit3A_522 : i32 to vector<16xi32>
        %broadcast_in_dim3A_525 = vector.broadcast %jit3A_523 : i32 to vector<16xi32>
        %select_n3A_526 = arith.select %ge3A_521, %broadcast_in_dim3A_524, %broadcast_in_dim3A_525 : vector<16xi1>, vector<16xi32>
        %add3A_527 = arith.addi %add3A_423, %select_n3A_526 : vector<16xi32>
        %add3A_528 = arith.constant 208 : i32
        %add3A_529 = arith.addi %mul3A_359, %add3A_528 : i32
        %get3A_530 = arith.index_cast %add3A_529 : i32 to index
        %get3A_531 = tpu.vector_load %arg4[%get3A_530] {strides = array<i32>} : memref<8192xf32, #tpu.memory_space<vmem>>, vector<16xf32>,
        %get3A_532 = vector.shape_cast %get3A_531 : vector<16xf32> to vector<16xf32>
        %ge3A_533 = vector.broadcast %bitcast_convert_type3A_263 : f32 to vector<16xf32>
        %ge3A_534 = arith.cmpf oge, %get3A_532, %ge3A_533 : vector<16xf32>
        %jit3A_535 = arith.constant 1 : i32
        %jit3A_536 = arith.constant 0 : i32
        %broadcast_in_dim3A_537 = vector.broadcast %jit3A_535 : i32 to vector<16xi32>
        %broadcast_in_dim3A_538 = vector.broadcast %jit3A_536 : i32 to vector<16xi32>
        %select_n3A_539 = arith.select %ge3A_534, %broadcast_in_dim3A_537, %broadcast_in_dim3A_538 : vector<16xi1>, vector<16xi32>
        %add3A_540 = arith.addi %add3A_436, %select_n3A_539 : vector<16xi32>
        %add3A_541 = arith.constant 224 : i32
        %add3A_542 = arith.addi %mul3A_359, %add3A_541 : i32
        %get3A_543 = arith.index_cast %add3A_542 : i32 to index
        %get3A_544 = tpu.vector_load %arg4[%get3A_543] {strides = array<i32>} : memref<8192xf32, #tpu.memory_space<vmem>>, vector<16xf32>,
        %get3A_545 = vector.shape_cast %get3A_544 : vector<16xf32> to vector<16xf32>
        %ge3A_546 = vector.broadcast %bitcast_convert_type3A_263 : f32 to vector<16xf32>
        %ge3A_547 = arith.cmpf oge, %get3A_545, %ge3A_546 : vector<16xf32>
        %jit3A_548 = arith.constant 1 : i32
        %jit3A_549 = arith.constant 0 : i32
        %broadcast_in_dim3A_550 = vector.broadcast %jit3A_548 : i32 to vector<16xi32>
        %broadcast_in_dim3A_551 = vector.broadcast %jit3A_549 : i32 to vector<16xi32>
        %select_n3A_552 = arith.select %ge3A_547, %broadcast_in_dim3A_550, %broadcast_in_dim3A_551 : vector<16xi1>, vector<16xi32>
        %add3A_553 = arith.addi %add3A_449, %select_n3A_552 : vector<16xi32>
        %add3A_554 = arith.constant 240 : i32
        %add3A_555 = arith.addi %mul3A_359, %add3A_554 : i32
        %get3A_556 = arith.index_cast %add3A_555 : i32 to index
        %get3A_557 = tpu.vector_load %arg4[%get3A_556] {strides = array<i32>} : memref<8192xf32, #tpu.memory_space<vmem>>, vector<16xf32>,
        %get3A_558 = vector.shape_cast %get3A_557 : vector<16xf32> to vector<16xf32>
        %ge3A_559 = vector.broadcast %bitcast_convert_type3A_263 : f32 to vector<16xf32>
        %ge3A_560 = arith.cmpf oge, %get3A_558, %ge3A_559 : vector<16xf32>
        %jit3A_561 = arith.constant 1 : i32
        %jit3A_562 = arith.constant 0 : i32
        %broadcast_in_dim3A_563 = vector.broadcast %jit3A_561 : i32 to vector<16xi32>
        %broadcast_in_dim3A_564 = vector.broadcast %jit3A_562 : i32 to vector<16xi32>
        %select_n3A_565 = arith.select %ge3A_560, %broadcast_in_dim3A_563, %broadcast_in_dim3A_564 : vector<16xi1>, vector<16xi32>
        %add3A_566 = arith.addi %add3A_462, %select_n3A_565 : vector<16xi32>
        scf.yield %add3A_475, %add3A_488, %add3A_501, %add3A_514, %add3A_527, %add3A_540, %add3A_553, %add3A_566 : vector<16xi32>, vector<16xi32>, vector<16xi32>, vector<16xi32>, vector<16xi32>, vector<16xi32>, vector<16xi32>, vector<16xi32>
      }
      %add3A_290 = arith.addi %while3A_289#0, %while3A_289#1 : vector<16xi32>
      %add3A_291 = arith.addi %add3A_290, %while3A_289#2 : vector<16xi32>
      %add3A_292 = arith.addi %add3A_291, %while3A_289#3 : vector<16xi32>
      %add3A_293 = arith.addi %add3A_292, %while3A_289#4 : vector<16xi32>
      %add3A_294 = arith.addi %add3A_293, %while3A_289#5 : vector<16xi32>
      %add3A_295 = arith.addi %add3A_294, %while3A_289#6 : vector<16xi32>
      %add3A_296 = arith.addi %add3A_295, %while3A_289#7 : vector<16xi32>
      %slice3A_297 = vector.extract_strided_slice %add3A_296 {offsets = [0], sizes = [1], strides = [1]} : vector<16xi32> to vector<1xi32>
      %squeeze3A_298 = vector.extract %slice3A_297[0] : i32 from vector<1xi32>
      %slice3A_299 = vector.extract_strided_slice %add3A_296 {offsets = [1], sizes = [1], strides = [1]} : vector<16xi32> to vector<1xi32>
      %squeeze3A_300 = vector.extract %slice3A_299[0] : i32 from vector<1xi32>
      %add3A_301 = arith.addi %squeeze3A_298, %squeeze3A_300 : i32
      %slice3A_302 = vector.extract_strided_slice %add3A_296 {offsets = [2], sizes = [1], strides = [1]} : vector<16xi32> to vector<1xi32>
      %squeeze3A_303 = vector.extract %slice3A_302[0] : i32 from vector<1xi32>
      %add3A_304 = arith.addi %add3A_301, %squeeze3A_303 : i32
      %slice3A_305 = vector.extract_strided_slice %add3A_296 {offsets = [3], sizes = [1], strides = [1]} : vector<16xi32> to vector<1xi32>
      %squeeze3A_306 = vector.extract %slice3A_305[0] : i32 from vector<1xi32>
      %add3A_307 = arith.addi %add3A_304, %squeeze3A_306 : i32
      %slice3A_308 = vector.extract_strided_slice %add3A_296 {offsets = [4], sizes = [1], strides = [1]} : vector<16xi32> to vector<1xi32>
      %squeeze3A_309 = vector.extract %slice3A_308[0] : i32 from vector<1xi32>
      %add3A_310 = arith.addi %add3A_307, %squeeze3A_309 : i32
      %slice3A_311 = vector.extract_strided_slice %add3A_296 {offsets = [5], sizes = [1], strides = [1]} : vector<16xi32> to vector<1xi32>
      %squeeze3A_312 = vector.extract %slice3A_311[0] : i32 from vector<1xi32>
      %add3A_313 = arith.addi %add3A_310, %squeeze3A_312 : i32
      %slice3A_314 = vector.extract_strided_slice %add3A_296 {offsets = [6], sizes = [1], strides = [1]} : vector<16xi32> to vector<1xi32>
      %squeeze3A_315 = vector.extract %slice3A_314[0] : i32 from vector<1xi32>
      %add3A_316 = arith.addi %add3A_313, %squeeze3A_315 : i32
      %slice3A_317 = vector.extract_strided_slice %add3A_296 {offsets = [7], sizes = [1], strides = [1]} : vector<16xi32> to vector<1xi32>
      %squeeze3A_318 = vector.extract %slice3A_317[0] : i32 from vector<1xi32>
      %add3A_319 = arith.addi %add3A_316, %squeeze3A_318 : i32
      %slice3A_320 = vector.extract_strided_slice %add3A_296 {offsets = [8], sizes = [1], strides = [1]} : vector<16xi32> to vector<1xi32>
      %squeeze3A_321 = vector.extract %slice3A_320[0] : i32 from vector<1xi32>
      %add3A_322 = arith.addi %add3A_319, %squeeze3A_321 : i32
      %slice3A_323 = vector.extract_strided_slice %add3A_296 {offsets = [9], sizes = [1], strides = [1]} : vector<16xi32> to vector<1xi32>
      %squeeze3A_324 = vector.extract %slice3A_323[0] : i32 from vector<1xi32>
      %add3A_325 = arith.addi %add3A_322, %squeeze3A_324 : i32
      %slice3A_326 = vector.extract_strided_slice %add3A_296 {offsets = [10], sizes = [1], strides = [1]} : vector<16xi32> to vector<1xi32>
      %squeeze3A_327 = vector.extract %slice3A_326[0] : i32 from vector<1xi32>
      %add3A_328 = arith.addi %add3A_325, %squeeze3A_327 : i32
      %slice3A_329 = vector.extract_strided_slice %add3A_296 {offsets = [11], sizes = [1], strides = [1]} : vector<16xi32> to vector<1xi32>
      %squeeze3A_330 = vector.extract %slice3A_329[0] : i32 from vector<1xi32>
      %add3A_331 = arith.addi %add3A_328, %squeeze3A_330 : i32
      %slice3A_332 = vector.extract_strided_slice %add3A_296 {offsets = [12], sizes = [1], strides = [1]} : vector<16xi32> to vector<1xi32>
      %squeeze3A_333 = vector.extract %slice3A_332[0] : i32 from vector<1xi32>
      %add3A_334 = arith.addi %add3A_331, %squeeze3A_333 : i32
      %slice3A_335 = vector.extract_strided_slice %add3A_296 {offsets = [13], sizes = [1], strides = [1]} : vector<16xi32> to vector<1xi32>
      %squeeze3A_336 = vector.extract %slice3A_335[0] : i32 from vector<1xi32>
      %add3A_337 = arith.addi %add3A_334, %squeeze3A_336 : i32
      %slice3A_338 = vector.extract_strided_slice %add3A_296 {offsets = [14], sizes = [1], strides = [1]} : vector<16xi32> to vector<1xi32>
      %squeeze3A_339 = vector.extract %slice3A_338[0] : i32 from vector<1xi32>
      %add3A_340 = arith.addi %add3A_337, %squeeze3A_339 : i32
      %slice3A_341 = vector.extract_strided_slice %add3A_296 {offsets = [15], sizes = [1], strides = [1]} : vector<16xi32> to vector<1xi32>
      %squeeze3A_342 = vector.extract %slice3A_341[0] : i32 from vector<1xi32>
      %add3A_343 = arith.addi %add3A_340, %squeeze3A_342 : i32
      %ne3A = arith.constant 410 : i32
      %ne3A_344 = arith.cmpi ne, %scan3A_248, %ne3A : i32
      %ge3A_345 = arith.constant 410 : i32
      %ge3A_346 = arith.cmpi sge, %add3A_343, %ge3A_345 : i32
      %and3A = arith.andi %ne3A_344, %ge3A_346 : i1
      %select_n3A_347 = arith.select %and3A, %or3A, %scan3A_247 : i32
      %select_n3A_348 = arith.select %and3A, %add3A_343, %scan3A_248 : i32
      scf.yield %select_n3A_347, %select_n3A_348 : i32, i32
    }
    %scan3A_84 = arith.constant 31 : i32
    %ge3A_85 = arith.constant 0 : i32
    %ge3A_86 = arith.cmpi sge, %scan3A_83#0, %ge3A_85 : i32
    %xor3A = arith.constant -2147483648 : i32
    %xor3A_87 = arith.xori %scan3A_83#0, %xor3A : i32
    %not3A = arith.constant -1 : i32
    %not3A_88 = arith.xori %xor3A_87, %not3A : i32
    %select_n3A_89 = arith.select %ge3A_86, %scan3A_83#0, %not3A_88 : i32
    %bitcast_convert_type3A = arith.bitcast %select_n3A_89 : i32 to f32
    %broadcast_in_dim3A_90 = arith.constant 0x7F800000 : f32
    %broadcast_in_dim3A_91 = vector.broadcast %broadcast_in_dim3A_90 : f32 to vector<16xf32>
    %broadcast_in_dim3A_92 = arith.constant 0x7F800000 : f32
    %broadcast_in_dim3A_93 = vector.broadcast %broadcast_in_dim3A_92 : f32 to vector<16xf32>
    %broadcast_in_dim3A_94 = arith.constant 0x7F800000 : f32
    %broadcast_in_dim3A_95 = vector.broadcast %broadcast_in_dim3A_94 : f32 to vector<16xf32>
    %broadcast_in_dim3A_96 = arith.constant 0x7F800000 : f32
    %broadcast_in_dim3A_97 = vector.broadcast %broadcast_in_dim3A_96 : f32 to vector<16xf32>
    %broadcast_in_dim3A_98 = arith.constant 0x7F800000 : f32
    %broadcast_in_dim3A_99 = vector.broadcast %broadcast_in_dim3A_98 : f32 to vector<16xf32>
    %broadcast_in_dim3A_100 = arith.constant 0x7F800000 : f32
    %broadcast_in_dim3A_101 = vector.broadcast %broadcast_in_dim3A_100 : f32 to vector<16xf32>
    %broadcast_in_dim3A_102 = arith.constant 0x7F800000 : f32
    %broadcast_in_dim3A_103 = vector.broadcast %broadcast_in_dim3A_102 : f32 to vector<16xf32>
    %broadcast_in_dim3A_104 = arith.constant 0x7F800000 : f32
    %broadcast_in_dim3A_105 = vector.broadcast %broadcast_in_dim3A_104 : f32 to vector<16xf32>
    %broadcast_in_dim3A_106 = arith.constant 0xFF800000 : f32
    %broadcast_in_dim3A_107 = vector.broadcast %broadcast_in_dim3A_106 : f32 to vector<16xf32>
    %broadcast_in_dim3A_108 = arith.constant 0xFF800000 : f32
    %broadcast_in_dim3A_109 = vector.broadcast %broadcast_in_dim3A_108 : f32 to vector<16xf32>
    %broadcast_in_dim3A_110 = arith.constant 0xFF800000 : f32
    %broadcast_in_dim3A_111 = vector.broadcast %broadcast_in_dim3A_110 : f32 to vector<16xf32>
    %broadcast_in_dim3A_112 = arith.constant 0xFF800000 : f32
    %broadcast_in_dim3A_113 = vector.broadcast %broadcast_in_dim3A_112 : f32 to vector<16xf32>
    %broadcast_in_dim3A_114 = arith.constant 0xFF800000 : f32
    %broadcast_in_dim3A_115 = vector.broadcast %broadcast_in_dim3A_114 : f32 to vector<16xf32>
    %broadcast_in_dim3A_116 = arith.constant 0xFF800000 : f32
    %broadcast_in_dim3A_117 = vector.broadcast %broadcast_in_dim3A_116 : f32 to vector<16xf32>
    %broadcast_in_dim3A_118 = arith.constant 0xFF800000 : f32
    %broadcast_in_dim3A_119 = vector.broadcast %broadcast_in_dim3A_118 : f32 to vector<16xf32>
    %broadcast_in_dim3A_120 = arith.constant 0xFF800000 : f32
    %broadcast_in_dim3A_121 = vector.broadcast %broadcast_in_dim3A_120 : f32 to vector<16xf32>
    %scan3A_122 = arith.constant 0 : i32
    %scan3A_123 = arith.constant 32 : i32
    %scan3A_124 = arith.addi %scan3A_122, %scan3A_123 : i32
    %scan3A_125 = arith.constant 1 : i32
    %scan3A_126:16 = scf.for %scan3A_246 = %scan3A_122 to %scan3A_124 step %scan3A_125 iter_args(%scan3A_247 = %broadcast_in_dim3A_91, %scan3A_248 = %broadcast_in_dim3A_93, %scan3A_249 = %broadcast_in_dim3A_95, %scan3A_250 = %broadcast_in_dim3A_97, %scan3A_251 = %broadcast_in_dim3A_99, %scan3A_252 = %broadcast_in_dim3A_101, %scan3A_253 = %broadcast_in_dim3A_103, %scan3A_254 = %broadcast_in_dim3A_105, %scan3A_255 = %broadcast_in_dim3A_107, %scan3A_256 = %broadcast_in_dim3A_109, %scan3A_257 = %broadcast_in_dim3A_111, %scan3A_258 = %broadcast_in_dim3A_113, %scan3A_259 = %broadcast_in_dim3A_115, %scan3A_260 = %broadcast_in_dim3A_117, %scan3A_261 = %broadcast_in_dim3A_119, %scan3A_262 = %broadcast_in_dim3A_121) -> (vector<16xf32>, vector<16xf32>, vector<16xf32>, vector<16xf32>, vector<16xf32>, vector<16xf32>, vector<16xf32>, vector<16xf32>, vector<16xf32>, vector<16xf32>, vector<16xf32>, vector<16xf32>, vector<16xf32>, vector<16xf32>, vector<16xf32>, vector<16xf32>)  : i32 {
      %mul3A_263 = arith.constant 256 : i32
      %mul3A_264 = arith.muli %scan3A_246, %mul3A_263 : i32
      %add3A_265 = arith.constant 0 : i32
      %add3A_266 = arith.addi %mul3A_264, %add3A_265 : i32
      %get3A = arith.index_cast %add3A_266 : i32 to index
      %get3A_267 = tpu.vector_load %arg4[%get3A] {strides = array<i32>} : memref<8192xf32, #tpu.memory_space<vmem>>, vector<16xf32>,
      %get3A_268 = vector.shape_cast %get3A_267 : vector<16xf32> to vector<16xf32>
      %ge3A_269 = vector.broadcast %bitcast_convert_type3A : f32 to vector<16xf32>
      %ge3A_270 = arith.cmpf oge, %get3A_268, %ge3A_269 : vector<16xf32>
      %jit3A_271 = arith.constant 0x7F800000 : f32
      %broadcast_in_dim3A_272 = vector.broadcast %jit3A_271 : f32 to vector<16xf32>
      %select_n3A_273 = arith.select %ge3A_270, %get3A_268, %broadcast_in_dim3A_272 : vector<16xi1>, vector<16xf32>
      %min3A_274 = arith.minimumf %scan3A_247, %select_n3A_273 : vector<16xf32>
      %jit3A_275 = arith.constant 0xFF800000 : f32
      %broadcast_in_dim3A_276 = vector.broadcast %jit3A_275 : f32 to vector<16xf32>
      %select_n3A_277 = arith.select %ge3A_270, %broadcast_in_dim3A_276, %get3A_268 : vector<16xi1>, vector<16xf32>
      %max3A_278 = arith.maximumf %scan3A_255, %select_n3A_277 : vector<16xf32>
      %add3A_279 = arith.constant 16 : i32
      %add3A_280 = arith.addi %mul3A_264, %add3A_279 : i32
      %get3A_281 = arith.index_cast %add3A_280 : i32 to index
      %get3A_282 = tpu.vector_load %arg4[%get3A_281] {strides = array<i32>} : memref<8192xf32, #tpu.memory_space<vmem>>, vector<16xf32>,
      %get3A_283 = vector.shape_cast %get3A_282 : vector<16xf32> to vector<16xf32>
      %ge3A_284 = vector.broadcast %bitcast_convert_type3A : f32 to vector<16xf32>
      %ge3A_285 = arith.cmpf oge, %get3A_283, %ge3A_284 : vector<16xf32>
      %jit3A_286 = arith.constant 0x7F800000 : f32
      %broadcast_in_dim3A_287 = vector.broadcast %jit3A_286 : f32 to vector<16xf32>
      %select_n3A_288 = arith.select %ge3A_285, %get3A_283, %broadcast_in_dim3A_287 : vector<16xi1>, vector<16xf32>
      %min3A_289 = arith.minimumf %scan3A_248, %select_n3A_288 : vector<16xf32>
      %jit3A_290 = arith.constant 0xFF800000 : f32
      %broadcast_in_dim3A_291 = vector.broadcast %jit3A_290 : f32 to vector<16xf32>
      %select_n3A_292 = arith.select %ge3A_285, %broadcast_in_dim3A_291, %get3A_283 : vector<16xi1>, vector<16xf32>
      %max3A_293 = arith.maximumf %scan3A_256, %select_n3A_292 : vector<16xf32>
      %add3A_294 = arith.constant 32 : i32
      %add3A_295 = arith.addi %mul3A_264, %add3A_294 : i32
      %get3A_296 = arith.index_cast %add3A_295 : i32 to index
      %get3A_297 = tpu.vector_load %arg4[%get3A_296] {strides = array<i32>} : memref<8192xf32, #tpu.memory_space<vmem>>, vector<16xf32>,
      %get3A_298 = vector.shape_cast %get3A_297 : vector<16xf32> to vector<16xf32>
      %ge3A_299 = vector.broadcast %bitcast_convert_type3A : f32 to vector<16xf32>
      %ge3A_300 = arith.cmpf oge, %get3A_298, %ge3A_299 : vector<16xf32>
      %jit3A_301 = arith.constant 0x7F800000 : f32
      %broadcast_in_dim3A_302 = vector.broadcast %jit3A_301 : f32 to vector<16xf32>
      %select_n3A_303 = arith.select %ge3A_300, %get3A_298, %broadcast_in_dim3A_302 : vector<16xi1>, vector<16xf32>
      %min3A_304 = arith.minimumf %scan3A_249, %select_n3A_303 : vector<16xf32>
      %jit3A_305 = arith.constant 0xFF800000 : f32
      %broadcast_in_dim3A_306 = vector.broadcast %jit3A_305 : f32 to vector<16xf32>
      %select_n3A_307 = arith.select %ge3A_300, %broadcast_in_dim3A_306, %get3A_298 : vector<16xi1>, vector<16xf32>
      %max3A_308 = arith.maximumf %scan3A_257, %select_n3A_307 : vector<16xf32>
      %add3A_309 = arith.constant 48 : i32
      %add3A_310 = arith.addi %mul3A_264, %add3A_309 : i32
      %get3A_311 = arith.index_cast %add3A_310 : i32 to index
      %get3A_312 = tpu.vector_load %arg4[%get3A_311] {strides = array<i32>} : memref<8192xf32, #tpu.memory_space<vmem>>, vector<16xf32>,
      %get3A_313 = vector.shape_cast %get3A_312 : vector<16xf32> to vector<16xf32>
      %ge3A_314 = vector.broadcast %bitcast_convert_type3A : f32 to vector<16xf32>
      %ge3A_315 = arith.cmpf oge, %get3A_313, %ge3A_314 : vector<16xf32>
      %jit3A_316 = arith.constant 0x7F800000 : f32
      %broadcast_in_dim3A_317 = vector.broadcast %jit3A_316 : f32 to vector<16xf32>
      %select_n3A_318 = arith.select %ge3A_315, %get3A_313, %broadcast_in_dim3A_317 : vector<16xi1>, vector<16xf32>
      %min3A_319 = arith.minimumf %scan3A_250, %select_n3A_318 : vector<16xf32>
      %jit3A_320 = arith.constant 0xFF800000 : f32
      %broadcast_in_dim3A_321 = vector.broadcast %jit3A_320 : f32 to vector<16xf32>
      %select_n3A_322 = arith.select %ge3A_315, %broadcast_in_dim3A_321, %get3A_313 : vector<16xi1>, vector<16xf32>
      %max3A_323 = arith.maximumf %scan3A_258, %select_n3A_322 : vector<16xf32>
      %add3A_324 = arith.constant 64 : i32
      %add3A_325 = arith.addi %mul3A_264, %add3A_324 : i32
      %get3A_326 = arith.index_cast %add3A_325 : i32 to index
      %get3A_327 = tpu.vector_load %arg4[%get3A_326] {strides = array<i32>} : memref<8192xf32, #tpu.memory_space<vmem>>, vector<16xf32>,
      %get3A_328 = vector.shape_cast %get3A_327 : vector<16xf32> to vector<16xf32>
      %ge3A_329 = vector.broadcast %bitcast_convert_type3A : f32 to vector<16xf32>
      %ge3A_330 = arith.cmpf oge, %get3A_328, %ge3A_329 : vector<16xf32>
      %jit3A_331 = arith.constant 0x7F800000 : f32
      %broadcast_in_dim3A_332 = vector.broadcast %jit3A_331 : f32 to vector<16xf32>
      %select_n3A_333 = arith.select %ge3A_330, %get3A_328, %broadcast_in_dim3A_332 : vector<16xi1>, vector<16xf32>
      %min3A_334 = arith.minimumf %scan3A_251, %select_n3A_333 : vector<16xf32>
      %jit3A_335 = arith.constant 0xFF800000 : f32
      %broadcast_in_dim3A_336 = vector.broadcast %jit3A_335 : f32 to vector<16xf32>
      %select_n3A_337 = arith.select %ge3A_330, %broadcast_in_dim3A_336, %get3A_328 : vector<16xi1>, vector<16xf32>
      %max3A_338 = arith.maximumf %scan3A_259, %select_n3A_337 : vector<16xf32>
      %add3A_339 = arith.constant 80 : i32
      %add3A_340 = arith.addi %mul3A_264, %add3A_339 : i32
      %get3A_341 = arith.index_cast %add3A_340 : i32 to index
      %get3A_342 = tpu.vector_load %arg4[%get3A_341] {strides = array<i32>} : memref<8192xf32, #tpu.memory_space<vmem>>, vector<16xf32>,
      %get3A_343 = vector.shape_cast %get3A_342 : vector<16xf32> to vector<16xf32>
      %ge3A_344 = vector.broadcast %bitcast_convert_type3A : f32 to vector<16xf32>
      %ge3A_345 = arith.cmpf oge, %get3A_343, %ge3A_344 : vector<16xf32>
      %jit3A_346 = arith.constant 0x7F800000 : f32
      %broadcast_in_dim3A_347 = vector.broadcast %jit3A_346 : f32 to vector<16xf32>
      %select_n3A_348 = arith.select %ge3A_345, %get3A_343, %broadcast_in_dim3A_347 : vector<16xi1>, vector<16xf32>
      %min3A_349 = arith.minimumf %scan3A_252, %select_n3A_348 : vector<16xf32>
      %jit3A_350 = arith.constant 0xFF800000 : f32
      %broadcast_in_dim3A_351 = vector.broadcast %jit3A_350 : f32 to vector<16xf32>
      %select_n3A_352 = arith.select %ge3A_345, %broadcast_in_dim3A_351, %get3A_343 : vector<16xi1>, vector<16xf32>
      %max3A_353 = arith.maximumf %scan3A_260, %select_n3A_352 : vector<16xf32>
      %add3A_354 = arith.constant 96 : i32
      %add3A_355 = arith.addi %mul3A_264, %add3A_354 : i32
      %get3A_356 = arith.index_cast %add3A_355 : i32 to index
      %get3A_357 = tpu.vector_load %arg4[%get3A_356] {strides = array<i32>} : memref<8192xf32, #tpu.memory_space<vmem>>, vector<16xf32>,
      %get3A_358 = vector.shape_cast %get3A_357 : vector<16xf32> to vector<16xf32>
      %ge3A_359 = vector.broadcast %bitcast_convert_type3A : f32 to vector<16xf32>
      %ge3A_360 = arith.cmpf oge, %get3A_358, %ge3A_359 : vector<16xf32>
      %jit3A_361 = arith.constant 0x7F800000 : f32
      %broadcast_in_dim3A_362 = vector.broadcast %jit3A_361 : f32 to vector<16xf32>
      %select_n3A_363 = arith.select %ge3A_360, %get3A_358, %broadcast_in_dim3A_362 : vector<16xi1>, vector<16xf32>
      %min3A_364 = arith.minimumf %scan3A_253, %select_n3A_363 : vector<16xf32>
      %jit3A_365 = arith.constant 0xFF800000 : f32
      %broadcast_in_dim3A_366 = vector.broadcast %jit3A_365 : f32 to vector<16xf32>
      %select_n3A_367 = arith.select %ge3A_360, %broadcast_in_dim3A_366, %get3A_358 : vector<16xi1>, vector<16xf32>
      %max3A_368 = arith.maximumf %scan3A_261, %select_n3A_367 : vector<16xf32>
      %add3A_369 = arith.constant 112 : i32
      %add3A_370 = arith.addi %mul3A_264, %add3A_369 : i32
      %get3A_371 = arith.index_cast %add3A_370 : i32 to index
      %get3A_372 = tpu.vector_load %arg4[%get3A_371] {strides = array<i32>} : memref<8192xf32, #tpu.memory_space<vmem>>, vector<16xf32>,
      %get3A_373 = vector.shape_cast %get3A_372 : vector<16xf32> to vector<16xf32>
      %ge3A_374 = vector.broadcast %bitcast_convert_type3A : f32 to vector<16xf32>
      %ge3A_375 = arith.cmpf oge, %get3A_373, %ge3A_374 : vector<16xf32>
      %jit3A_376 = arith.constant 0x7F800000 : f32
      %broadcast_in_dim3A_377 = vector.broadcast %jit3A_376 : f32 to vector<16xf32>
      %select_n3A_378 = arith.select %ge3A_375, %get3A_373, %broadcast_in_dim3A_377 : vector<16xi1>, vector<16xf32>
      %min3A_379 = arith.minimumf %scan3A_254, %select_n3A_378 : vector<16xf32>
      %jit3A_380 = arith.constant 0xFF800000 : f32
      %broadcast_in_dim3A_381 = vector.broadcast %jit3A_380 : f32 to vector<16xf32>
      %select_n3A_382 = arith.select %ge3A_375, %broadcast_in_dim3A_381, %get3A_373 : vector<16xi1>, vector<16xf32>
      %max3A_383 = arith.maximumf %scan3A_262, %select_n3A_382 : vector<16xf32>
      %add3A_384 = arith.constant 128 : i32
      %add3A_385 = arith.addi %mul3A_264, %add3A_384 : i32
      %get3A_386 = arith.index_cast %add3A_385 : i32 to index
      %get3A_387 = tpu.vector_load %arg4[%get3A_386] {strides = array<i32>} : memref<8192xf32, #tpu.memory_space<vmem>>, vector<16xf32>,
      %get3A_388 = vector.shape_cast %get3A_387 : vector<16xf32> to vector<16xf32>
      %ge3A_389 = vector.broadcast %bitcast_convert_type3A : f32 to vector<16xf32>
      %ge3A_390 = arith.cmpf oge, %get3A_388, %ge3A_389 : vector<16xf32>
      %jit3A_391 = arith.constant 0x7F800000 : f32
      %broadcast_in_dim3A_392 = vector.broadcast %jit3A_391 : f32 to vector<16xf32>
      %select_n3A_393 = arith.select %ge3A_390, %get3A_388, %broadcast_in_dim3A_392 : vector<16xi1>, vector<16xf32>
      %min3A_394 = arith.minimumf %min3A_274, %select_n3A_393 : vector<16xf32>
      %jit3A_395 = arith.constant 0xFF800000 : f32
      %broadcast_in_dim3A_396 = vector.broadcast %jit3A_395 : f32 to vector<16xf32>
      %select_n3A_397 = arith.select %ge3A_390, %broadcast_in_dim3A_396, %get3A_388 : vector<16xi1>, vector<16xf32>
      %max3A_398 = arith.maximumf %max3A_278, %select_n3A_397 : vector<16xf32>
      %add3A_399 = arith.constant 144 : i32
      %add3A_400 = arith.addi %mul3A_264, %add3A_399 : i32
      %get3A_401 = arith.index_cast %add3A_400 : i32 to index
      %get3A_402 = tpu.vector_load %arg4[%get3A_401] {strides = array<i32>} : memref<8192xf32, #tpu.memory_space<vmem>>, vector<16xf32>,
      %get3A_403 = vector.shape_cast %get3A_402 : vector<16xf32> to vector<16xf32>
      %ge3A_404 = vector.broadcast %bitcast_convert_type3A : f32 to vector<16xf32>
      %ge3A_405 = arith.cmpf oge, %get3A_403, %ge3A_404 : vector<16xf32>
      %jit3A_406 = arith.constant 0x7F800000 : f32
      %broadcast_in_dim3A_407 = vector.broadcast %jit3A_406 : f32 to vector<16xf32>
      %select_n3A_408 = arith.select %ge3A_405, %get3A_403, %broadcast_in_dim3A_407 : vector<16xi1>, vector<16xf32>
      %min3A_409 = arith.minimumf %min3A_289, %select_n3A_408 : vector<16xf32>
      %jit3A_410 = arith.constant 0xFF800000 : f32
      %broadcast_in_dim3A_411 = vector.broadcast %jit3A_410 : f32 to vector<16xf32>
      %select_n3A_412 = arith.select %ge3A_405, %broadcast_in_dim3A_411, %get3A_403 : vector<16xi1>, vector<16xf32>
      %max3A_413 = arith.maximumf %max3A_293, %select_n3A_412 : vector<16xf32>
      %add3A_414 = arith.constant 160 : i32
      %add3A_415 = arith.addi %mul3A_264, %add3A_414 : i32
      %get3A_416 = arith.index_cast %add3A_415 : i32 to index
      %get3A_417 = tpu.vector_load %arg4[%get3A_416] {strides = array<i32>} : memref<8192xf32, #tpu.memory_space<vmem>>, vector<16xf32>,
      %get3A_418 = vector.shape_cast %get3A_417 : vector<16xf32> to vector<16xf32>
      %ge3A_419 = vector.broadcast %bitcast_convert_type3A : f32 to vector<16xf32>
      %ge3A_420 = arith.cmpf oge, %get3A_418, %ge3A_419 : vector<16xf32>
      %jit3A_421 = arith.constant 0x7F800000 : f32
      %broadcast_in_dim3A_422 = vector.broadcast %jit3A_421 : f32 to vector<16xf32>
      %select_n3A_423 = arith.select %ge3A_420, %get3A_418, %broadcast_in_dim3A_422 : vector<16xi1>, vector<16xf32>
      %min3A_424 = arith.minimumf %min3A_304, %select_n3A_423 : vector<16xf32>
      %jit3A_425 = arith.constant 0xFF800000 : f32
      %broadcast_in_dim3A_426 = vector.broadcast %jit3A_425 : f32 to vector<16xf32>
      %select_n3A_427 = arith.select %ge3A_420, %broadcast_in_dim3A_426, %get3A_418 : vector<16xi1>, vector<16xf32>
      %max3A_428 = arith.maximumf %max3A_308, %select_n3A_427 : vector<16xf32>
      %add3A_429 = arith.constant 176 : i32
      %add3A_430 = arith.addi %mul3A_264, %add3A_429 : i32
      %get3A_431 = arith.index_cast %add3A_430 : i32 to index
      %get3A_432 = tpu.vector_load %arg4[%get3A_431] {strides = array<i32>} : memref<8192xf32, #tpu.memory_space<vmem>>, vector<16xf32>,
      %get3A_433 = vector.shape_cast %get3A_432 : vector<16xf32> to vector<16xf32>
      %ge3A_434 = vector.broadcast %bitcast_convert_type3A : f32 to vector<16xf32>
      %ge3A_435 = arith.cmpf oge, %get3A_433, %ge3A_434 : vector<16xf32>
      %jit3A_436 = arith.constant 0x7F800000 : f32
      %broadcast_in_dim3A_437 = vector.broadcast %jit3A_436 : f32 to vector<16xf32>
      %select_n3A_438 = arith.select %ge3A_435, %get3A_433, %broadcast_in_dim3A_437 : vector<16xi1>, vector<16xf32>
      %min3A_439 = arith.minimumf %min3A_319, %select_n3A_438 : vector<16xf32>
      %jit3A_440 = arith.constant 0xFF800000 : f32
      %broadcast_in_dim3A_441 = vector.broadcast %jit3A_440 : f32 to vector<16xf32>
      %select_n3A_442 = arith.select %ge3A_435, %broadcast_in_dim3A_441, %get3A_433 : vector<16xi1>, vector<16xf32>
      %max3A_443 = arith.maximumf %max3A_323, %select_n3A_442 : vector<16xf32>
      %add3A_444 = arith.constant 192 : i32
      %add3A_445 = arith.addi %mul3A_264, %add3A_444 : i32
      %get3A_446 = arith.index_cast %add3A_445 : i32 to index
      %get3A_447 = tpu.vector_load %arg4[%get3A_446] {strides = array<i32>} : memref<8192xf32, #tpu.memory_space<vmem>>, vector<16xf32>,
      %get3A_448 = vector.shape_cast %get3A_447 : vector<16xf32> to vector<16xf32>
      %ge3A_449 = vector.broadcast %bitcast_convert_type3A : f32 to vector<16xf32>
      %ge3A_450 = arith.cmpf oge, %get3A_448, %ge3A_449 : vector<16xf32>
      %jit3A_451 = arith.constant 0x7F800000 : f32
      %broadcast_in_dim3A_452 = vector.broadcast %jit3A_451 : f32 to vector<16xf32>
      %select_n3A_453 = arith.select %ge3A_450, %get3A_448, %broadcast_in_dim3A_452 : vector<16xi1>, vector<16xf32>
      %min3A_454 = arith.minimumf %min3A_334, %select_n3A_453 : vector<16xf32>
      %jit3A_455 = arith.constant 0xFF800000 : f32
      %broadcast_in_dim3A_456 = vector.broadcast %jit3A_455 : f32 to vector<16xf32>
      %select_n3A_457 = arith.select %ge3A_450, %broadcast_in_dim3A_456, %get3A_448 : vector<16xi1>, vector<16xf32>
      %max3A_458 = arith.maximumf %max3A_338, %select_n3A_457 : vector<16xf32>
      %add3A_459 = arith.constant 208 : i32
      %add3A_460 = arith.addi %mul3A_264, %add3A_459 : i32
      %get3A_461 = arith.index_cast %add3A_460 : i32 to index
      %get3A_462 = tpu.vector_load %arg4[%get3A_461] {strides = array<i32>} : memref<8192xf32, #tpu.memory_space<vmem>>, vector<16xf32>,
      %get3A_463 = vector.shape_cast %get3A_462 : vector<16xf32> to vector<16xf32>
      %ge3A_464 = vector.broadcast %bitcast_convert_type3A : f32 to vector<16xf32>
      %ge3A_465 = arith.cmpf oge, %get3A_463, %ge3A_464 : vector<16xf32>
      %jit3A_466 = arith.constant 0x7F800000 : f32
      %broadcast_in_dim3A_467 = vector.broadcast %jit3A_466 : f32 to vector<16xf32>
      %select_n3A_468 = arith.select %ge3A_465, %get3A_463, %broadcast_in_dim3A_467 : vector<16xi1>, vector<16xf32>
      %min3A_469 = arith.minimumf %min3A_349, %select_n3A_468 : vector<16xf32>
      %jit3A_470 = arith.constant 0xFF800000 : f32
      %broadcast_in_dim3A_471 = vector.broadcast %jit3A_470 : f32 to vector<16xf32>
      %select_n3A_472 = arith.select %ge3A_465, %broadcast_in_dim3A_471, %get3A_463 : vector<16xi1>, vector<16xf32>
      %max3A_473 = arith.maximumf %max3A_353, %select_n3A_472 : vector<16xf32>
      %add3A_474 = arith.constant 224 : i32
      %add3A_475 = arith.addi %mul3A_264, %add3A_474 : i32
      %get3A_476 = arith.index_cast %add3A_475 : i32 to index
      %get3A_477 = tpu.vector_load %arg4[%get3A_476] {strides = array<i32>} : memref<8192xf32, #tpu.memory_space<vmem>>, vector<16xf32>,
      %get3A_478 = vector.shape_cast %get3A_477 : vector<16xf32> to vector<16xf32>
      %ge3A_479 = vector.broadcast %bitcast_convert_type3A : f32 to vector<16xf32>
      %ge3A_480 = arith.cmpf oge, %get3A_478, %ge3A_479 : vector<16xf32>
      %jit3A_481 = arith.constant 0x7F800000 : f32
      %broadcast_in_dim3A_482 = vector.broadcast %jit3A_481 : f32 to vector<16xf32>
      %select_n3A_483 = arith.select %ge3A_480, %get3A_478, %broadcast_in_dim3A_482 : vector<16xi1>, vector<16xf32>
      %min3A_484 = arith.minimumf %min3A_364, %select_n3A_483 : vector<16xf32>
      %jit3A_485 = arith.constant 0xFF800000 : f32
      %broadcast_in_dim3A_486 = vector.broadcast %jit3A_485 : f32 to vector<16xf32>
      %select_n3A_487 = arith.select %ge3A_480, %broadcast_in_dim3A_486, %get3A_478 : vector<16xi1>, vector<16xf32>
      %max3A_488 = arith.maximumf %max3A_368, %select_n3A_487 : vector<16xf32>
      %add3A_489 = arith.constant 240 : i32
      %add3A_490 = arith.addi %mul3A_264, %add3A_489 : i32
      %get3A_491 = arith.index_cast %add3A_490 : i32 to index
      %get3A_492 = tpu.vector_load %arg4[%get3A_491] {strides = array<i32>} : memref<8192xf32, #tpu.memory_space<vmem>>, vector<16xf32>,
      %get3A_493 = vector.shape_cast %get3A_492 : vector<16xf32> to vector<16xf32>
      %ge3A_494 = vector.broadcast %bitcast_convert_type3A : f32 to vector<16xf32>
      %ge3A_495 = arith.cmpf oge, %get3A_493, %ge3A_494 : vector<16xf32>
      %jit3A_496 = arith.constant 0x7F800000 : f32
      %broadcast_in_dim3A_497 = vector.broadcast %jit3A_496 : f32 to vector<16xf32>
      %select_n3A_498 = arith.select %ge3A_495, %get3A_493, %broadcast_in_dim3A_497 : vector<16xi1>, vector<16xf32>
      %min3A_499 = arith.minimumf %min3A_379, %select_n3A_498 : vector<16xf32>
      %jit3A_500 = arith.constant 0xFF800000 : f32
      %broadcast_in_dim3A_501 = vector.broadcast %jit3A_500 : f32 to vector<16xf32>
      %select_n3A_502 = arith.select %ge3A_495, %broadcast_in_dim3A_501, %get3A_493 : vector<16xi1>, vector<16xf32>
      %max3A_503 = arith.maximumf %max3A_383, %select_n3A_502 : vector<16xf32>
      scf.yield %min3A_394, %min3A_409, %min3A_424, %min3A_439, %min3A_454, %min3A_469, %min3A_484, %min3A_499, %max3A_398, %max3A_413, %max3A_428, %max3A_443, %max3A_458, %max3A_473, %max3A_488, %max3A_503 : vector<16xf32>, vector<16xf32>, vector<16xf32>, vector<16xf32>, vector<16xf32>, vector<16xf32>, vector<16xf32>, vector<16xf32>, vector<16xf32>, vector<16xf32>, vector<16xf32>, vector<16xf32>, vector<16xf32>, vector<16xf32>, vector<16xf32>, vector<16xf32>
    }
    %scan3A_127 = arith.constant 32 : i32
    %min3A = arith.minimumf %scan3A_126#0, %scan3A_126#1 : vector<16xf32>
    %max3A = arith.maximumf %scan3A_126#8, %scan3A_126#9 : vector<16xf32>
    %min3A_128 = arith.minimumf %min3A, %scan3A_126#2 : vector<16xf32>
    %max3A_129 = arith.maximumf %max3A, %scan3A_126#10 : vector<16xf32>
    %min3A_130 = arith.minimumf %min3A_128, %scan3A_126#3 : vector<16xf32>
    %max3A_131 = arith.maximumf %max3A_129, %scan3A_126#11 : vector<16xf32>
    %min3A_132 = arith.minimumf %min3A_130, %scan3A_126#4 : vector<16xf32>
    %max3A_133 = arith.maximumf %max3A_131, %scan3A_126#12 : vector<16xf32>
    %min3A_134 = arith.minimumf %min3A_132, %scan3A_126#5 : vector<16xf32>
    %max3A_135 = arith.maximumf %max3A_133, %scan3A_126#13 : vector<16xf32>
    %min3A_136 = arith.minimumf %min3A_134, %scan3A_126#6 : vector<16xf32>
    %max3A_137 = arith.maximumf %max3A_135, %scan3A_126#14 : vector<16xf32>
    %min3A_138 = arith.minimumf %min3A_136, %scan3A_126#7 : vector<16xf32>
    %max3A_139 = arith.maximumf %max3A_137, %scan3A_126#15 : vector<16xf32>
    %slice3A_140 = vector.extract_strided_slice %min3A_138 {offsets = [0], sizes = [1], strides = [1]} : vector<16xf32> to vector<1xf32>
    %squeeze3A_141 = vector.extract %slice3A_140[0] : f32 from vector<1xf32>
    %slice3A_142 = vector.extract_strided_slice %min3A_138 {offsets = [1], sizes = [1], strides = [1]} : vector<16xf32> to vector<1xf32>
    %squeeze3A_143 = vector.extract %slice3A_142[0] : f32 from vector<1xf32>
    %min3A_144 = arith.minimumf %squeeze3A_141, %squeeze3A_143 : f32
    %slice3A_145 = vector.extract_strided_slice %min3A_138 {offsets = [2], sizes = [1], strides = [1]} : vector<16xf32> to vector<1xf32>
    %squeeze3A_146 = vector.extract %slice3A_145[0] : f32 from vector<1xf32>
    %min3A_147 = arith.minimumf %min3A_144, %squeeze3A_146 : f32
    %slice3A_148 = vector.extract_strided_slice %min3A_138 {offsets = [3], sizes = [1], strides = [1]} : vector<16xf32> to vector<1xf32>
    %squeeze3A_149 = vector.extract %slice3A_148[0] : f32 from vector<1xf32>
    %min3A_150 = arith.minimumf %min3A_147, %squeeze3A_149 : f32
    %slice3A_151 = vector.extract_strided_slice %min3A_138 {offsets = [4], sizes = [1], strides = [1]} : vector<16xf32> to vector<1xf32>
    %squeeze3A_152 = vector.extract %slice3A_151[0] : f32 from vector<1xf32>
    %min3A_153 = arith.minimumf %min3A_150, %squeeze3A_152 : f32
    %slice3A_154 = vector.extract_strided_slice %min3A_138 {offsets = [5], sizes = [1], strides = [1]} : vector<16xf32> to vector<1xf32>
    %squeeze3A_155 = vector.extract %slice3A_154[0] : f32 from vector<1xf32>
    %min3A_156 = arith.minimumf %min3A_153, %squeeze3A_155 : f32
    %slice3A_157 = vector.extract_strided_slice %min3A_138 {offsets = [6], sizes = [1], strides = [1]} : vector<16xf32> to vector<1xf32>
    %squeeze3A_158 = vector.extract %slice3A_157[0] : f32 from vector<1xf32>
    %min3A_159 = arith.minimumf %min3A_156, %squeeze3A_158 : f32
    %slice3A_160 = vector.extract_strided_slice %min3A_138 {offsets = [7], sizes = [1], strides = [1]} : vector<16xf32> to vector<1xf32>
    %squeeze3A_161 = vector.extract %slice3A_160[0] : f32 from vector<1xf32>
    %min3A_162 = arith.minimumf %min3A_159, %squeeze3A_161 : f32
    %slice3A_163 = vector.extract_strided_slice %min3A_138 {offsets = [8], sizes = [1], strides = [1]} : vector<16xf32> to vector<1xf32>
    %squeeze3A_164 = vector.extract %slice3A_163[0] : f32 from vector<1xf32>
    %min3A_165 = arith.minimumf %min3A_162, %squeeze3A_164 : f32
    %slice3A_166 = vector.extract_strided_slice %min3A_138 {offsets = [9], sizes = [1], strides = [1]} : vector<16xf32> to vector<1xf32>
    %squeeze3A_167 = vector.extract %slice3A_166[0] : f32 from vector<1xf32>
    %min3A_168 = arith.minimumf %min3A_165, %squeeze3A_167 : f32
    %slice3A_169 = vector.extract_strided_slice %min3A_138 {offsets = [10], sizes = [1], strides = [1]} : vector<16xf32> to vector<1xf32>
    %squeeze3A_170 = vector.extract %slice3A_169[0] : f32 from vector<1xf32>
    %min3A_171 = arith.minimumf %min3A_168, %squeeze3A_170 : f32
    %slice3A_172 = vector.extract_strided_slice %min3A_138 {offsets = [11], sizes = [1], strides = [1]} : vector<16xf32> to vector<1xf32>
    %squeeze3A_173 = vector.extract %slice3A_172[0] : f32 from vector<1xf32>
    %min3A_174 = arith.minimumf %min3A_171, %squeeze3A_173 : f32
    %slice3A_175 = vector.extract_strided_slice %min3A_138 {offsets = [12], sizes = [1], strides = [1]} : vector<16xf32> to vector<1xf32>
    %squeeze3A_176 = vector.extract %slice3A_175[0] : f32 from vector<1xf32>
    %min3A_177 = arith.minimumf %min3A_174, %squeeze3A_176 : f32
    %slice3A_178 = vector.extract_strided_slice %min3A_138 {offsets = [13], sizes = [1], strides = [1]} : vector<16xf32> to vector<1xf32>
    %squeeze3A_179 = vector.extract %slice3A_178[0] : f32 from vector<1xf32>
    %min3A_180 = arith.minimumf %min3A_177, %squeeze3A_179 : f32
    %slice3A_181 = vector.extract_strided_slice %min3A_138 {offsets = [14], sizes = [1], strides = [1]} : vector<16xf32> to vector<1xf32>
    %squeeze3A_182 = vector.extract %slice3A_181[0] : f32 from vector<1xf32>
    %min3A_183 = arith.minimumf %min3A_180, %squeeze3A_182 : f32
    %slice3A_184 = vector.extract_strided_slice %min3A_138 {offsets = [15], sizes = [1], strides = [1]} : vector<16xf32> to vector<1xf32>
    %squeeze3A_185 = vector.extract %slice3A_184[0] : f32 from vector<1xf32>
    %min3A_186 = arith.minimumf %min3A_183, %squeeze3A_185 : f32
    %slice3A_187 = vector.extract_strided_slice %max3A_139 {offsets = [0], sizes = [1], strides = [1]} : vector<16xf32> to vector<1xf32>
    %squeeze3A_188 = vector.extract %slice3A_187[0] : f32 from vector<1xf32>
    %slice3A_189 = vector.extract_strided_slice %max3A_139 {offsets = [1], sizes = [1], strides = [1]} : vector<16xf32> to vector<1xf32>
    %squeeze3A_190 = vector.extract %slice3A_189[0] : f32 from vector<1xf32>
    %max3A_191 = arith.maximumf %squeeze3A_188, %squeeze3A_190 : f32
    %slice3A_192 = vector.extract_strided_slice %max3A_139 {offsets = [2], sizes = [1], strides = [1]} : vector<16xf32> to vector<1xf32>
    %squeeze3A_193 = vector.extract %slice3A_192[0] : f32 from vector<1xf32>
    %max3A_194 = arith.maximumf %max3A_191, %squeeze3A_193 : f32
    %slice3A_195 = vector.extract_strided_slice %max3A_139 {offsets = [3], sizes = [1], strides = [1]} : vector<16xf32> to vector<1xf32>
    %squeeze3A_196 = vector.extract %slice3A_195[0] : f32 from vector<1xf32>
    %max3A_197 = arith.maximumf %max3A_194, %squeeze3A_196 : f32
    %slice3A_198 = vector.extract_strided_slice %max3A_139 {offsets = [4], sizes = [1], strides = [1]} : vector<16xf32> to vector<1xf32>
    %squeeze3A_199 = vector.extract %slice3A_198[0] : f32 from vector<1xf32>
    %max3A_200 = arith.maximumf %max3A_197, %squeeze3A_199 : f32
    %slice3A_201 = vector.extract_strided_slice %max3A_139 {offsets = [5], sizes = [1], strides = [1]} : vector<16xf32> to vector<1xf32>
    %squeeze3A_202 = vector.extract %slice3A_201[0] : f32 from vector<1xf32>
    %max3A_203 = arith.maximumf %max3A_200, %squeeze3A_202 : f32
    %slice3A_204 = vector.extract_strided_slice %max3A_139 {offsets = [6], sizes = [1], strides = [1]} : vector<16xf32> to vector<1xf32>
    %squeeze3A_205 = vector.extract %slice3A_204[0] : f32 from vector<1xf32>
    %max3A_206 = arith.maximumf %max3A_203, %squeeze3A_205 : f32
    %slice3A_207 = vector.extract_strided_slice %max3A_139 {offsets = [7], sizes = [1], strides = [1]} : vector<16xf32> to vector<1xf32>
    %squeeze3A_208 = vector.extract %slice3A_207[0] : f32 from vector<1xf32>
    %max3A_209 = arith.maximumf %max3A_206, %squeeze3A_208 : f32
    %slice3A_210 = vector.extract_strided_slice %max3A_139 {offsets = [8], sizes = [1], strides = [1]} : vector<16xf32> to vector<1xf32>
    %squeeze3A_211 = vector.extract %slice3A_210[0] : f32 from vector<1xf32>
    %max3A_212 = arith.maximumf %max3A_209, %squeeze3A_211 : f32
    %slice3A_213 = vector.extract_strided_slice %max3A_139 {offsets = [9], sizes = [1], strides = [1]} : vector<16xf32> to vector<1xf32>
    %squeeze3A_214 = vector.extract %slice3A_213[0] : f32 from vector<1xf32>
    %max3A_215 = arith.maximumf %max3A_212, %squeeze3A_214 : f32
    %slice3A_216 = vector.extract_strided_slice %max3A_139 {offsets = [10], sizes = [1], strides = [1]} : vector<16xf32> to vector<1xf32>
    %squeeze3A_217 = vector.extract %slice3A_216[0] : f32 from vector<1xf32>
    %max3A_218 = arith.maximumf %max3A_215, %squeeze3A_217 : f32
    %slice3A_219 = vector.extract_strided_slice %max3A_139 {offsets = [11], sizes = [1], strides = [1]} : vector<16xf32> to vector<1xf32>
    %squeeze3A_220 = vector.extract %slice3A_219[0] : f32 from vector<1xf32>
    %max3A_221 = arith.maximumf %max3A_218, %squeeze3A_220 : f32
    %slice3A_222 = vector.extract_strided_slice %max3A_139 {offsets = [12], sizes = [1], strides = [1]} : vector<16xf32> to vector<1xf32>
    %squeeze3A_223 = vector.extract %slice3A_222[0] : f32 from vector<1xf32>
    %max3A_224 = arith.maximumf %max3A_221, %squeeze3A_223 : f32
    %slice3A_225 = vector.extract_strided_slice %max3A_139 {offsets = [13], sizes = [1], strides = [1]} : vector<16xf32> to vector<1xf32>
    %squeeze3A_226 = vector.extract %slice3A_225[0] : f32 from vector<1xf32>
    %max3A_227 = arith.maximumf %max3A_224, %squeeze3A_226 : f32
    %slice3A_228 = vector.extract_strided_slice %max3A_139 {offsets = [14], sizes = [1], strides = [1]} : vector<16xf32> to vector<1xf32>
    %squeeze3A_229 = vector.extract %slice3A_228[0] : f32 from vector<1xf32>
    %max3A_230 = arith.maximumf %max3A_227, %squeeze3A_229 : f32
    %slice3A_231 = vector.extract_strided_slice %max3A_139 {offsets = [15], sizes = [1], strides = [1]} : vector<16xf32> to vector<1xf32>
    %squeeze3A_232 = vector.extract %slice3A_231[0] : f32 from vector<1xf32>
    %max3A_233 = arith.maximumf %max3A_230, %squeeze3A_232 : f32
    %eq3A = arith.constant 410 : i32
    %eq3A_234 = arith.cmpi eq, %scan3A_83#1, %eq3A : i32
    %add3A_235 = arith.addf %min3A_186, %max3A_233 : f32
    %mul3A_236 = arith.constant 5.000000e-01 : f32
    %mul3A_237 = arith.mulf %add3A_235, %mul3A_236 : f32
    %select_n3A_238 = arith.select %eq3A_234, %mul3A_237, %bitcast_convert_type3A : f32
    %scan3A_239 = arith.constant 0 : i32
    %scan3A_240 = arith.constant 0 : i32
    %scan3A_241 = arith.constant 32 : i32
    %scan3A_242 = arith.addi %scan3A_240, %scan3A_241 : i32
    %scan3A_243 = arith.constant 1 : i32
    %scan3A_244 = scf.for %scan3A_246 = %scan3A_240 to %scan3A_242 step %scan3A_243 iter_args(%scan3A_247 = %scan3A_239) -> (i32)  : i32 {
      %mul3A_248 = arith.constant 256 : i32
      %mul3A_249 = arith.muli %scan3A_246, %mul3A_248 : i32
      %add3A_250 = arith.constant 0 : i32
      %add3A_251 = arith.addi %mul3A_249, %add3A_250 : i32
      %get3A = arith.index_cast %add3A_251 : i32 to index
      %get3A_252 = tpu.vector_load %arg4[%get3A] {strides = array<i32>} : memref<8192xf32, #tpu.memory_space<vmem>>, vector<16xf32>,
      %get3A_253 = vector.shape_cast %get3A_252 : vector<16xf32> to vector<16xf32>
      %gt3A = vector.broadcast %select_n3A_238 : f32 to vector<16xf32>
      %gt3A_254 = arith.cmpf ogt, %get3A_253, %gt3A : vector<16xf32>
      %jit3A_255 = arith.constant 1.000000e+00 : f32
      %jit3A_256 = arith.constant 0.000000e+00 : f32
      %broadcast_in_dim3A_257 = vector.broadcast %jit3A_255 : f32 to vector<16xf32>
      %broadcast_in_dim3A_258 = vector.broadcast %jit3A_256 : f32 to vector<16xf32>
      %select_n3A_259 = arith.select %gt3A_254, %broadcast_in_dim3A_257, %broadcast_in_dim3A_258 : vector<16xi1>, vector<16xf32>
      %add3A_260 = arith.constant 0 : i32
      %add3A_261 = arith.addi %mul3A_249, %add3A_260 : i32
      %swap3A = arith.index_cast %add3A_261 : i32 to index
      %swap3A_262 = tpu.vector_load %arg5[%swap3A] {strides = array<i32>} : memref<8192xf32, #tpu.memory_space<vmem>>, vector<16xf32>,
      %swap3A_263 = vector.shape_cast %swap3A_262 : vector<16xf32> to vector<16xf32>
      %swap3A_264 = vector.shape_cast %select_n3A_259 : vector<16xf32> to vector<16xf32>
      tpu.vector_store %arg5[%swap3A], %swap3A_264 {strides = array<i32>} : memref<8192xf32, #tpu.memory_space<vmem>>, vector<16xf32>,
      %add3A_265 = arith.constant 16 : i32
      %add3A_266 = arith.addi %mul3A_249, %add3A_265 : i32
      %get3A_267 = arith.index_cast %add3A_266 : i32 to index
      %get3A_268 = tpu.vector_load %arg4[%get3A_267] {strides = array<i32>} : memref<8192xf32, #tpu.memory_space<vmem>>, vector<16xf32>,
      %get3A_269 = vector.shape_cast %get3A_268 : vector<16xf32> to vector<16xf32>
      %gt3A_270 = vector.broadcast %select_n3A_238 : f32 to vector<16xf32>
      %gt3A_271 = arith.cmpf ogt, %get3A_269, %gt3A_270 : vector<16xf32>
      %jit3A_272 = arith.constant 1.000000e+00 : f32
      %jit3A_273 = arith.constant 0.000000e+00 : f32
      %broadcast_in_dim3A_274 = vector.broadcast %jit3A_272 : f32 to vector<16xf32>
      %broadcast_in_dim3A_275 = vector.broadcast %jit3A_273 : f32 to vector<16xf32>
      %select_n3A_276 = arith.select %gt3A_271, %broadcast_in_dim3A_274, %broadcast_in_dim3A_275 : vector<16xi1>, vector<16xf32>
      %add3A_277 = arith.constant 16 : i32
      %add3A_278 = arith.addi %mul3A_249, %add3A_277 : i32
      %swap3A_279 = arith.index_cast %add3A_278 : i32 to index
      %swap3A_280 = tpu.vector_load %arg5[%swap3A_279] {strides = array<i32>} : memref<8192xf32, #tpu.memory_space<vmem>>, vector<16xf32>,
      %swap3A_281 = vector.shape_cast %swap3A_280 : vector<16xf32> to vector<16xf32>
      %swap3A_282 = vector.shape_cast %select_n3A_276 : vector<16xf32> to vector<16xf32>
      tpu.vector_store %arg5[%swap3A_279], %swap3A_282 {strides = array<i32>} : memref<8192xf32, #tpu.memory_space<vmem>>, vector<16xf32>,
      %add3A_283 = arith.constant 32 : i32
      %add3A_284 = arith.addi %mul3A_249, %add3A_283 : i32
      %get3A_285 = arith.index_cast %add3A_284 : i32 to index
      %get3A_286 = tpu.vector_load %arg4[%get3A_285] {strides = array<i32>} : memref<8192xf32, #tpu.memory_space<vmem>>, vector<16xf32>,
      %get3A_287 = vector.shape_cast %get3A_286 : vector<16xf32> to vector<16xf32>
      %gt3A_288 = vector.broadcast %select_n3A_238 : f32 to vector<16xf32>
      %gt3A_289 = arith.cmpf ogt, %get3A_287, %gt3A_288 : vector<16xf32>
      %jit3A_290 = arith.constant 1.000000e+00 : f32
      %jit3A_291 = arith.constant 0.000000e+00 : f32
      %broadcast_in_dim3A_292 = vector.broadcast %jit3A_290 : f32 to vector<16xf32>
      %broadcast_in_dim3A_293 = vector.broadcast %jit3A_291 : f32 to vector<16xf32>
      %select_n3A_294 = arith.select %gt3A_289, %broadcast_in_dim3A_292, %broadcast_in_dim3A_293 : vector<16xi1>, vector<16xf32>
      %add3A_295 = arith.constant 32 : i32
      %add3A_296 = arith.addi %mul3A_249, %add3A_295 : i32
      %swap3A_297 = arith.index_cast %add3A_296 : i32 to index
      %swap3A_298 = tpu.vector_load %arg5[%swap3A_297] {strides = array<i32>} : memref<8192xf32, #tpu.memory_space<vmem>>, vector<16xf32>,
      %swap3A_299 = vector.shape_cast %swap3A_298 : vector<16xf32> to vector<16xf32>
      %swap3A_300 = vector.shape_cast %select_n3A_294 : vector<16xf32> to vector<16xf32>
      tpu.vector_store %arg5[%swap3A_297], %swap3A_300 {strides = array<i32>} : memref<8192xf32, #tpu.memory_space<vmem>>, vector<16xf32>,
      %add3A_301 = arith.constant 48 : i32
      %add3A_302 = arith.addi %mul3A_249, %add3A_301 : i32
      %get3A_303 = arith.index_cast %add3A_302 : i32 to index
      %get3A_304 = tpu.vector_load %arg4[%get3A_303] {strides = array<i32>} : memref<8192xf32, #tpu.memory_space<vmem>>, vector<16xf32>,
      %get3A_305 = vector.shape_cast %get3A_304 : vector<16xf32> to vector<16xf32>
      %gt3A_306 = vector.broadcast %select_n3A_238 : f32 to vector<16xf32>
      %gt3A_307 = arith.cmpf ogt, %get3A_305, %gt3A_306 : vector<16xf32>
      %jit3A_308 = arith.constant 1.000000e+00 : f32
      %jit3A_309 = arith.constant 0.000000e+00 : f32
      %broadcast_in_dim3A_310 = vector.broadcast %jit3A_308 : f32 to vector<16xf32>
      %broadcast_in_dim3A_311 = vector.broadcast %jit3A_309 : f32 to vector<16xf32>
      %select_n3A_312 = arith.select %gt3A_307, %broadcast_in_dim3A_310, %broadcast_in_dim3A_311 : vector<16xi1>, vector<16xf32>
      %add3A_313 = arith.constant 48 : i32
      %add3A_314 = arith.addi %mul3A_249, %add3A_313 : i32
      %swap3A_315 = arith.index_cast %add3A_314 : i32 to index
      %swap3A_316 = tpu.vector_load %arg5[%swap3A_315] {strides = array<i32>} : memref<8192xf32, #tpu.memory_space<vmem>>, vector<16xf32>,
      %swap3A_317 = vector.shape_cast %swap3A_316 : vector<16xf32> to vector<16xf32>
      %swap3A_318 = vector.shape_cast %select_n3A_312 : vector<16xf32> to vector<16xf32>
      tpu.vector_store %arg5[%swap3A_315], %swap3A_318 {strides = array<i32>} : memref<8192xf32, #tpu.memory_space<vmem>>, vector<16xf32>,
      %add3A_319 = arith.constant 64 : i32
      %add3A_320 = arith.addi %mul3A_249, %add3A_319 : i32
      %get3A_321 = arith.index_cast %add3A_320 : i32 to index
      %get3A_322 = tpu.vector_load %arg4[%get3A_321] {strides = array<i32>} : memref<8192xf32, #tpu.memory_space<vmem>>, vector<16xf32>,
      %get3A_323 = vector.shape_cast %get3A_322 : vector<16xf32> to vector<16xf32>
      %gt3A_324 = vector.broadcast %select_n3A_238 : f32 to vector<16xf32>
      %gt3A_325 = arith.cmpf ogt, %get3A_323, %gt3A_324 : vector<16xf32>
      %jit3A_326 = arith.constant 1.000000e+00 : f32
      %jit3A_327 = arith.constant 0.000000e+00 : f32
      %broadcast_in_dim3A_328 = vector.broadcast %jit3A_326 : f32 to vector<16xf32>
      %broadcast_in_dim3A_329 = vector.broadcast %jit3A_327 : f32 to vector<16xf32>
      %select_n3A_330 = arith.select %gt3A_325, %broadcast_in_dim3A_328, %broadcast_in_dim3A_329 : vector<16xi1>, vector<16xf32>
      %add3A_331 = arith.constant 64 : i32
      %add3A_332 = arith.addi %mul3A_249, %add3A_331 : i32
      %swap3A_333 = arith.index_cast %add3A_332 : i32 to index
      %swap3A_334 = tpu.vector_load %arg5[%swap3A_333] {strides = array<i32>} : memref<8192xf32, #tpu.memory_space<vmem>>, vector<16xf32>,
      %swap3A_335 = vector.shape_cast %swap3A_334 : vector<16xf32> to vector<16xf32>
      %swap3A_336 = vector.shape_cast %select_n3A_330 : vector<16xf32> to vector<16xf32>
      tpu.vector_store %arg5[%swap3A_333], %swap3A_336 {strides = array<i32>} : memref<8192xf32, #tpu.memory_space<vmem>>, vector<16xf32>,
      %add3A_337 = arith.constant 80 : i32
      %add3A_338 = arith.addi %mul3A_249, %add3A_337 : i32
      %get3A_339 = arith.index_cast %add3A_338 : i32 to index
      %get3A_340 = tpu.vector_load %arg4[%get3A_339] {strides = array<i32>} : memref<8192xf32, #tpu.memory_space<vmem>>, vector<16xf32>,
      %get3A_341 = vector.shape_cast %get3A_340 : vector<16xf32> to vector<16xf32>
      %gt3A_342 = vector.broadcast %select_n3A_238 : f32 to vector<16xf32>
      %gt3A_343 = arith.cmpf ogt, %get3A_341, %gt3A_342 : vector<16xf32>
      %jit3A_344 = arith.constant 1.000000e+00 : f32
      %jit3A_345 = arith.constant 0.000000e+00 : f32
      %broadcast_in_dim3A_346 = vector.broadcast %jit3A_344 : f32 to vector<16xf32>
      %broadcast_in_dim3A_347 = vector.broadcast %jit3A_345 : f32 to vector<16xf32>
      %select_n3A_348 = arith.select %gt3A_343, %broadcast_in_dim3A_346, %broadcast_in_dim3A_347 : vector<16xi1>, vector<16xf32>
      %add3A_349 = arith.constant 80 : i32
      %add3A_350 = arith.addi %mul3A_249, %add3A_349 : i32
      %swap3A_351 = arith.index_cast %add3A_350 : i32 to index
      %swap3A_352 = tpu.vector_load %arg5[%swap3A_351] {strides = array<i32>} : memref<8192xf32, #tpu.memory_space<vmem>>, vector<16xf32>,
      %swap3A_353 = vector.shape_cast %swap3A_352 : vector<16xf32> to vector<16xf32>
      %swap3A_354 = vector.shape_cast %select_n3A_348 : vector<16xf32> to vector<16xf32>
      tpu.vector_store %arg5[%swap3A_351], %swap3A_354 {strides = array<i32>} : memref<8192xf32, #tpu.memory_space<vmem>>, vector<16xf32>,
      %add3A_355 = arith.constant 96 : i32
      %add3A_356 = arith.addi %mul3A_249, %add3A_355 : i32
      %get3A_357 = arith.index_cast %add3A_356 : i32 to index
      %get3A_358 = tpu.vector_load %arg4[%get3A_357] {strides = array<i32>} : memref<8192xf32, #tpu.memory_space<vmem>>, vector<16xf32>,
      %get3A_359 = vector.shape_cast %get3A_358 : vector<16xf32> to vector<16xf32>
      %gt3A_360 = vector.broadcast %select_n3A_238 : f32 to vector<16xf32>
      %gt3A_361 = arith.cmpf ogt, %get3A_359, %gt3A_360 : vector<16xf32>
      %jit3A_362 = arith.constant 1.000000e+00 : f32
      %jit3A_363 = arith.constant 0.000000e+00 : f32
      %broadcast_in_dim3A_364 = vector.broadcast %jit3A_362 : f32 to vector<16xf32>
      %broadcast_in_dim3A_365 = vector.broadcast %jit3A_363 : f32 to vector<16xf32>
      %select_n3A_366 = arith.select %gt3A_361, %broadcast_in_dim3A_364, %broadcast_in_dim3A_365 : vector<16xi1>, vector<16xf32>
      %add3A_367 = arith.constant 96 : i32
      %add3A_368 = arith.addi %mul3A_249, %add3A_367 : i32
      %swap3A_369 = arith.index_cast %add3A_368 : i32 to index
      %swap3A_370 = tpu.vector_load %arg5[%swap3A_369] {strides = array<i32>} : memref<8192xf32, #tpu.memory_space<vmem>>, vector<16xf32>,
      %swap3A_371 = vector.shape_cast %swap3A_370 : vector<16xf32> to vector<16xf32>
      %swap3A_372 = vector.shape_cast %select_n3A_366 : vector<16xf32> to vector<16xf32>
      tpu.vector_store %arg5[%swap3A_369], %swap3A_372 {strides = array<i32>} : memref<8192xf32, #tpu.memory_space<vmem>>, vector<16xf32>,
      %add3A_373 = arith.constant 112 : i32
      %add3A_374 = arith.addi %mul3A_249, %add3A_373 : i32
      %get3A_375 = arith.index_cast %add3A_374 : i32 to index
      %get3A_376 = tpu.vector_load %arg4[%get3A_375] {strides = array<i32>} : memref<8192xf32, #tpu.memory_space<vmem>>, vector<16xf32>,
      %get3A_377 = vector.shape_cast %get3A_376 : vector<16xf32> to vector<16xf32>
      %gt3A_378 = vector.broadcast %select_n3A_238 : f32 to vector<16xf32>
      %gt3A_379 = arith.cmpf ogt, %get3A_377, %gt3A_378 : vector<16xf32>
      %jit3A_380 = arith.constant 1.000000e+00 : f32
      %jit3A_381 = arith.constant 0.000000e+00 : f32
      %broadcast_in_dim3A_382 = vector.broadcast %jit3A_380 : f32 to vector<16xf32>
      %broadcast_in_dim3A_383 = vector.broadcast %jit3A_381 : f32 to vector<16xf32>
      %select_n3A_384 = arith.select %gt3A_379, %broadcast_in_dim3A_382, %broadcast_in_dim3A_383 : vector<16xi1>, vector<16xf32>
      %add3A_385 = arith.constant 112 : i32
      %add3A_386 = arith.addi %mul3A_249, %add3A_385 : i32
      %swap3A_387 = arith.index_cast %add3A_386 : i32 to index
      %swap3A_388 = tpu.vector_load %arg5[%swap3A_387] {strides = array<i32>} : memref<8192xf32, #tpu.memory_space<vmem>>, vector<16xf32>,
      %swap3A_389 = vector.shape_cast %swap3A_388 : vector<16xf32> to vector<16xf32>
      %swap3A_390 = vector.shape_cast %select_n3A_384 : vector<16xf32> to vector<16xf32>
      tpu.vector_store %arg5[%swap3A_387], %swap3A_390 {strides = array<i32>} : memref<8192xf32, #tpu.memory_space<vmem>>, vector<16xf32>,
      %add3A_391 = arith.constant 128 : i32
      %add3A_392 = arith.addi %mul3A_249, %add3A_391 : i32
      %get3A_393 = arith.index_cast %add3A_392 : i32 to index
      %get3A_394 = tpu.vector_load %arg4[%get3A_393] {strides = array<i32>} : memref<8192xf32, #tpu.memory_space<vmem>>, vector<16xf32>,
      %get3A_395 = vector.shape_cast %get3A_394 : vector<16xf32> to vector<16xf32>
      %gt3A_396 = vector.broadcast %select_n3A_238 : f32 to vector<16xf32>
      %gt3A_397 = arith.cmpf ogt, %get3A_395, %gt3A_396 : vector<16xf32>
      %jit3A_398 = arith.constant 1.000000e+00 : f32
      %jit3A_399 = arith.constant 0.000000e+00 : f32
      %broadcast_in_dim3A_400 = vector.broadcast %jit3A_398 : f32 to vector<16xf32>
      %broadcast_in_dim3A_401 = vector.broadcast %jit3A_399 : f32 to vector<16xf32>
      %select_n3A_402 = arith.select %gt3A_397, %broadcast_in_dim3A_400, %broadcast_in_dim3A_401 : vector<16xi1>, vector<16xf32>
      %add3A_403 = arith.constant 128 : i32
      %add3A_404 = arith.addi %mul3A_249, %add3A_403 : i32
      %swap3A_405 = arith.index_cast %add3A_404 : i32 to index
      %swap3A_406 = tpu.vector_load %arg5[%swap3A_405] {strides = array<i32>} : memref<8192xf32, #tpu.memory_space<vmem>>, vector<16xf32>,
      %swap3A_407 = vector.shape_cast %swap3A_406 : vector<16xf32> to vector<16xf32>
      %swap3A_408 = vector.shape_cast %select_n3A_402 : vector<16xf32> to vector<16xf32>
      tpu.vector_store %arg5[%swap3A_405], %swap3A_408 {strides = array<i32>} : memref<8192xf32, #tpu.memory_space<vmem>>, vector<16xf32>,
      %add3A_409 = arith.constant 144 : i32
      %add3A_410 = arith.addi %mul3A_249, %add3A_409 : i32
      %get3A_411 = arith.index_cast %add3A_410 : i32 to index
      %get3A_412 = tpu.vector_load %arg4[%get3A_411] {strides = array<i32>} : memref<8192xf32, #tpu.memory_space<vmem>>, vector<16xf32>,
      %get3A_413 = vector.shape_cast %get3A_412 : vector<16xf32> to vector<16xf32>
      %gt3A_414 = vector.broadcast %select_n3A_238 : f32 to vector<16xf32>
      %gt3A_415 = arith.cmpf ogt, %get3A_413, %gt3A_414 : vector<16xf32>
      %jit3A_416 = arith.constant 1.000000e+00 : f32
      %jit3A_417 = arith.constant 0.000000e+00 : f32
      %broadcast_in_dim3A_418 = vector.broadcast %jit3A_416 : f32 to vector<16xf32>
      %broadcast_in_dim3A_419 = vector.broadcast %jit3A_417 : f32 to vector<16xf32>
      %select_n3A_420 = arith.select %gt3A_415, %broadcast_in_dim3A_418, %broadcast_in_dim3A_419 : vector<16xi1>, vector<16xf32>
      %add3A_421 = arith.constant 144 : i32
      %add3A_422 = arith.addi %mul3A_249, %add3A_421 : i32
      %swap3A_423 = arith.index_cast %add3A_422 : i32 to index
      %swap3A_424 = tpu.vector_load %arg5[%swap3A_423] {strides = array<i32>} : memref<8192xf32, #tpu.memory_space<vmem>>, vector<16xf32>,
      %swap3A_425 = vector.shape_cast %swap3A_424 : vector<16xf32> to vector<16xf32>
      %swap3A_426 = vector.shape_cast %select_n3A_420 : vector<16xf32> to vector<16xf32>
      tpu.vector_store %arg5[%swap3A_423], %swap3A_426 {strides = array<i32>} : memref<8192xf32, #tpu.memory_space<vmem>>, vector<16xf32>,
      %add3A_427 = arith.constant 160 : i32
      %add3A_428 = arith.addi %mul3A_249, %add3A_427 : i32
      %get3A_429 = arith.index_cast %add3A_428 : i32 to index
      %get3A_430 = tpu.vector_load %arg4[%get3A_429] {strides = array<i32>} : memref<8192xf32, #tpu.memory_space<vmem>>, vector<16xf32>,
      %get3A_431 = vector.shape_cast %get3A_430 : vector<16xf32> to vector<16xf32>
      %gt3A_432 = vector.broadcast %select_n3A_238 : f32 to vector<16xf32>
      %gt3A_433 = arith.cmpf ogt, %get3A_431, %gt3A_432 : vector<16xf32>
      %jit3A_434 = arith.constant 1.000000e+00 : f32
      %jit3A_435 = arith.constant 0.000000e+00 : f32
      %broadcast_in_dim3A_436 = vector.broadcast %jit3A_434 : f32 to vector<16xf32>
      %broadcast_in_dim3A_437 = vector.broadcast %jit3A_435 : f32 to vector<16xf32>
      %select_n3A_438 = arith.select %gt3A_433, %broadcast_in_dim3A_436, %broadcast_in_dim3A_437 : vector<16xi1>, vector<16xf32>
      %add3A_439 = arith.constant 160 : i32
      %add3A_440 = arith.addi %mul3A_249, %add3A_439 : i32
      %swap3A_441 = arith.index_cast %add3A_440 : i32 to index
      %swap3A_442 = tpu.vector_load %arg5[%swap3A_441] {strides = array<i32>} : memref<8192xf32, #tpu.memory_space<vmem>>, vector<16xf32>,
      %swap3A_443 = vector.shape_cast %swap3A_442 : vector<16xf32> to vector<16xf32>
      %swap3A_444 = vector.shape_cast %select_n3A_438 : vector<16xf32> to vector<16xf32>
      tpu.vector_store %arg5[%swap3A_441], %swap3A_444 {strides = array<i32>} : memref<8192xf32, #tpu.memory_space<vmem>>, vector<16xf32>,
      %add3A_445 = arith.constant 176 : i32
      %add3A_446 = arith.addi %mul3A_249, %add3A_445 : i32
      %get3A_447 = arith.index_cast %add3A_446 : i32 to index
      %get3A_448 = tpu.vector_load %arg4[%get3A_447] {strides = array<i32>} : memref<8192xf32, #tpu.memory_space<vmem>>, vector<16xf32>,
      %get3A_449 = vector.shape_cast %get3A_448 : vector<16xf32> to vector<16xf32>
      %gt3A_450 = vector.broadcast %select_n3A_238 : f32 to vector<16xf32>
      %gt3A_451 = arith.cmpf ogt, %get3A_449, %gt3A_450 : vector<16xf32>
      %jit3A_452 = arith.constant 1.000000e+00 : f32
      %jit3A_453 = arith.constant 0.000000e+00 : f32
      %broadcast_in_dim3A_454 = vector.broadcast %jit3A_452 : f32 to vector<16xf32>
      %broadcast_in_dim3A_455 = vector.broadcast %jit3A_453 : f32 to vector<16xf32>
      %select_n3A_456 = arith.select %gt3A_451, %broadcast_in_dim3A_454, %broadcast_in_dim3A_455 : vector<16xi1>, vector<16xf32>
      %add3A_457 = arith.constant 176 : i32
      %add3A_458 = arith.addi %mul3A_249, %add3A_457 : i32
      %swap3A_459 = arith.index_cast %add3A_458 : i32 to index
      %swap3A_460 = tpu.vector_load %arg5[%swap3A_459] {strides = array<i32>} : memref<8192xf32, #tpu.memory_space<vmem>>, vector<16xf32>,
      %swap3A_461 = vector.shape_cast %swap3A_460 : vector<16xf32> to vector<16xf32>
      %swap3A_462 = vector.shape_cast %select_n3A_456 : vector<16xf32> to vector<16xf32>
      tpu.vector_store %arg5[%swap3A_459], %swap3A_462 {strides = array<i32>} : memref<8192xf32, #tpu.memory_space<vmem>>, vector<16xf32>,
      %add3A_463 = arith.constant 192 : i32
      %add3A_464 = arith.addi %mul3A_249, %add3A_463 : i32
      %get3A_465 = arith.index_cast %add3A_464 : i32 to index
      %get3A_466 = tpu.vector_load %arg4[%get3A_465] {strides = array<i32>} : memref<8192xf32, #tpu.memory_space<vmem>>, vector<16xf32>,
      %get3A_467 = vector.shape_cast %get3A_466 : vector<16xf32> to vector<16xf32>
      %gt3A_468 = vector.broadcast %select_n3A_238 : f32 to vector<16xf32>
      %gt3A_469 = arith.cmpf ogt, %get3A_467, %gt3A_468 : vector<16xf32>
      %jit3A_470 = arith.constant 1.000000e+00 : f32
      %jit3A_471 = arith.constant 0.000000e+00 : f32
      %broadcast_in_dim3A_472 = vector.broadcast %jit3A_470 : f32 to vector<16xf32>
      %broadcast_in_dim3A_473 = vector.broadcast %jit3A_471 : f32 to vector<16xf32>
      %select_n3A_474 = arith.select %gt3A_469, %broadcast_in_dim3A_472, %broadcast_in_dim3A_473 : vector<16xi1>, vector<16xf32>
      %add3A_475 = arith.constant 192 : i32
      %add3A_476 = arith.addi %mul3A_249, %add3A_475 : i32
      %swap3A_477 = arith.index_cast %add3A_476 : i32 to index
      %swap3A_478 = tpu.vector_load %arg5[%swap3A_477] {strides = array<i32>} : memref<8192xf32, #tpu.memory_space<vmem>>, vector<16xf32>,
      %swap3A_479 = vector.shape_cast %swap3A_478 : vector<16xf32> to vector<16xf32>
      %swap3A_480 = vector.shape_cast %select_n3A_474 : vector<16xf32> to vector<16xf32>
      tpu.vector_store %arg5[%swap3A_477], %swap3A_480 {strides = array<i32>} : memref<8192xf32, #tpu.memory_space<vmem>>, vector<16xf32>,
      %add3A_481 = arith.constant 208 : i32
      %add3A_482 = arith.addi %mul3A_249, %add3A_481 : i32
      %get3A_483 = arith.index_cast %add3A_482 : i32 to index
      %get3A_484 = tpu.vector_load %arg4[%get3A_483] {strides = array<i32>} : memref<8192xf32, #tpu.memory_space<vmem>>, vector<16xf32>,
      %get3A_485 = vector.shape_cast %get3A_484 : vector<16xf32> to vector<16xf32>
      %gt3A_486 = vector.broadcast %select_n3A_238 : f32 to vector<16xf32>
      %gt3A_487 = arith.cmpf ogt, %get3A_485, %gt3A_486 : vector<16xf32>
      %jit3A_488 = arith.constant 1.000000e+00 : f32
      %jit3A_489 = arith.constant 0.000000e+00 : f32
      %broadcast_in_dim3A_490 = vector.broadcast %jit3A_488 : f32 to vector<16xf32>
      %broadcast_in_dim3A_491 = vector.broadcast %jit3A_489 : f32 to vector<16xf32>
      %select_n3A_492 = arith.select %gt3A_487, %broadcast_in_dim3A_490, %broadcast_in_dim3A_491 : vector<16xi1>, vector<16xf32>
      %add3A_493 = arith.constant 208 : i32
      %add3A_494 = arith.addi %mul3A_249, %add3A_493 : i32
      %swap3A_495 = arith.index_cast %add3A_494 : i32 to index
      %swap3A_496 = tpu.vector_load %arg5[%swap3A_495] {strides = array<i32>} : memref<8192xf32, #tpu.memory_space<vmem>>, vector<16xf32>,
      %swap3A_497 = vector.shape_cast %swap3A_496 : vector<16xf32> to vector<16xf32>
      %swap3A_498 = vector.shape_cast %select_n3A_492 : vector<16xf32> to vector<16xf32>
      tpu.vector_store %arg5[%swap3A_495], %swap3A_498 {strides = array<i32>} : memref<8192xf32, #tpu.memory_space<vmem>>, vector<16xf32>,
      %add3A_499 = arith.constant 224 : i32
      %add3A_500 = arith.addi %mul3A_249, %add3A_499 : i32
      %get3A_501 = arith.index_cast %add3A_500 : i32 to index
      %get3A_502 = tpu.vector_load %arg4[%get3A_501] {strides = array<i32>} : memref<8192xf32, #tpu.memory_space<vmem>>, vector<16xf32>,
      %get3A_503 = vector.shape_cast %get3A_502 : vector<16xf32> to vector<16xf32>
      %gt3A_504 = vector.broadcast %select_n3A_238 : f32 to vector<16xf32>
      %gt3A_505 = arith.cmpf ogt, %get3A_503, %gt3A_504 : vector<16xf32>
      %jit3A_506 = arith.constant 1.000000e+00 : f32
      %jit3A_507 = arith.constant 0.000000e+00 : f32
      %broadcast_in_dim3A_508 = vector.broadcast %jit3A_506 : f32 to vector<16xf32>
      %broadcast_in_dim3A_509 = vector.broadcast %jit3A_507 : f32 to vector<16xf32>
      %select_n3A_510 = arith.select %gt3A_505, %broadcast_in_dim3A_508, %broadcast_in_dim3A_509 : vector<16xi1>, vector<16xf32>
      %add3A_511 = arith.constant 224 : i32
      %add3A_512 = arith.addi %mul3A_249, %add3A_511 : i32
      %swap3A_513 = arith.index_cast %add3A_512 : i32 to index
      %swap3A_514 = tpu.vector_load %arg5[%swap3A_513] {strides = array<i32>} : memref<8192xf32, #tpu.memory_space<vmem>>, vector<16xf32>,
      %swap3A_515 = vector.shape_cast %swap3A_514 : vector<16xf32> to vector<16xf32>
      %swap3A_516 = vector.shape_cast %select_n3A_510 : vector<16xf32> to vector<16xf32>
      tpu.vector_store %arg5[%swap3A_513], %swap3A_516 {strides = array<i32>} : memref<8192xf32, #tpu.memory_space<vmem>>, vector<16xf32>,
      %add3A_517 = arith.constant 240 : i32
      %add3A_518 = arith.addi %mul3A_249, %add3A_517 : i32
      %get3A_519 = arith.index_cast %add3A_518 : i32 to index
      %get3A_520 = tpu.vector_load %arg4[%get3A_519] {strides = array<i32>} : memref<8192xf32, #tpu.memory_space<vmem>>, vector<16xf32>,
      %get3A_521 = vector.shape_cast %get3A_520 : vector<16xf32> to vector<16xf32>
      %gt3A_522 = vector.broadcast %select_n3A_238 : f32 to vector<16xf32>
      %gt3A_523 = arith.cmpf ogt, %get3A_521, %gt3A_522 : vector<16xf32>
      %jit3A_524 = arith.constant 1.000000e+00 : f32
      %jit3A_525 = arith.constant 0.000000e+00 : f32
      %broadcast_in_dim3A_526 = vector.broadcast %jit3A_524 : f32 to vector<16xf32>
      %broadcast_in_dim3A_527 = vector.broadcast %jit3A_525 : f32 to vector<16xf32>
      %select_n3A_528 = arith.select %gt3A_523, %broadcast_in_dim3A_526, %broadcast_in_dim3A_527 : vector<16xi1>, vector<16xf32>
      %add3A_529 = arith.constant 240 : i32
      %add3A_530 = arith.addi %mul3A_249, %add3A_529 : i32
      %swap3A_531 = arith.index_cast %add3A_530 : i32 to index
      %swap3A_532 = tpu.vector_load %arg5[%swap3A_531] {strides = array<i32>} : memref<8192xf32, #tpu.memory_space<vmem>>, vector<16xf32>,
      %swap3A_533 = vector.shape_cast %swap3A_532 : vector<16xf32> to vector<16xf32>
      %swap3A_534 = vector.shape_cast %select_n3A_528 : vector<16xf32> to vector<16xf32>
      tpu.vector_store %arg5[%swap3A_531], %swap3A_534 {strides = array<i32>} : memref<8192xf32, #tpu.memory_space<vmem>>, vector<16xf32>,
      %scan3A_535 = arith.constant 0 : i32
      scf.yield %scan3A_535 : i32
    }
    %scan3A_245 = arith.constant 32 : i32
    "tpu.region"() ({
      %run_scoped3A = tpu.sem_alloc : memref<!tpu.dma_semaphore, #tpu.memory_space<semaphore_mem>>
      %dma_start3A = arith.constant 0 : i32
      %dma_start3A_246 = tpu.memref_slice %arg3[%add3A_4, %dma_start3A] : memref<32x8192xf32, #tpu.memory_space<hbm>> -> memref<1x8192xf32, #tpu.memory_space<hbm>>
      %dma_start3A_247 = tpu.memref_squeeze %dma_start3A_246 : memref<1x8192xf32, #tpu.memory_space<hbm>> -> memref<8192xf32, #tpu.memory_space<hbm>>
      %dma_start3A_248 = arith.constant 0 : i32
      %dma_start3A_249 = tpu.memref_slice %arg3[%add3A_4, %dma_start3A_248] : memref<32x8192xf32, #tpu.memory_space<hbm>> -> memref<1x8192xf32, #tpu.memory_space<hbm>>
      %dma_start3A_250 = tpu.memref_squeeze %dma_start3A_249 : memref<1x8192xf32, #tpu.memory_space<hbm>> -> memref<8192xf32, #tpu.memory_space<hbm>>
      tpu.enqueue_dma source(%arg5 : memref<8192xf32, #tpu.memory_space<vmem>>) target(%dma_start3A_250 : memref<8192xf32, #tpu.memory_space<hbm>>) target_semaphore(%run_scoped3A : memref<!tpu.dma_semaphore, #tpu.memory_space<semaphore_mem>>)
      %dma_wait3A = arith.constant 0 : i32
      %dma_wait3A_251 = tpu.memref_slice %arg3[%add3A_4, %dma_wait3A] : memref<32x8192xf32, #tpu.memory_space<hbm>> -> memref<1x8192xf32, #tpu.memory_space<hbm>>
      %dma_wait3A_252 = tpu.memref_squeeze %dma_wait3A_251 : memref<1x8192xf32, #tpu.memory_space<hbm>> -> memref<8192xf32, #tpu.memory_space<hbm>>
      %dma_wait3A_253 = arith.constant 0 : i32
      %dma_wait3A_254 = tpu.memref_slice %arg3[%add3A_4, %dma_wait3A_253] : memref<32x8192xf32, #tpu.memory_space<hbm>> -> memref<1x8192xf32, #tpu.memory_space<hbm>>
      %dma_wait3A_255 = tpu.memref_squeeze %dma_wait3A_254 : memref<1x8192xf32, #tpu.memory_space<hbm>> -> memref<8192xf32, #tpu.memory_space<hbm>>
      tpu.wait_dma2 semaphore(%run_scoped3A : memref<!tpu.dma_semaphore, #tpu.memory_space<semaphore_mem>>) src(%arg5 : memref<8192xf32, #tpu.memory_space<vmem>>) dst(%dma_wait3A_255 : memref<8192xf32, #tpu.memory_space<hbm>>)
      tpu.yield
    }) : () -> ()
    return
  }
}

module attributes {stable_mosaic.version = 14 : i64} {
  func.func @body(%arg0: i32, %arg1: memref<32x8192xf32, #tpu.memory_space<vmem>>, %arg2: memref<32x8192xf32, #tpu.memory_space<vmem>>, %arg3: memref<32x8192xi32, #tpu.memory_space<vmem>>) attributes {dimension_semantics = [#tpu.dimension_semantics<arbitrary>], iteration_bounds = array<i64: 1>, scalar_prefetch = 0 : i64, scratch_operands = 1 : i64, tpu.core_type = #tpu.core_type<tc>, window_params = [{transform_indices = @transform_0, window_bounds = array<i64: 32, 8192>}, {transform_indices = @transform_1, window_bounds = array<i64: 32, 8192>}]} {
    %get3A = arith.constant 0 : index
    %get3A_0 = arith.constant 0 : index
    %get3A_1 = vector.load %arg1[%get3A, %get3A_0] : memref<32x8192xf32, #tpu.memory_space<vmem>>, vector<32x8192xf32>
    %bitcast3A = tpu.bitcast %get3A_1 : vector<32x8192xf32> -> vector<32x8192xi32>
    %ge3A = arith.constant 0 : i32
    %ge3A_2 = vector.broadcast %ge3A : i32 to vector<32x8192xi32>
    %ge3A_3 = arith.cmpi sge, %bitcast3A, %ge3A_2 : vector<32x8192xi32>
    %not3A = arith.constant dense<-1> : vector<32x8192xi32>
    %not3A_4 = arith.xori %bitcast3A, %not3A : vector<32x8192xi32>
    %xor3A = arith.constant -2147483648 : i32
    %xor3A_5 = vector.broadcast %xor3A : i32 to vector<32x8192xi32>
    %xor3A_6 = arith.xori %not3A_4, %xor3A_5 : vector<32x8192xi32>
    %select_n3A = arith.select %ge3A_3, %bitcast3A, %xor3A_6 : vector<32x8192xi1>, vector<32x8192xi32>
    %swap3A = arith.constant 0 : index
    %swap3A_7 = arith.constant 0 : index
    %swap3A_8 = vector.load %arg3[%swap3A, %swap3A_7] : memref<32x8192xi32, #tpu.memory_space<vmem>>, vector<32x8192xi32>
    tpu.vector_store %arg3[%swap3A, %swap3A_7], %select_n3A {strides = array<i32>} : memref<32x8192xi32, #tpu.memory_space<vmem>>, vector<32x8192xi32>,
    %broadcast_in_dim3A = arith.constant 0 : i32
    %broadcast_in_dim3A_9 = vector.broadcast %broadcast_in_dim3A : i32 to vector<32x1xi32>
    %ge3A_10 = vector.broadcast %broadcast_in_dim3A_9 : vector<32x1xi32> to vector<32x8192xi32>
    %ge3A_11 = arith.cmpi sge, %select_n3A, %ge3A_10 : vector<32x8192xi32>
    %jit3A = arith.constant 1 : i32
    %jit3A_12 = arith.constant 0 : i32
    %broadcast_in_dim3A_13 = vector.broadcast %jit3A : i32 to vector<32x8192xi32>
    %broadcast_in_dim3A_14 = vector.broadcast %jit3A_12 : i32 to vector<32x8192xi32>
    %select_n3A_15 = arith.select %ge3A_11, %broadcast_in_dim3A_13, %broadcast_in_dim3A_14 : vector<32x8192xi1>, vector<32x8192xi32>
    %reduce_sum3A = arith.constant dense<0> : vector<32xi32>
    %reduce_sum3A_16 = vector.multi_reduction <add>, %select_n3A_15, %reduce_sum3A [1] : vector<32x8192xi32> to vector<32xi32>
    %broadcast_in_dim3A_17 = vector.shape_cast %reduce_sum3A_16 : vector<32xi32> to vector<32x1xi32>
    %ge3A_18 = arith.constant 410 : i32
    %ge3A_19 = vector.broadcast %ge3A_18 : i32 to vector<32x1xi32>
    %ge3A_20 = arith.cmpi sge, %broadcast_in_dim3A_17, %ge3A_19 : vector<32x1xi32>
    %jit3A_21 = arith.constant 0 : i32
    %jit3A_22 = arith.constant -2147483648 : i32
    %broadcast_in_dim3A_23 = vector.broadcast %jit3A_21 : i32 to vector<32x1xi32>
    %broadcast_in_dim3A_24 = vector.broadcast %jit3A_22 : i32 to vector<32x1xi32>
    %select_n3A_25 = arith.select %ge3A_20, %broadcast_in_dim3A_23, %broadcast_in_dim3A_24 : vector<32x1xi1>, vector<32x1xi32>
    %scan3A = arith.constant 0 : i32
    %sub3A = arith.constant 30 : i32
    %sub3A_26 = arith.subi %sub3A, %scan3A : i32
    %shift_left3A = arith.constant 1 : i32
    %shift_left3A_27 = arith.shli %shift_left3A, %sub3A_26 : i32
    %or3A = vector.broadcast %shift_left3A_27 : i32 to vector<32x1xi32>
    %or3A_28 = arith.ori %select_n3A_25, %or3A : vector<32x1xi32>
    %ge3A_29 = vector.broadcast %or3A_28 : vector<32x1xi32> to vector<32x8192xi32>
    %ge3A_30 = arith.cmpi sge, %select_n3A, %ge3A_29 : vector<32x8192xi32>
    %jit3A_31 = arith.constant 1 : i32
    %jit3A_32 = arith.constant 0 : i32
    %broadcast_in_dim3A_33 = vector.broadcast %jit3A_31 : i32 to vector<32x8192xi32>
    %broadcast_in_dim3A_34 = vector.broadcast %jit3A_32 : i32 to vector<32x8192xi32>
    %select_n3A_35 = arith.select %ge3A_30, %broadcast_in_dim3A_33, %broadcast_in_dim3A_34 : vector<32x8192xi1>, vector<32x8192xi32>
    %reduce_sum3A_36 = arith.constant dense<0> : vector<32xi32>
    %reduce_sum3A_37 = vector.multi_reduction <add>, %select_n3A_35, %reduce_sum3A_36 [1] : vector<32x8192xi32> to vector<32xi32>
    %broadcast_in_dim3A_38 = vector.shape_cast %reduce_sum3A_37 : vector<32xi32> to vector<32x1xi32>
    %ge3A_39 = arith.constant 410 : i32
    %ge3A_40 = vector.broadcast %ge3A_39 : i32 to vector<32x1xi32>
    %ge3A_41 = arith.cmpi sge, %broadcast_in_dim3A_38, %ge3A_40 : vector<32x1xi32>
    %select_n3A_42 = arith.select %ge3A_41, %or3A_28, %select_n3A_25 : vector<32x1xi1>, vector<32x1xi32>
    %scan3A_43 = arith.constant 1 : i32
    %sub3A_44 = arith.constant 30 : i32
    %sub3A_45 = arith.subi %sub3A_44, %scan3A_43 : i32
    %shift_left3A_46 = arith.constant 1 : i32
    %shift_left3A_47 = arith.shli %shift_left3A_46, %sub3A_45 : i32
    %or3A_48 = vector.broadcast %shift_left3A_47 : i32 to vector<32x1xi32>
    %or3A_49 = arith.ori %select_n3A_42, %or3A_48 : vector<32x1xi32>
    %ge3A_50 = vector.broadcast %or3A_49 : vector<32x1xi32> to vector<32x8192xi32>
    %ge3A_51 = arith.cmpi sge, %select_n3A, %ge3A_50 : vector<32x8192xi32>
    %jit3A_52 = arith.constant 1 : i32
    %jit3A_53 = arith.constant 0 : i32
    %broadcast_in_dim3A_54 = vector.broadcast %jit3A_52 : i32 to vector<32x8192xi32>
    %broadcast_in_dim3A_55 = vector.broadcast %jit3A_53 : i32 to vector<32x8192xi32>
    %select_n3A_56 = arith.select %ge3A_51, %broadcast_in_dim3A_54, %broadcast_in_dim3A_55 : vector<32x8192xi1>, vector<32x8192xi32>
    %reduce_sum3A_57 = arith.constant dense<0> : vector<32xi32>
    %reduce_sum3A_58 = vector.multi_reduction <add>, %select_n3A_56, %reduce_sum3A_57 [1] : vector<32x8192xi32> to vector<32xi32>
    %broadcast_in_dim3A_59 = vector.shape_cast %reduce_sum3A_58 : vector<32xi32> to vector<32x1xi32>
    %ge3A_60 = arith.constant 410 : i32
    %ge3A_61 = vector.broadcast %ge3A_60 : i32 to vector<32x1xi32>
    %ge3A_62 = arith.cmpi sge, %broadcast_in_dim3A_59, %ge3A_61 : vector<32x1xi32>
    %select_n3A_63 = arith.select %ge3A_62, %or3A_49, %select_n3A_42 : vector<32x1xi1>, vector<32x1xi32>
    %scan3A_64 = arith.constant 2 : i32
    %sub3A_65 = arith.constant 30 : i32
    %sub3A_66 = arith.subi %sub3A_65, %scan3A_64 : i32
    %shift_left3A_67 = arith.constant 1 : i32
    %shift_left3A_68 = arith.shli %shift_left3A_67, %sub3A_66 : i32
    %or3A_69 = vector.broadcast %shift_left3A_68 : i32 to vector<32x1xi32>
    %or3A_70 = arith.ori %select_n3A_63, %or3A_69 : vector<32x1xi32>
    %ge3A_71 = vector.broadcast %or3A_70 : vector<32x1xi32> to vector<32x8192xi32>
    %ge3A_72 = arith.cmpi sge, %select_n3A, %ge3A_71 : vector<32x8192xi32>
    %jit3A_73 = arith.constant 1 : i32
    %jit3A_74 = arith.constant 0 : i32
    %broadcast_in_dim3A_75 = vector.broadcast %jit3A_73 : i32 to vector<32x8192xi32>
    %broadcast_in_dim3A_76 = vector.broadcast %jit3A_74 : i32 to vector<32x8192xi32>
    %select_n3A_77 = arith.select %ge3A_72, %broadcast_in_dim3A_75, %broadcast_in_dim3A_76 : vector<32x8192xi1>, vector<32x8192xi32>
    %reduce_sum3A_78 = arith.constant dense<0> : vector<32xi32>
    %reduce_sum3A_79 = vector.multi_reduction <add>, %select_n3A_77, %reduce_sum3A_78 [1] : vector<32x8192xi32> to vector<32xi32>
    %broadcast_in_dim3A_80 = vector.shape_cast %reduce_sum3A_79 : vector<32xi32> to vector<32x1xi32>
    %ge3A_81 = arith.constant 410 : i32
    %ge3A_82 = vector.broadcast %ge3A_81 : i32 to vector<32x1xi32>
    %ge3A_83 = arith.cmpi sge, %broadcast_in_dim3A_80, %ge3A_82 : vector<32x1xi32>
    %select_n3A_84 = arith.select %ge3A_83, %or3A_70, %select_n3A_63 : vector<32x1xi1>, vector<32x1xi32>
    %scan3A_85 = arith.constant 3 : i32
    %sub3A_86 = arith.constant 30 : i32
    %sub3A_87 = arith.subi %sub3A_86, %scan3A_85 : i32
    %shift_left3A_88 = arith.constant 1 : i32
    %shift_left3A_89 = arith.shli %shift_left3A_88, %sub3A_87 : i32
    %or3A_90 = vector.broadcast %shift_left3A_89 : i32 to vector<32x1xi32>
    %or3A_91 = arith.ori %select_n3A_84, %or3A_90 : vector<32x1xi32>
    %ge3A_92 = vector.broadcast %or3A_91 : vector<32x1xi32> to vector<32x8192xi32>
    %ge3A_93 = arith.cmpi sge, %select_n3A, %ge3A_92 : vector<32x8192xi32>
    %jit3A_94 = arith.constant 1 : i32
    %jit3A_95 = arith.constant 0 : i32
    %broadcast_in_dim3A_96 = vector.broadcast %jit3A_94 : i32 to vector<32x8192xi32>
    %broadcast_in_dim3A_97 = vector.broadcast %jit3A_95 : i32 to vector<32x8192xi32>
    %select_n3A_98 = arith.select %ge3A_93, %broadcast_in_dim3A_96, %broadcast_in_dim3A_97 : vector<32x8192xi1>, vector<32x8192xi32>
    %reduce_sum3A_99 = arith.constant dense<0> : vector<32xi32>
    %reduce_sum3A_100 = vector.multi_reduction <add>, %select_n3A_98, %reduce_sum3A_99 [1] : vector<32x8192xi32> to vector<32xi32>
    %broadcast_in_dim3A_101 = vector.shape_cast %reduce_sum3A_100 : vector<32xi32> to vector<32x1xi32>
    %ge3A_102 = arith.constant 410 : i32
    %ge3A_103 = vector.broadcast %ge3A_102 : i32 to vector<32x1xi32>
    %ge3A_104 = arith.cmpi sge, %broadcast_in_dim3A_101, %ge3A_103 : vector<32x1xi32>
    %select_n3A_105 = arith.select %ge3A_104, %or3A_91, %select_n3A_84 : vector<32x1xi1>, vector<32x1xi32>
    %scan3A_106 = arith.constant 4 : i32
    %sub3A_107 = arith.constant 30 : i32
    %sub3A_108 = arith.subi %sub3A_107, %scan3A_106 : i32
    %shift_left3A_109 = arith.constant 1 : i32
    %shift_left3A_110 = arith.shli %shift_left3A_109, %sub3A_108 : i32
    %or3A_111 = vector.broadcast %shift_left3A_110 : i32 to vector<32x1xi32>
    %or3A_112 = arith.ori %select_n3A_105, %or3A_111 : vector<32x1xi32>
    %ge3A_113 = vector.broadcast %or3A_112 : vector<32x1xi32> to vector<32x8192xi32>
    %ge3A_114 = arith.cmpi sge, %select_n3A, %ge3A_113 : vector<32x8192xi32>
    %jit3A_115 = arith.constant 1 : i32
    %jit3A_116 = arith.constant 0 : i32
    %broadcast_in_dim3A_117 = vector.broadcast %jit3A_115 : i32 to vector<32x8192xi32>
    %broadcast_in_dim3A_118 = vector.broadcast %jit3A_116 : i32 to vector<32x8192xi32>
    %select_n3A_119 = arith.select %ge3A_114, %broadcast_in_dim3A_117, %broadcast_in_dim3A_118 : vector<32x8192xi1>, vector<32x8192xi32>
    %reduce_sum3A_120 = arith.constant dense<0> : vector<32xi32>
    %reduce_sum3A_121 = vector.multi_reduction <add>, %select_n3A_119, %reduce_sum3A_120 [1] : vector<32x8192xi32> to vector<32xi32>
    %broadcast_in_dim3A_122 = vector.shape_cast %reduce_sum3A_121 : vector<32xi32> to vector<32x1xi32>
    %ge3A_123 = arith.constant 410 : i32
    %ge3A_124 = vector.broadcast %ge3A_123 : i32 to vector<32x1xi32>
    %ge3A_125 = arith.cmpi sge, %broadcast_in_dim3A_122, %ge3A_124 : vector<32x1xi32>
    %select_n3A_126 = arith.select %ge3A_125, %or3A_112, %select_n3A_105 : vector<32x1xi1>, vector<32x1xi32>
    %scan3A_127 = arith.constant 5 : i32
    %sub3A_128 = arith.constant 30 : i32
    %sub3A_129 = arith.subi %sub3A_128, %scan3A_127 : i32
    %shift_left3A_130 = arith.constant 1 : i32
    %shift_left3A_131 = arith.shli %shift_left3A_130, %sub3A_129 : i32
    %or3A_132 = vector.broadcast %shift_left3A_131 : i32 to vector<32x1xi32>
    %or3A_133 = arith.ori %select_n3A_126, %or3A_132 : vector<32x1xi32>
    %ge3A_134 = vector.broadcast %or3A_133 : vector<32x1xi32> to vector<32x8192xi32>
    %ge3A_135 = arith.cmpi sge, %select_n3A, %ge3A_134 : vector<32x8192xi32>
    %jit3A_136 = arith.constant 1 : i32
    %jit3A_137 = arith.constant 0 : i32
    %broadcast_in_dim3A_138 = vector.broadcast %jit3A_136 : i32 to vector<32x8192xi32>
    %broadcast_in_dim3A_139 = vector.broadcast %jit3A_137 : i32 to vector<32x8192xi32>
    %select_n3A_140 = arith.select %ge3A_135, %broadcast_in_dim3A_138, %broadcast_in_dim3A_139 : vector<32x8192xi1>, vector<32x8192xi32>
    %reduce_sum3A_141 = arith.constant dense<0> : vector<32xi32>
    %reduce_sum3A_142 = vector.multi_reduction <add>, %select_n3A_140, %reduce_sum3A_141 [1] : vector<32x8192xi32> to vector<32xi32>
    %broadcast_in_dim3A_143 = vector.shape_cast %reduce_sum3A_142 : vector<32xi32> to vector<32x1xi32>
    %ge3A_144 = arith.constant 410 : i32
    %ge3A_145 = vector.broadcast %ge3A_144 : i32 to vector<32x1xi32>
    %ge3A_146 = arith.cmpi sge, %broadcast_in_dim3A_143, %ge3A_145 : vector<32x1xi32>
    %select_n3A_147 = arith.select %ge3A_146, %or3A_133, %select_n3A_126 : vector<32x1xi1>, vector<32x1xi32>
    %scan3A_148 = arith.constant 6 : i32
    %sub3A_149 = arith.constant 30 : i32
    %sub3A_150 = arith.subi %sub3A_149, %scan3A_148 : i32
    %shift_left3A_151 = arith.constant 1 : i32
    %shift_left3A_152 = arith.shli %shift_left3A_151, %sub3A_150 : i32
    %or3A_153 = vector.broadcast %shift_left3A_152 : i32 to vector<32x1xi32>
    %or3A_154 = arith.ori %select_n3A_147, %or3A_153 : vector<32x1xi32>
    %ge3A_155 = vector.broadcast %or3A_154 : vector<32x1xi32> to vector<32x8192xi32>
    %ge3A_156 = arith.cmpi sge, %select_n3A, %ge3A_155 : vector<32x8192xi32>
    %jit3A_157 = arith.constant 1 : i32
    %jit3A_158 = arith.constant 0 : i32
    %broadcast_in_dim3A_159 = vector.broadcast %jit3A_157 : i32 to vector<32x8192xi32>
    %broadcast_in_dim3A_160 = vector.broadcast %jit3A_158 : i32 to vector<32x8192xi32>
    %select_n3A_161 = arith.select %ge3A_156, %broadcast_in_dim3A_159, %broadcast_in_dim3A_160 : vector<32x8192xi1>, vector<32x8192xi32>
    %reduce_sum3A_162 = arith.constant dense<0> : vector<32xi32>
    %reduce_sum3A_163 = vector.multi_reduction <add>, %select_n3A_161, %reduce_sum3A_162 [1] : vector<32x8192xi32> to vector<32xi32>
    %broadcast_in_dim3A_164 = vector.shape_cast %reduce_sum3A_163 : vector<32xi32> to vector<32x1xi32>
    %ge3A_165 = arith.constant 410 : i32
    %ge3A_166 = vector.broadcast %ge3A_165 : i32 to vector<32x1xi32>
    %ge3A_167 = arith.cmpi sge, %broadcast_in_dim3A_164, %ge3A_166 : vector<32x1xi32>
    %select_n3A_168 = arith.select %ge3A_167, %or3A_154, %select_n3A_147 : vector<32x1xi1>, vector<32x1xi32>
    %scan3A_169 = arith.constant 7 : i32
    %sub3A_170 = arith.constant 30 : i32
    %sub3A_171 = arith.subi %sub3A_170, %scan3A_169 : i32
    %shift_left3A_172 = arith.constant 1 : i32
    %shift_left3A_173 = arith.shli %shift_left3A_172, %sub3A_171 : i32
    %or3A_174 = vector.broadcast %shift_left3A_173 : i32 to vector<32x1xi32>
    %or3A_175 = arith.ori %select_n3A_168, %or3A_174 : vector<32x1xi32>
    %ge3A_176 = vector.broadcast %or3A_175 : vector<32x1xi32> to vector<32x8192xi32>
    %ge3A_177 = arith.cmpi sge, %select_n3A, %ge3A_176 : vector<32x8192xi32>
    %jit3A_178 = arith.constant 1 : i32
    %jit3A_179 = arith.constant 0 : i32
    %broadcast_in_dim3A_180 = vector.broadcast %jit3A_178 : i32 to vector<32x8192xi32>
    %broadcast_in_dim3A_181 = vector.broadcast %jit3A_179 : i32 to vector<32x8192xi32>
    %select_n3A_182 = arith.select %ge3A_177, %broadcast_in_dim3A_180, %broadcast_in_dim3A_181 : vector<32x8192xi1>, vector<32x8192xi32>
    %reduce_sum3A_183 = arith.constant dense<0> : vector<32xi32>
    %reduce_sum3A_184 = vector.multi_reduction <add>, %select_n3A_182, %reduce_sum3A_183 [1] : vector<32x8192xi32> to vector<32xi32>
    %broadcast_in_dim3A_185 = vector.shape_cast %reduce_sum3A_184 : vector<32xi32> to vector<32x1xi32>
    %ge3A_186 = arith.constant 410 : i32
    %ge3A_187 = vector.broadcast %ge3A_186 : i32 to vector<32x1xi32>
    %ge3A_188 = arith.cmpi sge, %broadcast_in_dim3A_185, %ge3A_187 : vector<32x1xi32>
    %select_n3A_189 = arith.select %ge3A_188, %or3A_175, %select_n3A_168 : vector<32x1xi1>, vector<32x1xi32>
    %scan3A_190 = arith.constant 8 : i32
    %sub3A_191 = arith.constant 30 : i32
    %sub3A_192 = arith.subi %sub3A_191, %scan3A_190 : i32
    %shift_left3A_193 = arith.constant 1 : i32
    %shift_left3A_194 = arith.shli %shift_left3A_193, %sub3A_192 : i32
    %or3A_195 = vector.broadcast %shift_left3A_194 : i32 to vector<32x1xi32>
    %or3A_196 = arith.ori %select_n3A_189, %or3A_195 : vector<32x1xi32>
    %ge3A_197 = vector.broadcast %or3A_196 : vector<32x1xi32> to vector<32x8192xi32>
    %ge3A_198 = arith.cmpi sge, %select_n3A, %ge3A_197 : vector<32x8192xi32>
    %jit3A_199 = arith.constant 1 : i32
    %jit3A_200 = arith.constant 0 : i32
    %broadcast_in_dim3A_201 = vector.broadcast %jit3A_199 : i32 to vector<32x8192xi32>
    %broadcast_in_dim3A_202 = vector.broadcast %jit3A_200 : i32 to vector<32x8192xi32>
    %select_n3A_203 = arith.select %ge3A_198, %broadcast_in_dim3A_201, %broadcast_in_dim3A_202 : vector<32x8192xi1>, vector<32x8192xi32>
    %reduce_sum3A_204 = arith.constant dense<0> : vector<32xi32>
    %reduce_sum3A_205 = vector.multi_reduction <add>, %select_n3A_203, %reduce_sum3A_204 [1] : vector<32x8192xi32> to vector<32xi32>
    %broadcast_in_dim3A_206 = vector.shape_cast %reduce_sum3A_205 : vector<32xi32> to vector<32x1xi32>
    %ge3A_207 = arith.constant 410 : i32
    %ge3A_208 = vector.broadcast %ge3A_207 : i32 to vector<32x1xi32>
    %ge3A_209 = arith.cmpi sge, %broadcast_in_dim3A_206, %ge3A_208 : vector<32x1xi32>
    %select_n3A_210 = arith.select %ge3A_209, %or3A_196, %select_n3A_189 : vector<32x1xi1>, vector<32x1xi32>
    %scan3A_211 = arith.constant 9 : i32
    %sub3A_212 = arith.constant 30 : i32
    %sub3A_213 = arith.subi %sub3A_212, %scan3A_211 : i32
    %shift_left3A_214 = arith.constant 1 : i32
    %shift_left3A_215 = arith.shli %shift_left3A_214, %sub3A_213 : i32
    %or3A_216 = vector.broadcast %shift_left3A_215 : i32 to vector<32x1xi32>
    %or3A_217 = arith.ori %select_n3A_210, %or3A_216 : vector<32x1xi32>
    %ge3A_218 = vector.broadcast %or3A_217 : vector<32x1xi32> to vector<32x8192xi32>
    %ge3A_219 = arith.cmpi sge, %select_n3A, %ge3A_218 : vector<32x8192xi32>
    %jit3A_220 = arith.constant 1 : i32
    %jit3A_221 = arith.constant 0 : i32
    %broadcast_in_dim3A_222 = vector.broadcast %jit3A_220 : i32 to vector<32x8192xi32>
    %broadcast_in_dim3A_223 = vector.broadcast %jit3A_221 : i32 to vector<32x8192xi32>
    %select_n3A_224 = arith.select %ge3A_219, %broadcast_in_dim3A_222, %broadcast_in_dim3A_223 : vector<32x8192xi1>, vector<32x8192xi32>
    %reduce_sum3A_225 = arith.constant dense<0> : vector<32xi32>
    %reduce_sum3A_226 = vector.multi_reduction <add>, %select_n3A_224, %reduce_sum3A_225 [1] : vector<32x8192xi32> to vector<32xi32>
    %broadcast_in_dim3A_227 = vector.shape_cast %reduce_sum3A_226 : vector<32xi32> to vector<32x1xi32>
    %ge3A_228 = arith.constant 410 : i32
    %ge3A_229 = vector.broadcast %ge3A_228 : i32 to vector<32x1xi32>
    %ge3A_230 = arith.cmpi sge, %broadcast_in_dim3A_227, %ge3A_229 : vector<32x1xi32>
    %select_n3A_231 = arith.select %ge3A_230, %or3A_217, %select_n3A_210 : vector<32x1xi1>, vector<32x1xi32>
    %scan3A_232 = arith.constant 10 : i32
    %sub3A_233 = arith.constant 30 : i32
    %sub3A_234 = arith.subi %sub3A_233, %scan3A_232 : i32
    %shift_left3A_235 = arith.constant 1 : i32
    %shift_left3A_236 = arith.shli %shift_left3A_235, %sub3A_234 : i32
    %or3A_237 = vector.broadcast %shift_left3A_236 : i32 to vector<32x1xi32>
    %or3A_238 = arith.ori %select_n3A_231, %or3A_237 : vector<32x1xi32>
    %ge3A_239 = vector.broadcast %or3A_238 : vector<32x1xi32> to vector<32x8192xi32>
    %ge3A_240 = arith.cmpi sge, %select_n3A, %ge3A_239 : vector<32x8192xi32>
    %jit3A_241 = arith.constant 1 : i32
    %jit3A_242 = arith.constant 0 : i32
    %broadcast_in_dim3A_243 = vector.broadcast %jit3A_241 : i32 to vector<32x8192xi32>
    %broadcast_in_dim3A_244 = vector.broadcast %jit3A_242 : i32 to vector<32x8192xi32>
    %select_n3A_245 = arith.select %ge3A_240, %broadcast_in_dim3A_243, %broadcast_in_dim3A_244 : vector<32x8192xi1>, vector<32x8192xi32>
    %reduce_sum3A_246 = arith.constant dense<0> : vector<32xi32>
    %reduce_sum3A_247 = vector.multi_reduction <add>, %select_n3A_245, %reduce_sum3A_246 [1] : vector<32x8192xi32> to vector<32xi32>
    %broadcast_in_dim3A_248 = vector.shape_cast %reduce_sum3A_247 : vector<32xi32> to vector<32x1xi32>
    %ge3A_249 = arith.constant 410 : i32
    %ge3A_250 = vector.broadcast %ge3A_249 : i32 to vector<32x1xi32>
    %ge3A_251 = arith.cmpi sge, %broadcast_in_dim3A_248, %ge3A_250 : vector<32x1xi32>
    %select_n3A_252 = arith.select %ge3A_251, %or3A_238, %select_n3A_231 : vector<32x1xi1>, vector<32x1xi32>
    %scan3A_253 = arith.constant 11 : i32
    %sub3A_254 = arith.constant 30 : i32
    %sub3A_255 = arith.subi %sub3A_254, %scan3A_253 : i32
    %shift_left3A_256 = arith.constant 1 : i32
    %shift_left3A_257 = arith.shli %shift_left3A_256, %sub3A_255 : i32
    %or3A_258 = vector.broadcast %shift_left3A_257 : i32 to vector<32x1xi32>
    %or3A_259 = arith.ori %select_n3A_252, %or3A_258 : vector<32x1xi32>
    %ge3A_260 = vector.broadcast %or3A_259 : vector<32x1xi32> to vector<32x8192xi32>
    %ge3A_261 = arith.cmpi sge, %select_n3A, %ge3A_260 : vector<32x8192xi32>
    %jit3A_262 = arith.constant 1 : i32
    %jit3A_263 = arith.constant 0 : i32
    %broadcast_in_dim3A_264 = vector.broadcast %jit3A_262 : i32 to vector<32x8192xi32>
    %broadcast_in_dim3A_265 = vector.broadcast %jit3A_263 : i32 to vector<32x8192xi32>
    %select_n3A_266 = arith.select %ge3A_261, %broadcast_in_dim3A_264, %broadcast_in_dim3A_265 : vector<32x8192xi1>, vector<32x8192xi32>
    %reduce_sum3A_267 = arith.constant dense<0> : vector<32xi32>
    %reduce_sum3A_268 = vector.multi_reduction <add>, %select_n3A_266, %reduce_sum3A_267 [1] : vector<32x8192xi32> to vector<32xi32>
    %broadcast_in_dim3A_269 = vector.shape_cast %reduce_sum3A_268 : vector<32xi32> to vector<32x1xi32>
    %ge3A_270 = arith.constant 410 : i32
    %ge3A_271 = vector.broadcast %ge3A_270 : i32 to vector<32x1xi32>
    %ge3A_272 = arith.cmpi sge, %broadcast_in_dim3A_269, %ge3A_271 : vector<32x1xi32>
    %select_n3A_273 = arith.select %ge3A_272, %or3A_259, %select_n3A_252 : vector<32x1xi1>, vector<32x1xi32>
    %scan3A_274 = arith.constant 12 : i32
    %sub3A_275 = arith.constant 30 : i32
    %sub3A_276 = arith.subi %sub3A_275, %scan3A_274 : i32
    %shift_left3A_277 = arith.constant 1 : i32
    %shift_left3A_278 = arith.shli %shift_left3A_277, %sub3A_276 : i32
    %or3A_279 = vector.broadcast %shift_left3A_278 : i32 to vector<32x1xi32>
    %or3A_280 = arith.ori %select_n3A_273, %or3A_279 : vector<32x1xi32>
    %ge3A_281 = vector.broadcast %or3A_280 : vector<32x1xi32> to vector<32x8192xi32>
    %ge3A_282 = arith.cmpi sge, %select_n3A, %ge3A_281 : vector<32x8192xi32>
    %jit3A_283 = arith.constant 1 : i32
    %jit3A_284 = arith.constant 0 : i32
    %broadcast_in_dim3A_285 = vector.broadcast %jit3A_283 : i32 to vector<32x8192xi32>
    %broadcast_in_dim3A_286 = vector.broadcast %jit3A_284 : i32 to vector<32x8192xi32>
    %select_n3A_287 = arith.select %ge3A_282, %broadcast_in_dim3A_285, %broadcast_in_dim3A_286 : vector<32x8192xi1>, vector<32x8192xi32>
    %reduce_sum3A_288 = arith.constant dense<0> : vector<32xi32>
    %reduce_sum3A_289 = vector.multi_reduction <add>, %select_n3A_287, %reduce_sum3A_288 [1] : vector<32x8192xi32> to vector<32xi32>
    %broadcast_in_dim3A_290 = vector.shape_cast %reduce_sum3A_289 : vector<32xi32> to vector<32x1xi32>
    %ge3A_291 = arith.constant 410 : i32
    %ge3A_292 = vector.broadcast %ge3A_291 : i32 to vector<32x1xi32>
    %ge3A_293 = arith.cmpi sge, %broadcast_in_dim3A_290, %ge3A_292 : vector<32x1xi32>
    %select_n3A_294 = arith.select %ge3A_293, %or3A_280, %select_n3A_273 : vector<32x1xi1>, vector<32x1xi32>
    %scan3A_295 = arith.constant 13 : i32
    %sub3A_296 = arith.constant 30 : i32
    %sub3A_297 = arith.subi %sub3A_296, %scan3A_295 : i32
    %shift_left3A_298 = arith.constant 1 : i32
    %shift_left3A_299 = arith.shli %shift_left3A_298, %sub3A_297 : i32
    %or3A_300 = vector.broadcast %shift_left3A_299 : i32 to vector<32x1xi32>
    %or3A_301 = arith.ori %select_n3A_294, %or3A_300 : vector<32x1xi32>
    %ge3A_302 = vector.broadcast %or3A_301 : vector<32x1xi32> to vector<32x8192xi32>
    %ge3A_303 = arith.cmpi sge, %select_n3A, %ge3A_302 : vector<32x8192xi32>
    %jit3A_304 = arith.constant 1 : i32
    %jit3A_305 = arith.constant 0 : i32
    %broadcast_in_dim3A_306 = vector.broadcast %jit3A_304 : i32 to vector<32x8192xi32>
    %broadcast_in_dim3A_307 = vector.broadcast %jit3A_305 : i32 to vector<32x8192xi32>
    %select_n3A_308 = arith.select %ge3A_303, %broadcast_in_dim3A_306, %broadcast_in_dim3A_307 : vector<32x8192xi1>, vector<32x8192xi32>
    %reduce_sum3A_309 = arith.constant dense<0> : vector<32xi32>
    %reduce_sum3A_310 = vector.multi_reduction <add>, %select_n3A_308, %reduce_sum3A_309 [1] : vector<32x8192xi32> to vector<32xi32>
    %broadcast_in_dim3A_311 = vector.shape_cast %reduce_sum3A_310 : vector<32xi32> to vector<32x1xi32>
    %ge3A_312 = arith.constant 410 : i32
    %ge3A_313 = vector.broadcast %ge3A_312 : i32 to vector<32x1xi32>
    %ge3A_314 = arith.cmpi sge, %broadcast_in_dim3A_311, %ge3A_313 : vector<32x1xi32>
    %select_n3A_315 = arith.select %ge3A_314, %or3A_301, %select_n3A_294 : vector<32x1xi1>, vector<32x1xi32>
    %scan3A_316 = arith.constant 14 : i32
    %sub3A_317 = arith.constant 30 : i32
    %sub3A_318 = arith.subi %sub3A_317, %scan3A_316 : i32
    %shift_left3A_319 = arith.constant 1 : i32
    %shift_left3A_320 = arith.shli %shift_left3A_319, %sub3A_318 : i32
    %or3A_321 = vector.broadcast %shift_left3A_320 : i32 to vector<32x1xi32>
    %or3A_322 = arith.ori %select_n3A_315, %or3A_321 : vector<32x1xi32>
    %ge3A_323 = vector.broadcast %or3A_322 : vector<32x1xi32> to vector<32x8192xi32>
    %ge3A_324 = arith.cmpi sge, %select_n3A, %ge3A_323 : vector<32x8192xi32>
    %jit3A_325 = arith.constant 1 : i32
    %jit3A_326 = arith.constant 0 : i32
    %broadcast_in_dim3A_327 = vector.broadcast %jit3A_325 : i32 to vector<32x8192xi32>
    %broadcast_in_dim3A_328 = vector.broadcast %jit3A_326 : i32 to vector<32x8192xi32>
    %select_n3A_329 = arith.select %ge3A_324, %broadcast_in_dim3A_327, %broadcast_in_dim3A_328 : vector<32x8192xi1>, vector<32x8192xi32>
    %reduce_sum3A_330 = arith.constant dense<0> : vector<32xi32>
    %reduce_sum3A_331 = vector.multi_reduction <add>, %select_n3A_329, %reduce_sum3A_330 [1] : vector<32x8192xi32> to vector<32xi32>
    %broadcast_in_dim3A_332 = vector.shape_cast %reduce_sum3A_331 : vector<32xi32> to vector<32x1xi32>
    %ge3A_333 = arith.constant 410 : i32
    %ge3A_334 = vector.broadcast %ge3A_333 : i32 to vector<32x1xi32>
    %ge3A_335 = arith.cmpi sge, %broadcast_in_dim3A_332, %ge3A_334 : vector<32x1xi32>
    %select_n3A_336 = arith.select %ge3A_335, %or3A_322, %select_n3A_315 : vector<32x1xi1>, vector<32x1xi32>
    %scan3A_337 = arith.constant 15 : i32
    %sub3A_338 = arith.constant 30 : i32
    %sub3A_339 = arith.subi %sub3A_338, %scan3A_337 : i32
    %shift_left3A_340 = arith.constant 1 : i32
    %shift_left3A_341 = arith.shli %shift_left3A_340, %sub3A_339 : i32
    %or3A_342 = vector.broadcast %shift_left3A_341 : i32 to vector<32x1xi32>
    %or3A_343 = arith.ori %select_n3A_336, %or3A_342 : vector<32x1xi32>
    %ge3A_344 = vector.broadcast %or3A_343 : vector<32x1xi32> to vector<32x8192xi32>
    %ge3A_345 = arith.cmpi sge, %select_n3A, %ge3A_344 : vector<32x8192xi32>
    %jit3A_346 = arith.constant 1 : i32
    %jit3A_347 = arith.constant 0 : i32
    %broadcast_in_dim3A_348 = vector.broadcast %jit3A_346 : i32 to vector<32x8192xi32>
    %broadcast_in_dim3A_349 = vector.broadcast %jit3A_347 : i32 to vector<32x8192xi32>
    %select_n3A_350 = arith.select %ge3A_345, %broadcast_in_dim3A_348, %broadcast_in_dim3A_349 : vector<32x8192xi1>, vector<32x8192xi32>
    %reduce_sum3A_351 = arith.constant dense<0> : vector<32xi32>
    %reduce_sum3A_352 = vector.multi_reduction <add>, %select_n3A_350, %reduce_sum3A_351 [1] : vector<32x8192xi32> to vector<32xi32>
    %broadcast_in_dim3A_353 = vector.shape_cast %reduce_sum3A_352 : vector<32xi32> to vector<32x1xi32>
    %ge3A_354 = arith.constant 410 : i32
    %ge3A_355 = vector.broadcast %ge3A_354 : i32 to vector<32x1xi32>
    %ge3A_356 = arith.cmpi sge, %broadcast_in_dim3A_353, %ge3A_355 : vector<32x1xi32>
    %select_n3A_357 = arith.select %ge3A_356, %or3A_343, %select_n3A_336 : vector<32x1xi1>, vector<32x1xi32>
    %scan3A_358 = arith.constant 16 : i32
    %sub3A_359 = arith.constant 30 : i32
    %sub3A_360 = arith.subi %sub3A_359, %scan3A_358 : i32
    %shift_left3A_361 = arith.constant 1 : i32
    %shift_left3A_362 = arith.shli %shift_left3A_361, %sub3A_360 : i32
    %or3A_363 = vector.broadcast %shift_left3A_362 : i32 to vector<32x1xi32>
    %or3A_364 = arith.ori %select_n3A_357, %or3A_363 : vector<32x1xi32>
    %ge3A_365 = vector.broadcast %or3A_364 : vector<32x1xi32> to vector<32x8192xi32>
    %ge3A_366 = arith.cmpi sge, %select_n3A, %ge3A_365 : vector<32x8192xi32>
    %jit3A_367 = arith.constant 1 : i32
    %jit3A_368 = arith.constant 0 : i32
    %broadcast_in_dim3A_369 = vector.broadcast %jit3A_367 : i32 to vector<32x8192xi32>
    %broadcast_in_dim3A_370 = vector.broadcast %jit3A_368 : i32 to vector<32x8192xi32>
    %select_n3A_371 = arith.select %ge3A_366, %broadcast_in_dim3A_369, %broadcast_in_dim3A_370 : vector<32x8192xi1>, vector<32x8192xi32>
    %reduce_sum3A_372 = arith.constant dense<0> : vector<32xi32>
    %reduce_sum3A_373 = vector.multi_reduction <add>, %select_n3A_371, %reduce_sum3A_372 [1] : vector<32x8192xi32> to vector<32xi32>
    %broadcast_in_dim3A_374 = vector.shape_cast %reduce_sum3A_373 : vector<32xi32> to vector<32x1xi32>
    %ge3A_375 = arith.constant 410 : i32
    %ge3A_376 = vector.broadcast %ge3A_375 : i32 to vector<32x1xi32>
    %ge3A_377 = arith.cmpi sge, %broadcast_in_dim3A_374, %ge3A_376 : vector<32x1xi32>
    %select_n3A_378 = arith.select %ge3A_377, %or3A_364, %select_n3A_357 : vector<32x1xi1>, vector<32x1xi32>
    %scan3A_379 = arith.constant 17 : i32
    %sub3A_380 = arith.constant 30 : i32
    %sub3A_381 = arith.subi %sub3A_380, %scan3A_379 : i32
    %shift_left3A_382 = arith.constant 1 : i32
    %shift_left3A_383 = arith.shli %shift_left3A_382, %sub3A_381 : i32
    %or3A_384 = vector.broadcast %shift_left3A_383 : i32 to vector<32x1xi32>
    %or3A_385 = arith.ori %select_n3A_378, %or3A_384 : vector<32x1xi32>
    %ge3A_386 = vector.broadcast %or3A_385 : vector<32x1xi32> to vector<32x8192xi32>
    %ge3A_387 = arith.cmpi sge, %select_n3A, %ge3A_386 : vector<32x8192xi32>
    %jit3A_388 = arith.constant 1 : i32
    %jit3A_389 = arith.constant 0 : i32
    %broadcast_in_dim3A_390 = vector.broadcast %jit3A_388 : i32 to vector<32x8192xi32>
    %broadcast_in_dim3A_391 = vector.broadcast %jit3A_389 : i32 to vector<32x8192xi32>
    %select_n3A_392 = arith.select %ge3A_387, %broadcast_in_dim3A_390, %broadcast_in_dim3A_391 : vector<32x8192xi1>, vector<32x8192xi32>
    %reduce_sum3A_393 = arith.constant dense<0> : vector<32xi32>
    %reduce_sum3A_394 = vector.multi_reduction <add>, %select_n3A_392, %reduce_sum3A_393 [1] : vector<32x8192xi32> to vector<32xi32>
    %broadcast_in_dim3A_395 = vector.shape_cast %reduce_sum3A_394 : vector<32xi32> to vector<32x1xi32>
    %ge3A_396 = arith.constant 410 : i32
    %ge3A_397 = vector.broadcast %ge3A_396 : i32 to vector<32x1xi32>
    %ge3A_398 = arith.cmpi sge, %broadcast_in_dim3A_395, %ge3A_397 : vector<32x1xi32>
    %select_n3A_399 = arith.select %ge3A_398, %or3A_385, %select_n3A_378 : vector<32x1xi1>, vector<32x1xi32>
    %scan3A_400 = arith.constant 18 : i32
    %sub3A_401 = arith.constant 30 : i32
    %sub3A_402 = arith.subi %sub3A_401, %scan3A_400 : i32
    %shift_left3A_403 = arith.constant 1 : i32
    %shift_left3A_404 = arith.shli %shift_left3A_403, %sub3A_402 : i32
    %or3A_405 = vector.broadcast %shift_left3A_404 : i32 to vector<32x1xi32>
    %or3A_406 = arith.ori %select_n3A_399, %or3A_405 : vector<32x1xi32>
    %ge3A_407 = vector.broadcast %or3A_406 : vector<32x1xi32> to vector<32x8192xi32>
    %ge3A_408 = arith.cmpi sge, %select_n3A, %ge3A_407 : vector<32x8192xi32>
    %jit3A_409 = arith.constant 1 : i32
    %jit3A_410 = arith.constant 0 : i32
    %broadcast_in_dim3A_411 = vector.broadcast %jit3A_409 : i32 to vector<32x8192xi32>
    %broadcast_in_dim3A_412 = vector.broadcast %jit3A_410 : i32 to vector<32x8192xi32>
    %select_n3A_413 = arith.select %ge3A_408, %broadcast_in_dim3A_411, %broadcast_in_dim3A_412 : vector<32x8192xi1>, vector<32x8192xi32>
    %reduce_sum3A_414 = arith.constant dense<0> : vector<32xi32>
    %reduce_sum3A_415 = vector.multi_reduction <add>, %select_n3A_413, %reduce_sum3A_414 [1] : vector<32x8192xi32> to vector<32xi32>
    %broadcast_in_dim3A_416 = vector.shape_cast %reduce_sum3A_415 : vector<32xi32> to vector<32x1xi32>
    %ge3A_417 = arith.constant 410 : i32
    %ge3A_418 = vector.broadcast %ge3A_417 : i32 to vector<32x1xi32>
    %ge3A_419 = arith.cmpi sge, %broadcast_in_dim3A_416, %ge3A_418 : vector<32x1xi32>
    %select_n3A_420 = arith.select %ge3A_419, %or3A_406, %select_n3A_399 : vector<32x1xi1>, vector<32x1xi32>
    %scan3A_421 = arith.constant 19 : i32
    %sub3A_422 = arith.constant 30 : i32
    %sub3A_423 = arith.subi %sub3A_422, %scan3A_421 : i32
    %shift_left3A_424 = arith.constant 1 : i32
    %shift_left3A_425 = arith.shli %shift_left3A_424, %sub3A_423 : i32
    %or3A_426 = vector.broadcast %shift_left3A_425 : i32 to vector<32x1xi32>
    %or3A_427 = arith.ori %select_n3A_420, %or3A_426 : vector<32x1xi32>
    %ge3A_428 = vector.broadcast %or3A_427 : vector<32x1xi32> to vector<32x8192xi32>
    %ge3A_429 = arith.cmpi sge, %select_n3A, %ge3A_428 : vector<32x8192xi32>
    %jit3A_430 = arith.constant 1 : i32
    %jit3A_431 = arith.constant 0 : i32
    %broadcast_in_dim3A_432 = vector.broadcast %jit3A_430 : i32 to vector<32x8192xi32>
    %broadcast_in_dim3A_433 = vector.broadcast %jit3A_431 : i32 to vector<32x8192xi32>
    %select_n3A_434 = arith.select %ge3A_429, %broadcast_in_dim3A_432, %broadcast_in_dim3A_433 : vector<32x8192xi1>, vector<32x8192xi32>
    %reduce_sum3A_435 = arith.constant dense<0> : vector<32xi32>
    %reduce_sum3A_436 = vector.multi_reduction <add>, %select_n3A_434, %reduce_sum3A_435 [1] : vector<32x8192xi32> to vector<32xi32>
    %broadcast_in_dim3A_437 = vector.shape_cast %reduce_sum3A_436 : vector<32xi32> to vector<32x1xi32>
    %ge3A_438 = arith.constant 410 : i32
    %ge3A_439 = vector.broadcast %ge3A_438 : i32 to vector<32x1xi32>
    %ge3A_440 = arith.cmpi sge, %broadcast_in_dim3A_437, %ge3A_439 : vector<32x1xi32>
    %select_n3A_441 = arith.select %ge3A_440, %or3A_427, %select_n3A_420 : vector<32x1xi1>, vector<32x1xi32>
    %scan3A_442 = arith.constant 20 : i32
    %sub3A_443 = arith.constant 30 : i32
    %sub3A_444 = arith.subi %sub3A_443, %scan3A_442 : i32
    %shift_left3A_445 = arith.constant 1 : i32
    %shift_left3A_446 = arith.shli %shift_left3A_445, %sub3A_444 : i32
    %or3A_447 = vector.broadcast %shift_left3A_446 : i32 to vector<32x1xi32>
    %or3A_448 = arith.ori %select_n3A_441, %or3A_447 : vector<32x1xi32>
    %ge3A_449 = vector.broadcast %or3A_448 : vector<32x1xi32> to vector<32x8192xi32>
    %ge3A_450 = arith.cmpi sge, %select_n3A, %ge3A_449 : vector<32x8192xi32>
    %jit3A_451 = arith.constant 1 : i32
    %jit3A_452 = arith.constant 0 : i32
    %broadcast_in_dim3A_453 = vector.broadcast %jit3A_451 : i32 to vector<32x8192xi32>
    %broadcast_in_dim3A_454 = vector.broadcast %jit3A_452 : i32 to vector<32x8192xi32>
    %select_n3A_455 = arith.select %ge3A_450, %broadcast_in_dim3A_453, %broadcast_in_dim3A_454 : vector<32x8192xi1>, vector<32x8192xi32>
    %reduce_sum3A_456 = arith.constant dense<0> : vector<32xi32>
    %reduce_sum3A_457 = vector.multi_reduction <add>, %select_n3A_455, %reduce_sum3A_456 [1] : vector<32x8192xi32> to vector<32xi32>
    %broadcast_in_dim3A_458 = vector.shape_cast %reduce_sum3A_457 : vector<32xi32> to vector<32x1xi32>
    %ge3A_459 = arith.constant 410 : i32
    %ge3A_460 = vector.broadcast %ge3A_459 : i32 to vector<32x1xi32>
    %ge3A_461 = arith.cmpi sge, %broadcast_in_dim3A_458, %ge3A_460 : vector<32x1xi32>
    %select_n3A_462 = arith.select %ge3A_461, %or3A_448, %select_n3A_441 : vector<32x1xi1>, vector<32x1xi32>
    %scan3A_463 = arith.constant 21 : i32
    %sub3A_464 = arith.constant 30 : i32
    %sub3A_465 = arith.subi %sub3A_464, %scan3A_463 : i32
    %shift_left3A_466 = arith.constant 1 : i32
    %shift_left3A_467 = arith.shli %shift_left3A_466, %sub3A_465 : i32
    %or3A_468 = vector.broadcast %shift_left3A_467 : i32 to vector<32x1xi32>
    %or3A_469 = arith.ori %select_n3A_462, %or3A_468 : vector<32x1xi32>
    %ge3A_470 = vector.broadcast %or3A_469 : vector<32x1xi32> to vector<32x8192xi32>
    %ge3A_471 = arith.cmpi sge, %select_n3A, %ge3A_470 : vector<32x8192xi32>
    %jit3A_472 = arith.constant 1 : i32
    %jit3A_473 = arith.constant 0 : i32
    %broadcast_in_dim3A_474 = vector.broadcast %jit3A_472 : i32 to vector<32x8192xi32>
    %broadcast_in_dim3A_475 = vector.broadcast %jit3A_473 : i32 to vector<32x8192xi32>
    %select_n3A_476 = arith.select %ge3A_471, %broadcast_in_dim3A_474, %broadcast_in_dim3A_475 : vector<32x8192xi1>, vector<32x8192xi32>
    %reduce_sum3A_477 = arith.constant dense<0> : vector<32xi32>
    %reduce_sum3A_478 = vector.multi_reduction <add>, %select_n3A_476, %reduce_sum3A_477 [1] : vector<32x8192xi32> to vector<32xi32>
    %broadcast_in_dim3A_479 = vector.shape_cast %reduce_sum3A_478 : vector<32xi32> to vector<32x1xi32>
    %ge3A_480 = arith.constant 410 : i32
    %ge3A_481 = vector.broadcast %ge3A_480 : i32 to vector<32x1xi32>
    %ge3A_482 = arith.cmpi sge, %broadcast_in_dim3A_479, %ge3A_481 : vector<32x1xi32>
    %select_n3A_483 = arith.select %ge3A_482, %or3A_469, %select_n3A_462 : vector<32x1xi1>, vector<32x1xi32>
    %scan3A_484 = arith.constant 22 : i32
    %sub3A_485 = arith.constant 30 : i32
    %sub3A_486 = arith.subi %sub3A_485, %scan3A_484 : i32
    %shift_left3A_487 = arith.constant 1 : i32
    %shift_left3A_488 = arith.shli %shift_left3A_487, %sub3A_486 : i32
    %or3A_489 = vector.broadcast %shift_left3A_488 : i32 to vector<32x1xi32>
    %or3A_490 = arith.ori %select_n3A_483, %or3A_489 : vector<32x1xi32>
    %ge3A_491 = vector.broadcast %or3A_490 : vector<32x1xi32> to vector<32x8192xi32>
    %ge3A_492 = arith.cmpi sge, %select_n3A, %ge3A_491 : vector<32x8192xi32>
    %jit3A_493 = arith.constant 1 : i32
    %jit3A_494 = arith.constant 0 : i32
    %broadcast_in_dim3A_495 = vector.broadcast %jit3A_493 : i32 to vector<32x8192xi32>
    %broadcast_in_dim3A_496 = vector.broadcast %jit3A_494 : i32 to vector<32x8192xi32>
    %select_n3A_497 = arith.select %ge3A_492, %broadcast_in_dim3A_495, %broadcast_in_dim3A_496 : vector<32x8192xi1>, vector<32x8192xi32>
    %reduce_sum3A_498 = arith.constant dense<0> : vector<32xi32>
    %reduce_sum3A_499 = vector.multi_reduction <add>, %select_n3A_497, %reduce_sum3A_498 [1] : vector<32x8192xi32> to vector<32xi32>
    %broadcast_in_dim3A_500 = vector.shape_cast %reduce_sum3A_499 : vector<32xi32> to vector<32x1xi32>
    %ge3A_501 = arith.constant 410 : i32
    %ge3A_502 = vector.broadcast %ge3A_501 : i32 to vector<32x1xi32>
    %ge3A_503 = arith.cmpi sge, %broadcast_in_dim3A_500, %ge3A_502 : vector<32x1xi32>
    %select_n3A_504 = arith.select %ge3A_503, %or3A_490, %select_n3A_483 : vector<32x1xi1>, vector<32x1xi32>
    %scan3A_505 = arith.constant 23 : i32
    %sub3A_506 = arith.constant 30 : i32
    %sub3A_507 = arith.subi %sub3A_506, %scan3A_505 : i32
    %shift_left3A_508 = arith.constant 1 : i32
    %shift_left3A_509 = arith.shli %shift_left3A_508, %sub3A_507 : i32
    %or3A_510 = vector.broadcast %shift_left3A_509 : i32 to vector<32x1xi32>
    %or3A_511 = arith.ori %select_n3A_504, %or3A_510 : vector<32x1xi32>
    %ge3A_512 = vector.broadcast %or3A_511 : vector<32x1xi32> to vector<32x8192xi32>
    %ge3A_513 = arith.cmpi sge, %select_n3A, %ge3A_512 : vector<32x8192xi32>
    %jit3A_514 = arith.constant 1 : i32
    %jit3A_515 = arith.constant 0 : i32
    %broadcast_in_dim3A_516 = vector.broadcast %jit3A_514 : i32 to vector<32x8192xi32>
    %broadcast_in_dim3A_517 = vector.broadcast %jit3A_515 : i32 to vector<32x8192xi32>
    %select_n3A_518 = arith.select %ge3A_513, %broadcast_in_dim3A_516, %broadcast_in_dim3A_517 : vector<32x8192xi1>, vector<32x8192xi32>
    %reduce_sum3A_519 = arith.constant dense<0> : vector<32xi32>
    %reduce_sum3A_520 = vector.multi_reduction <add>, %select_n3A_518, %reduce_sum3A_519 [1] : vector<32x8192xi32> to vector<32xi32>
    %broadcast_in_dim3A_521 = vector.shape_cast %reduce_sum3A_520 : vector<32xi32> to vector<32x1xi32>
    %ge3A_522 = arith.constant 410 : i32
    %ge3A_523 = vector.broadcast %ge3A_522 : i32 to vector<32x1xi32>
    %ge3A_524 = arith.cmpi sge, %broadcast_in_dim3A_521, %ge3A_523 : vector<32x1xi32>
    %select_n3A_525 = arith.select %ge3A_524, %or3A_511, %select_n3A_504 : vector<32x1xi1>, vector<32x1xi32>
    %scan3A_526 = arith.constant 24 : i32
    %sub3A_527 = arith.constant 30 : i32
    %sub3A_528 = arith.subi %sub3A_527, %scan3A_526 : i32
    %shift_left3A_529 = arith.constant 1 : i32
    %shift_left3A_530 = arith.shli %shift_left3A_529, %sub3A_528 : i32
    %or3A_531 = vector.broadcast %shift_left3A_530 : i32 to vector<32x1xi32>
    %or3A_532 = arith.ori %select_n3A_525, %or3A_531 : vector<32x1xi32>
    %ge3A_533 = vector.broadcast %or3A_532 : vector<32x1xi32> to vector<32x8192xi32>
    %ge3A_534 = arith.cmpi sge, %select_n3A, %ge3A_533 : vector<32x8192xi32>
    %jit3A_535 = arith.constant 1 : i32
    %jit3A_536 = arith.constant 0 : i32
    %broadcast_in_dim3A_537 = vector.broadcast %jit3A_535 : i32 to vector<32x8192xi32>
    %broadcast_in_dim3A_538 = vector.broadcast %jit3A_536 : i32 to vector<32x8192xi32>
    %select_n3A_539 = arith.select %ge3A_534, %broadcast_in_dim3A_537, %broadcast_in_dim3A_538 : vector<32x8192xi1>, vector<32x8192xi32>
    %reduce_sum3A_540 = arith.constant dense<0> : vector<32xi32>
    %reduce_sum3A_541 = vector.multi_reduction <add>, %select_n3A_539, %reduce_sum3A_540 [1] : vector<32x8192xi32> to vector<32xi32>
    %broadcast_in_dim3A_542 = vector.shape_cast %reduce_sum3A_541 : vector<32xi32> to vector<32x1xi32>
    %ge3A_543 = arith.constant 410 : i32
    %ge3A_544 = vector.broadcast %ge3A_543 : i32 to vector<32x1xi32>
    %ge3A_545 = arith.cmpi sge, %broadcast_in_dim3A_542, %ge3A_544 : vector<32x1xi32>
    %select_n3A_546 = arith.select %ge3A_545, %or3A_532, %select_n3A_525 : vector<32x1xi1>, vector<32x1xi32>
    %scan3A_547 = arith.constant 25 : i32
    %sub3A_548 = arith.constant 30 : i32
    %sub3A_549 = arith.subi %sub3A_548, %scan3A_547 : i32
    %shift_left3A_550 = arith.constant 1 : i32
    %shift_left3A_551 = arith.shli %shift_left3A_550, %sub3A_549 : i32
    %or3A_552 = vector.broadcast %shift_left3A_551 : i32 to vector<32x1xi32>
    %or3A_553 = arith.ori %select_n3A_546, %or3A_552 : vector<32x1xi32>
    %ge3A_554 = vector.broadcast %or3A_553 : vector<32x1xi32> to vector<32x8192xi32>
    %ge3A_555 = arith.cmpi sge, %select_n3A, %ge3A_554 : vector<32x8192xi32>
    %jit3A_556 = arith.constant 1 : i32
    %jit3A_557 = arith.constant 0 : i32
    %broadcast_in_dim3A_558 = vector.broadcast %jit3A_556 : i32 to vector<32x8192xi32>
    %broadcast_in_dim3A_559 = vector.broadcast %jit3A_557 : i32 to vector<32x8192xi32>
    %select_n3A_560 = arith.select %ge3A_555, %broadcast_in_dim3A_558, %broadcast_in_dim3A_559 : vector<32x8192xi1>, vector<32x8192xi32>
    %reduce_sum3A_561 = arith.constant dense<0> : vector<32xi32>
    %reduce_sum3A_562 = vector.multi_reduction <add>, %select_n3A_560, %reduce_sum3A_561 [1] : vector<32x8192xi32> to vector<32xi32>
    %broadcast_in_dim3A_563 = vector.shape_cast %reduce_sum3A_562 : vector<32xi32> to vector<32x1xi32>
    %ge3A_564 = arith.constant 410 : i32
    %ge3A_565 = vector.broadcast %ge3A_564 : i32 to vector<32x1xi32>
    %ge3A_566 = arith.cmpi sge, %broadcast_in_dim3A_563, %ge3A_565 : vector<32x1xi32>
    %select_n3A_567 = arith.select %ge3A_566, %or3A_553, %select_n3A_546 : vector<32x1xi1>, vector<32x1xi32>
    %scan3A_568 = arith.constant 26 : i32
    %sub3A_569 = arith.constant 30 : i32
    %sub3A_570 = arith.subi %sub3A_569, %scan3A_568 : i32
    %shift_left3A_571 = arith.constant 1 : i32
    %shift_left3A_572 = arith.shli %shift_left3A_571, %sub3A_570 : i32
    %or3A_573 = vector.broadcast %shift_left3A_572 : i32 to vector<32x1xi32>
    %or3A_574 = arith.ori %select_n3A_567, %or3A_573 : vector<32x1xi32>
    %ge3A_575 = vector.broadcast %or3A_574 : vector<32x1xi32> to vector<32x8192xi32>
    %ge3A_576 = arith.cmpi sge, %select_n3A, %ge3A_575 : vector<32x8192xi32>
    %jit3A_577 = arith.constant 1 : i32
    %jit3A_578 = arith.constant 0 : i32
    %broadcast_in_dim3A_579 = vector.broadcast %jit3A_577 : i32 to vector<32x8192xi32>
    %broadcast_in_dim3A_580 = vector.broadcast %jit3A_578 : i32 to vector<32x8192xi32>
    %select_n3A_581 = arith.select %ge3A_576, %broadcast_in_dim3A_579, %broadcast_in_dim3A_580 : vector<32x8192xi1>, vector<32x8192xi32>
    %reduce_sum3A_582 = arith.constant dense<0> : vector<32xi32>
    %reduce_sum3A_583 = vector.multi_reduction <add>, %select_n3A_581, %reduce_sum3A_582 [1] : vector<32x8192xi32> to vector<32xi32>
    %broadcast_in_dim3A_584 = vector.shape_cast %reduce_sum3A_583 : vector<32xi32> to vector<32x1xi32>
    %ge3A_585 = arith.constant 410 : i32
    %ge3A_586 = vector.broadcast %ge3A_585 : i32 to vector<32x1xi32>
    %ge3A_587 = arith.cmpi sge, %broadcast_in_dim3A_584, %ge3A_586 : vector<32x1xi32>
    %select_n3A_588 = arith.select %ge3A_587, %or3A_574, %select_n3A_567 : vector<32x1xi1>, vector<32x1xi32>
    %scan3A_589 = arith.constant 27 : i32
    %sub3A_590 = arith.constant 30 : i32
    %sub3A_591 = arith.subi %sub3A_590, %scan3A_589 : i32
    %shift_left3A_592 = arith.constant 1 : i32
    %shift_left3A_593 = arith.shli %shift_left3A_592, %sub3A_591 : i32
    %or3A_594 = vector.broadcast %shift_left3A_593 : i32 to vector<32x1xi32>
    %or3A_595 = arith.ori %select_n3A_588, %or3A_594 : vector<32x1xi32>
    %ge3A_596 = vector.broadcast %or3A_595 : vector<32x1xi32> to vector<32x8192xi32>
    %ge3A_597 = arith.cmpi sge, %select_n3A, %ge3A_596 : vector<32x8192xi32>
    %jit3A_598 = arith.constant 1 : i32
    %jit3A_599 = arith.constant 0 : i32
    %broadcast_in_dim3A_600 = vector.broadcast %jit3A_598 : i32 to vector<32x8192xi32>
    %broadcast_in_dim3A_601 = vector.broadcast %jit3A_599 : i32 to vector<32x8192xi32>
    %select_n3A_602 = arith.select %ge3A_597, %broadcast_in_dim3A_600, %broadcast_in_dim3A_601 : vector<32x8192xi1>, vector<32x8192xi32>
    %reduce_sum3A_603 = arith.constant dense<0> : vector<32xi32>
    %reduce_sum3A_604 = vector.multi_reduction <add>, %select_n3A_602, %reduce_sum3A_603 [1] : vector<32x8192xi32> to vector<32xi32>
    %broadcast_in_dim3A_605 = vector.shape_cast %reduce_sum3A_604 : vector<32xi32> to vector<32x1xi32>
    %ge3A_606 = arith.constant 410 : i32
    %ge3A_607 = vector.broadcast %ge3A_606 : i32 to vector<32x1xi32>
    %ge3A_608 = arith.cmpi sge, %broadcast_in_dim3A_605, %ge3A_607 : vector<32x1xi32>
    %select_n3A_609 = arith.select %ge3A_608, %or3A_595, %select_n3A_588 : vector<32x1xi1>, vector<32x1xi32>
    %scan3A_610 = arith.constant 28 : i32
    %sub3A_611 = arith.constant 30 : i32
    %sub3A_612 = arith.subi %sub3A_611, %scan3A_610 : i32
    %shift_left3A_613 = arith.constant 1 : i32
    %shift_left3A_614 = arith.shli %shift_left3A_613, %sub3A_612 : i32
    %or3A_615 = vector.broadcast %shift_left3A_614 : i32 to vector<32x1xi32>
    %or3A_616 = arith.ori %select_n3A_609, %or3A_615 : vector<32x1xi32>
    %ge3A_617 = vector.broadcast %or3A_616 : vector<32x1xi32> to vector<32x8192xi32>
    %ge3A_618 = arith.cmpi sge, %select_n3A, %ge3A_617 : vector<32x8192xi32>
    %jit3A_619 = arith.constant 1 : i32
    %jit3A_620 = arith.constant 0 : i32
    %broadcast_in_dim3A_621 = vector.broadcast %jit3A_619 : i32 to vector<32x8192xi32>
    %broadcast_in_dim3A_622 = vector.broadcast %jit3A_620 : i32 to vector<32x8192xi32>
    %select_n3A_623 = arith.select %ge3A_618, %broadcast_in_dim3A_621, %broadcast_in_dim3A_622 : vector<32x8192xi1>, vector<32x8192xi32>
    %reduce_sum3A_624 = arith.constant dense<0> : vector<32xi32>
    %reduce_sum3A_625 = vector.multi_reduction <add>, %select_n3A_623, %reduce_sum3A_624 [1] : vector<32x8192xi32> to vector<32xi32>
    %broadcast_in_dim3A_626 = vector.shape_cast %reduce_sum3A_625 : vector<32xi32> to vector<32x1xi32>
    %ge3A_627 = arith.constant 410 : i32
    %ge3A_628 = vector.broadcast %ge3A_627 : i32 to vector<32x1xi32>
    %ge3A_629 = arith.cmpi sge, %broadcast_in_dim3A_626, %ge3A_628 : vector<32x1xi32>
    %select_n3A_630 = arith.select %ge3A_629, %or3A_616, %select_n3A_609 : vector<32x1xi1>, vector<32x1xi32>
    %scan3A_631 = arith.constant 29 : i32
    %sub3A_632 = arith.constant 30 : i32
    %sub3A_633 = arith.subi %sub3A_632, %scan3A_631 : i32
    %shift_left3A_634 = arith.constant 1 : i32
    %shift_left3A_635 = arith.shli %shift_left3A_634, %sub3A_633 : i32
    %or3A_636 = vector.broadcast %shift_left3A_635 : i32 to vector<32x1xi32>
    %or3A_637 = arith.ori %select_n3A_630, %or3A_636 : vector<32x1xi32>
    %ge3A_638 = vector.broadcast %or3A_637 : vector<32x1xi32> to vector<32x8192xi32>
    %ge3A_639 = arith.cmpi sge, %select_n3A, %ge3A_638 : vector<32x8192xi32>
    %jit3A_640 = arith.constant 1 : i32
    %jit3A_641 = arith.constant 0 : i32
    %broadcast_in_dim3A_642 = vector.broadcast %jit3A_640 : i32 to vector<32x8192xi32>
    %broadcast_in_dim3A_643 = vector.broadcast %jit3A_641 : i32 to vector<32x8192xi32>
    %select_n3A_644 = arith.select %ge3A_639, %broadcast_in_dim3A_642, %broadcast_in_dim3A_643 : vector<32x8192xi1>, vector<32x8192xi32>
    %reduce_sum3A_645 = arith.constant dense<0> : vector<32xi32>
    %reduce_sum3A_646 = vector.multi_reduction <add>, %select_n3A_644, %reduce_sum3A_645 [1] : vector<32x8192xi32> to vector<32xi32>
    %broadcast_in_dim3A_647 = vector.shape_cast %reduce_sum3A_646 : vector<32xi32> to vector<32x1xi32>
    %ge3A_648 = arith.constant 410 : i32
    %ge3A_649 = vector.broadcast %ge3A_648 : i32 to vector<32x1xi32>
    %ge3A_650 = arith.cmpi sge, %broadcast_in_dim3A_647, %ge3A_649 : vector<32x1xi32>
    %select_n3A_651 = arith.select %ge3A_650, %or3A_637, %select_n3A_630 : vector<32x1xi1>, vector<32x1xi32>
    %scan3A_652 = arith.constant 30 : i32
    %sub3A_653 = arith.constant 30 : i32
    %sub3A_654 = arith.subi %sub3A_653, %scan3A_652 : i32
    %shift_left3A_655 = arith.constant 1 : i32
    %shift_left3A_656 = arith.shli %shift_left3A_655, %sub3A_654 : i32
    %or3A_657 = vector.broadcast %shift_left3A_656 : i32 to vector<32x1xi32>
    %or3A_658 = arith.ori %select_n3A_651, %or3A_657 : vector<32x1xi32>
    %ge3A_659 = vector.broadcast %or3A_658 : vector<32x1xi32> to vector<32x8192xi32>
    %ge3A_660 = arith.cmpi sge, %select_n3A, %ge3A_659 : vector<32x8192xi32>
    %jit3A_661 = arith.constant 1 : i32
    %jit3A_662 = arith.constant 0 : i32
    %broadcast_in_dim3A_663 = vector.broadcast %jit3A_661 : i32 to vector<32x8192xi32>
    %broadcast_in_dim3A_664 = vector.broadcast %jit3A_662 : i32 to vector<32x8192xi32>
    %select_n3A_665 = arith.select %ge3A_660, %broadcast_in_dim3A_663, %broadcast_in_dim3A_664 : vector<32x8192xi1>, vector<32x8192xi32>
    %reduce_sum3A_666 = arith.constant dense<0> : vector<32xi32>
    %reduce_sum3A_667 = vector.multi_reduction <add>, %select_n3A_665, %reduce_sum3A_666 [1] : vector<32x8192xi32> to vector<32xi32>
    %broadcast_in_dim3A_668 = vector.shape_cast %reduce_sum3A_667 : vector<32xi32> to vector<32x1xi32>
    %ge3A_669 = arith.constant 410 : i32
    %ge3A_670 = vector.broadcast %ge3A_669 : i32 to vector<32x1xi32>
    %ge3A_671 = arith.cmpi sge, %broadcast_in_dim3A_668, %ge3A_670 : vector<32x1xi32>
    %select_n3A_672 = arith.select %ge3A_671, %or3A_658, %select_n3A_651 : vector<32x1xi1>, vector<32x1xi32>
    %scan3A_673 = arith.constant 31 : i32
    %ge3A_674 = vector.broadcast %select_n3A_672 : vector<32x1xi32> to vector<32x8192xi32>
    %ge3A_675 = arith.cmpi sge, %select_n3A, %ge3A_674 : vector<32x8192xi32>
    %jit3A_676 = arith.constant 1 : i32
    %jit3A_677 = arith.constant 0 : i32
    %broadcast_in_dim3A_678 = vector.broadcast %jit3A_676 : i32 to vector<32x8192xi32>
    %broadcast_in_dim3A_679 = vector.broadcast %jit3A_677 : i32 to vector<32x8192xi32>
    %select_n3A_680 = arith.select %ge3A_675, %broadcast_in_dim3A_678, %broadcast_in_dim3A_679 : vector<32x8192xi1>, vector<32x8192xi32>
    %reduce_sum3A_681 = arith.constant dense<0> : vector<32xi32>
    %reduce_sum3A_682 = vector.multi_reduction <add>, %select_n3A_680, %reduce_sum3A_681 [1] : vector<32x8192xi32> to vector<32xi32>
    %broadcast_in_dim3A_683 = vector.shape_cast %reduce_sum3A_682 : vector<32xi32> to vector<32x1xi32>
    %jit3A_684 = arith.constant -2147483648 : i32
    %broadcast_in_dim3A_685 = vector.broadcast %jit3A_684 : i32 to vector<32x8192xi32>
    %select_n3A_686 = arith.select %ge3A_675, %broadcast_in_dim3A_685, %select_n3A : vector<32x8192xi1>, vector<32x8192xi32>
    %reduce_max3A = arith.constant dense<-2147483648> : vector<32xi32>
    %reduce_max3A_687 = vector.multi_reduction <maxsi>, %select_n3A_686, %reduce_max3A [1] : vector<32x8192xi32> to vector<32xi32>
    %broadcast_in_dim3A_688 = vector.shape_cast %reduce_max3A_687 : vector<32xi32> to vector<32x1xi32>
    %ge3A_689 = arith.constant 411 : i32
    %ge3A_690 = vector.broadcast %ge3A_689 : i32 to vector<32x1xi32>
    %ge3A_691 = arith.cmpi sge, %broadcast_in_dim3A_683, %ge3A_690 : vector<32x1xi32>
    %select_n3A_692 = arith.select %ge3A_691, %select_n3A_672, %broadcast_in_dim3A_688 : vector<32x1xi1>, vector<32x1xi32>
    %ge3A_693 = arith.constant 0 : i32
    %ge3A_694 = vector.broadcast %ge3A_693 : i32 to vector<32x1xi32>
    %ge3A_695 = arith.cmpi sge, %select_n3A_672, %ge3A_694 : vector<32x1xi32>
    %xor3A_696 = arith.constant -2147483648 : i32
    %xor3A_697 = vector.broadcast %xor3A_696 : i32 to vector<32x1xi32>
    %xor3A_698 = arith.xori %select_n3A_672, %xor3A_697 : vector<32x1xi32>
    %not3A_699 = arith.constant dense<-1> : vector<32x1xi32>
    %not3A_700 = arith.xori %xor3A_698, %not3A_699 : vector<32x1xi32>
    %select_n3A_701 = arith.select %ge3A_695, %select_n3A_672, %not3A_700 : vector<32x1xi1>, vector<32x1xi32>
    %bitcast3A_702 = tpu.bitcast %select_n3A_701 : vector<32x1xi32> -> vector<32x1xf32>
    %ge3A_703 = arith.constant 0 : i32
    %ge3A_704 = vector.broadcast %ge3A_703 : i32 to vector<32x1xi32>
    %ge3A_705 = arith.cmpi sge, %select_n3A_692, %ge3A_704 : vector<32x1xi32>
    %xor3A_706 = arith.constant -2147483648 : i32
    %xor3A_707 = vector.broadcast %xor3A_706 : i32 to vector<32x1xi32>
    %xor3A_708 = arith.xori %select_n3A_692, %xor3A_707 : vector<32x1xi32>
    %not3A_709 = arith.constant dense<-1> : vector<32x1xi32>
    %not3A_710 = arith.xori %xor3A_708, %not3A_709 : vector<32x1xi32>
    %select_n3A_711 = arith.select %ge3A_705, %select_n3A_692, %not3A_710 : vector<32x1xi1>, vector<32x1xi32>
    %bitcast3A_712 = tpu.bitcast %select_n3A_711 : vector<32x1xi32> -> vector<32x1xf32>
    %add3A = arith.addf %bitcast3A_702, %bitcast3A_712 : vector<32x1xf32>
    %mul3A = arith.constant 5.000000e-01 : f32
    %mul3A_713 = vector.broadcast %mul3A : f32 to vector<32x1xf32>
    %mul3A_714 = arith.mulf %add3A, %mul3A_713 : vector<32x1xf32>
    %gt3A = vector.broadcast %mul3A_714 : vector<32x1xf32> to vector<32x8192xf32>
    %gt3A_715 = arith.cmpf ogt, %get3A_1, %gt3A : vector<32x8192xf32>
    %jit3A_716 = arith.constant 1.000000e+00 : f32
    %jit3A_717 = arith.constant 0.000000e+00 : f32
    %broadcast_in_dim3A_718 = vector.broadcast %jit3A_716 : f32 to vector<32x8192xf32>
    %broadcast_in_dim3A_719 = vector.broadcast %jit3A_717 : f32 to vector<32x8192xf32>
    %select_n3A_720 = arith.select %gt3A_715, %broadcast_in_dim3A_718, %broadcast_in_dim3A_719 : vector<32x8192xi1>, vector<32x8192xf32>
    %swap3A_721 = arith.constant 0 : index
    %swap3A_722 = arith.constant 0 : index
    %swap3A_723 = vector.load %arg2[%swap3A_721, %swap3A_722] : memref<32x8192xf32, #tpu.memory_space<vmem>>, vector<32x8192xf32>
    tpu.vector_store %arg2[%swap3A_721, %swap3A_722], %select_n3A_720 {strides = array<i32>} : memref<32x8192xf32, #tpu.memory_space<vmem>>, vector<32x8192xf32>,
    return
  }
  func.func @transform_0(%arg0: i32) -> (i32, i32) {
    %c1_i32 = arith.constant 1 : i32
    %c0_i32 = arith.constant 0 : i32
    %c0_i32_0 = arith.constant 0 : i32
    return %c1_i32, %c0_i32 : i32, i32
  }
  func.func @transform_1(%arg0: i32) -> (i32, i32) {
    %c1_i32 = arith.constant 1 : i32
    %c0_i32 = arith.constant 0 : i32
    %c0_i32_0 = arith.constant 0 : i32
    return %c1_i32, %c0_i32 : i32, i32
  }
}

</mosaic_0001>

<sc_bundles>
// kernel: _kwta.4.cloned.1.call-start
scs
__scs_entry_jumppad:
0x0: {  	(pc) =	sbr.rel $0x88, $3  }
0x1: {  	(tag) =	ssettag $0x0;
	lr =	simm.s32 $0x1  }
0x2: {  	[smem:$0x3FA0] =	sst lr;
	_ =	strace $0xD0000000  }
0x3: {  	_ = 	snop  }
0x4: {  	_ = 	snop  }
0x5: {  	_ = 	snop  }
0x6: {  	_ = 	snop  }
0x7: {  	_ = 	snop  }
__scs_overlays_trampoline_lowered:
0x8: {  	[smem:$0x3FAF] =	sst s0  }
0x9: {  	[smem:$0x3FB0] =	sst s1  }
0xa: {  	[smem:$0x3FB1] =	sst s2  }
0xb: {  	[smem:$0x3FB2] =	sst s3  }
0xc: {  	[smem:$0x3FB3] =	sst s4  }
0xd: {  	[smem:$0x3FB4] =	sst s5  }
0xe: {  	[smem:$0x3FB5] =	sst s6  }
0xf: {  	[smem:$0x3FB6] =	sst s7  }
0x10: {  	[smem:$0x3FB7] =	sst s8  }
0x11: {  	[smem:$0x3FB8] =	sst s9;
	s0 =	simm.s32 @!p0 $0x0  }
0x12: {  	s1 =	sld [smem:$0x3F9E];
	s0 =	simm.s32 @p0 $0x1  }
0x13: {  	[smem:$0x3FB9] =	sst s0;
	s0 =	simm.s32 @!p1 $0x0  }
0x14: {  	s2 =	sld [smem:$0x3F9D];
	s0 =	simm.s32 @p1 $0x1  }
0x15: {  	[smem:$0x3FBA] =	sst s0;
	s0 =	simm.s32 @!p2 $0x0  }
0x16: {  	s3 =	sld [smem:$0x3FDB];
	s0 =	simm.s32 @p2 $0x1  }
0x17: {  	s4 =	simm.s32 $0x1BF5;
	[smem:$0x3FBC] =	sst s0  }
0x18: {  	s0 =	sld [smem:$0x3F9F];
	_ =	swait.ge [sflag:s4], $0x0  }
0x19: {  	s7 =	sld [smem:$0x3FA0]  }
0x1a: {  	s8 =	sadd.s32 $0xFFFFE003, lr  }
0x1b: {  	s9 =	sadd.s32 $0xFFFFFEF7, lr;
	s5 =	simm.s32 $0xFFFFFFFF;
	p2 =	slt.u32 s8, $0xFFFFF086  }
0x1c: {  	p1 =	slt.u32 s9, $0xF7A;
	s5 =	simm.s32 @!p2 $0x0  }
0x1d: {  	s5 =	simm.s32 @p1 $0x1;
	p0 =	seq.s32 s7, s2  }
0x1e: {  	s7 =	smul.u32 @!p0 $0xF7A, s2;
	p2 =	seq.s32 @!p0 s5, $0x0  }
0x1f: {  	s9 =	smul.u32 $0xF7A, s1;
	s8 =	simm.s32 @!p0 $0x1BF5;
	p2 =	por !p2, p0  }
0x20: {  	[sflag:s8] =	ssyncset.s32 @!p0 $0xFFFFF086;
	s6 =	sadd.s32 @!p0 s3, s7;
	s7 =	simm.s32 @!p0 $0x108  }
0x21: {  	s3 =	sadd.s32 s3, s9;
	s6 =	sadd.s32 @!p0 $0x88, s6;
	s7 =	simm.s32 @p2 $0x1082  }
0x22: {  	[simem:s7], [sflag:s8] =	dma.local @!p0 [hbm:s6], $0xF7A  }
0x23: {  	s9 =	sor.u32 $0xD0000000, s2;
	s6 =	simm.s32 $0x108;
	_ =	swait.ge @!p0 [sflag:s8], $0x0  }
0x24: {  	s3 =	sadd.s32 $0x88, s3;
	s6 =	simm.s32 @!p1 $0x1082;
	[sflag:s4] =	ssyncset.s32 $0xFFFFF086  }
0x25: {  	[simem:s6], [sflag:s4] =	dma.local [hbm:s3], $0xF7A  }
0x26: {  	[smem:$0x3FA0] =	sst s1;
	(tag) =	ssettag s2;
	_ =	strace s9  }
0x27: {  	s1 =	sld [smem:$0x3FB0]  }
0x28: {  	s2 =	sld [smem:$0x3FB1]  }
0x29: {  	s4 =	sld [smem:$0x3FB3]  }
0x2a: {  	p0 =	seq.s32 s5, $0x0;
	s5 =	sld [smem:$0x3FB4]  }
0x2b: {  	s6 =	sld [smem:$0x3FB5]  }
0x2c: {  	s7 =	sld [smem:$0x3FB6]  }
0x2d: {  	s3 =	simm.s32 $0x108;
	s8 =	sld [smem:$0x3FB7]  }
0x2e: {  	s3 =	simm.s32 @!p0 $0x1082;
	s9 =	sld [smem:$0x3FB8]  }
0x2f: {  	lr =	sadd.s32 s0, s3;
	s0 =	sld [smem:$0x3FAF]  }
0x30: {  	s3 =	sld [smem:$0x3FB2]  }
0x31: {  	[smem:$0x3FBB] =	sst s10  }
0x32: {  	s10 =	sld [smem:$0x3FB9];
	_ =	sdelay $0x3  }
0x33: {  	p0 =	seq.s32 s10, $0x1;
	s10 =	sld [smem:$0x3FBB];
	_ =	sdelay $0x3  }
0x34: {  	[smem:$0x3FBB] =	sst s10  }
0x35: {  	s10 =	sld [smem:$0x3FBA];
	_ =	sdelay $0x3  }
0x36: {  	p1 =	seq.s32 s10, $0x1;
	s10 =	sld [smem:$0x3FBB];
	_ =	sdelay $0x3  }
0x37: {  	[smem:$0x3FBB] =	sst s10  }
0x38: {  	s10 =	sld [smem:$0x3FBC]  }
0x39: {  	_ = 	snop;
	(pc) =	sbr.ind lr, $3  }
0x3a: {  	_ = 	snop  }
0x3b: {  	_ = 	snop  }
0x3c: {  	p2 =	seq.s32 s10, $0x1;
	s10 =	sld [smem:$0x3FBB]  }
0x3d: {  	_ =	shalt  }
0x3e: {  	_ =	shalt  }
0x3f: {  	_ =	shalt  }
0x40: {  	_ =	shalt  }
0x41: {  	_ =	shalt  }
0x42: {  	_ =	shalt  }
0x43: {  	_ =	shalt  }
0x44: {  	_ =	shalt  }
0x45: {  	_ =	shalt  }
0x46: {  	_ =	shalt  }
0x47: {  	_ =	shalt  }
0x48: {  	_ =	shalt  }
0x49: {  	_ =	shalt  }
0x4a: {  	_ =	shalt  }
0x4b: {  	_ =	shalt  }
0x4c: {  	_ =	shalt  }
0x4d: {  	_ =	shalt  }
0x4e: {  	_ =	shalt  }
0x4f: {  	_ =	shalt  }
0x50: {  	_ =	shalt  }
0x51: {  	_ =	shalt  }
0x52: {  	_ =	shalt  }
0x53: {  	_ =	shalt  }
0x54: {  	_ =	shalt  }
0x55: {  	_ =	shalt  }
0x56: {  	_ =	shalt  }
0x57: {  	_ =	shalt  }
0x58: {  	_ =	shalt  }
0x59: {  	_ =	shalt  }
0x5a: {  	_ =	shalt  }
0x5b: {  	_ =	shalt  }
0x5c: {  	_ =	shalt  }
0x5d: {  	_ =	shalt  }
0x5e: {  	_ =	shalt  }
0x5f: {  	_ =	shalt  }
0x60: {  	_ =	shalt  }
0x61: {  	_ =	shalt  }
0x62: {  	_ =	shalt  }
0x63: {  	_ =	shalt  }
0x64: {  	_ =	shalt  }
0x65: {  	_ =	shalt  }
0x66: {  	_ =	shalt  }
0x67: {  	_ =	shalt  }
0x68: {  	_ =	shalt  }
0x69: {  	_ =	shalt  }
0x6a: {  	_ =	shalt  }
0x6b: {  	_ =	shalt  }
0x6c: {  	_ =	shalt  }
0x6d: {  	_ =	shalt  }
0x6e: {  	_ =	shalt  }
0x6f: {  	_ =	shalt  }
0x70: {  	_ =	shalt  }
0x71: {  	_ =	shalt  }
0x72: {  	_ =	shalt  }
0x73: {  	_ =	shalt  }
0x74: {  	_ =	shalt  }
0x75: {  	_ =	shalt  }
0x76: {  	_ =	shalt  }
0x77: {  	_ =	shalt  }
0x78: {  	_ =	shalt  }
0x79: {  	_ =	shalt  }
0x7a: {  	_ =	shalt  }
0x7b: {  	_ =	shalt  }
0x7c: {  	_ =	shalt  }
0x7d: {  	_ =	shalt  }
0x7e: {  	_ =	shalt  }
0x7f: {  	_ =	shalt  }
0x80: {  	_ =	shalt  }
0x81: {  	_ =	shalt  }
0x82: {  	_ =	shalt  }
0x83: {  	_ =	shalt  }
0x84: {  	_ =	shalt  }
0x85: {  	_ =	shalt  }
0x86: {  	_ =	shalt  }
0x87: {  	_ =	shalt  }
.Lfunc_end0:
.L_simem_size_0:
called_computation_lowered:
.L_overlay_start_0:
0x88: {  	s2 =	sld [smem:$0x3FD9]  }
0x89: {  	s3 =	sld [smem:$0x3FFE];
	_ =	sdelay $0x1  }
0x8a: {  	s1 =	srdreg.scid  }
0x8b: {  	s0 =	sand.u32 $0x1, s1  }
0x8c: {  	s17 =	sshll.u32 s0, $0xA;
	s2 =	sadd.s32 s3, s2  }
0x8d: {  	s2 =	sadd.s32 s2, s17  }
0x8e: {  	[smem:$0x3FC7] =	sst s2  }
0x8f: {  	_ = 	snop  }
0x90: {  	s2 =	sld [smem:$0x3FC9];
	(tm) =	ssettm $0x1  }
0x91: {  	s18 =	sld [smem:$0x3FFB];
	_ =	sdelay $0x3  }
0x92: {  	_ =	strace s18  }
0x93: {  	s3 =	sld [smem:$0x3FFC];
	_ =	sdelay $0x3  }
0x94: {  	_ =	strace s3  }
0x95: {  	s3 =	sld [smem:$0x3FFD];
	_ =	sdelay $0x3  }
0x96: {  	_ =	strace s3  }
0x97: {  	_ =	strace $0x8FFFFFFF  }
0x98: {  	s19 =	sld [smem:$0x3FDB];
	_ =	sdelay $0x1  }
0x99: {  	s4 =	simm.s32 $_scs_section_size  }
0x9a: {  	s5 =	simm.s32 $_size__tile_overlayer_lowered;
	s6 =	simm.s32 $_tile_overlayer_lowered  }
0x9b: {  	s22 =	simm.s32 $0x1BFF;
	s21 =	sshll.u32 s6, $0x1;
	s3 =	sadd.s32 s4, s19  }
0x9c: {  	s7 =	simm.s32 $0x0;
	s20 =	sshll.u32 s5, $0x1;
	s5 =	sadd.s32 s21, s3  }
0x9d: {  	[timem:s7], [sflag:s22] =	dma.local [hbm:s5], s20  }
0x9e: {  	_ =	swait.ge [sflag:s22], s20  }
0x9f: {  	s4 =	ssub.s32 $0x0, s20;
	[sflag:s22] =	ssyncset.done $0x0  }
0xa0: {  	[sflag:s22] =	ssyncadd.s32 s4;
	_ =	sdelay $0x1  }
0xa1: {  	s23 =	simm.s32 $0x1B8B  }
0xa2: {  	_ =	swait.ge [sflag:s23], $0x1  }
0xa3: {  	[sflag:s23] =	ssyncset.done $0x0  }
0xa4: {  	s25 =	simm.s32 $0x1B8E;
	s24 =	sld [smem:$0x3FFE];
	[sflag:s23] =	ssyncadd.s32 $0xFFFFFFFF  }
0xa5: {  	s26 =	simm.s32 $execute0_lowered;
	[smem:$0x3FD2] =	sst s25  }
0xa6: {  	s5 =	sshll.u32 s26, $0x1;
	_ =	strace $0x80000046;
	[dreg:$0x1] =	wrdreg $0xFFFFFFFF  }
0xa7: {  	s28 =	simm.s32 $_size_execute0_lowered;
	s3 =	sadd.s32 s3, s5;
	[dreg:$0x0] =	wrdreg $0x0  }
0xa8: {  	s5 =	sshll.u32 s28, $0x1;
	[dreg:$0x2] =	wrdreg s3  }
0xa9: {  	[dreg:$0x3] =	wrdreg s5  }
0xaa: {  	[dreg:$0x4] =	wrdreg $0xC0  }
0xab: {  	_ =	task [dreg:s7], $0x5FFFF  }
0xac: {  	[dreg:$0x1] =	wrdreg $0xFFFFFFFF  }
0xad: {  	[dreg:$0x0] =	wrdreg $0x60  }
0xae: {  	[dreg:$0x2] =	wrdreg s2  }
0xaf: {  	[dreg:$0x3] =	wrdreg s24  }
0xb0: {  	[dreg:$0x4] =	wrdreg $0x9  }
0xb1: {  	_ =	task.clear_ibuf [dreg:s7], $0x5FFFF;
	_ =	strace $0x90000046  }
0xb2: {  	s29 =	simm.s32 $0x9;
	_ =	strace $0x80000048  }
0xb3: {  	_ =	swait.ge [sflag:s29], $0x1  }
0xb4: {  	[sflag:s29] =	ssyncadd.s32 $0xFFFFFFFF  }
0xb5: {  	_ =	strace $0x90000048  }
0xb6: {  	_ =	sfence  }
0xb7: {  	s30 =	sld [smem:$0x0];
	_ =	sdelay $0x2  }
0xb8: {  	s31 =	sshll.u32 s1, $0xD;
	s1 =	sshrl.u32 s1, $0x2  }
0xb9: {  	s3 =	sand.u32 $0x4000, s31;
	s1 =	sadd.s32 s1, s30  }
0xba: {  	s0 =	sor.u32 s3, s0;
	s1 =	sshll.u32 s1, $0x11  }
0xbb: {  	s0 =	sor.u32 s1, s0  }
0xbc: {  	s0 =	sadd.s32 $0x8F2B, s0  }
0xbd: {  	[sflag:s0] =	ssyncadd.remote.s32 $0x1  }
0xbe: {  	_ =	sfence.sel $0xFFFF  }
0xbf: {  	[dreg:$0x0] =	wrdreg $0xFFFFFFFF;
	(pc) =	sbr.abs _section_cstart, $3  }
0xc0: {  	[dreg:$0x1] =	wrdreg $0xFFFFFFFF  }
0xc1: {  	_ =	task.clear_ibuf [dreg:s7], $0x2FFFF;
	_ =	strace $0x9FFFFFFF  }
0xc2: {  	(tm) =	ssettm $0x7FFFFFFF  }
0xc3: {  	_ =	shalt  }
tec
execute0_lowered:
.L_overlay_start_1:
0x0: {  	(tag) =	ssettag $0x1  }
0x1: {  	s3 =	rddreg [dreg:$0x0]  }
0x2: {  	s4 =	rddreg [dreg:$0x1]  }
0x3: {  	s0 =	rddreg [dreg:$0x2]  }
0x4: {  	s5 =	srdreg.scid;
	s1 =	stileid.u32  }
0x5: {  	s2 =	simm.s32 $0x0;
	s9 =	simm.s32 $0x40000000;
	s10 =	simm.s32 $0x2000  }
0x6: {  	s11 =	simm.s32 $0x0;
	s5 =	sand.u32 $0x1, s5;
	s6 =	sshll.u32 s1, $0x5  }
0x7: {  	s7 =	sshll.u32 s1, $0xB;
	[smem:$0x7FF] =	sst s2;
	s8 =	sshll.u32 s5, $0x4  }
0x8: {  	s6 =	sand.u32 $0x60, s6;
	s7 =	sand.u32 $0x6000, s7;
	s5 =	ssub.s32 $0x2, s5  }
0x9: {  	_ =	strace $0x80000047;
	s6 =	sor.u32 s8, s6;
	s31 =	sshrl.u32 s5, $0x1  }
0xa: {  	s8 =	simm.s32 $0x1;
	s6 =	sor.u32 s7, s6;
	s5 =	ssub.s32 s5, s31  }
0xb: {  	s7 =	simm.s32 $0x400;
	s4 =	sadd.s32 s6, s4;
	s3 =	sadd.s32 s3, s6  }
0xc: {  	v0 =	vimm.s32 $0x0;
	v1 =	vimm.f32 $0.0e+00;
	s5 =	smax.u32 s5, $0x1;
	s6 =	simm.s32 $0x80;
	s4 =	sadd.s32 $0x600, s4  }
.LBB2_1:
0xd: {  	[tilespmem:s2], [sflag:$0x1] =	stream.strided.gather [hbm4b:s3+s6], $0x2000, s7, s6, $0x38;
	[tilespmem:$0x4000] =	vst v63  }
0xe: {  	_ =	swait.ge [sflag:s8], $0x2000  }
0xf: {  	[sflag:s8] =	ssyncset.done $0x0  }
0x10: {  	s12 =	simm.s32 $0x0;
	[sflag:s8] =	ssyncadd.s32 $0xFFFFE000  }
0x11: {  	v2 =	vld [tilespmem:s12+$0xF0]  }
0x12: {  	v3 =	vld [tilespmem:s12+$0xE0]  }
0x13: {  	v4 =	vld [tilespmem:s12+$0x50]  }
0x14: {  	v5 =	vld [tilespmem:s12+$0x70]  }
0x15: {  	v10 =	vld [tilespmem:s12+$0x40]  }
0x16: {  	v7 =	vld [tilespmem:s12+$0x0]  }
0x17: {  	v16 =	vld [tilespmem:s12+$0xD0]  }
0x18: {  	v6 =	vld [tilespmem:s12+$0x60]  }
0x19: {  	vm0 =	vge.f32 v2, $0.0e+00;
	vm1 =	vge.f32 v3, $0.0e+00  }
0x1a: {  	v8 =	vld [tilespmem:s12+$0xB0];
	vm2 =	vge.f32 v5, $0.0e+00;
	vm3 =	vge.f32 v10, $0.0e+00;
	v10 =	vimm.s32 $0x0  }
0x1b: {  	v13 =	vld [tilespmem:s12+$0x30];
	v3 =	vsel vm1, $0x1, v0;
	vm1 =	vge.f32 v4, $0.0e+00;
	v2 =	vsel vm0, $0x1, v0  }
0x1c: {  	v12 =	vld [tilespmem:s12+$0x20];
	v5 =	vsel vm2, $0x1, v0;
	vm0 =	vge.f32 v7, $0.0e+00;
	vm2 =	vge.f32 v16, $0.0e+00  }
0x1d: {  	v9 =	vld [tilespmem:s12+$0xA0];
	v4 =	vsel vm1, $0x1, v0;
	vm1 =	vge.f32 v6, $0.0e+00;
	v6 =	vimm.s32 $0x0  }
0x1e: {  	v14 =	vld [tilespmem:s12+$0x10];
	v11 =	vadd.s32 v4, v0;
	v4 =	vadd.s32 v5, v0;
	v5 =	vsel vm0, $0x1, v0  }
0x1f: {  	v15 =	vld [tilespmem:s12+$0xC0];
	vm0 =	vge.f32 v8, $0.0e+00;
	v8 =	vimm.s32 $0x0;
	v2 =	vadd.s32 v2, v4  }
0x20: {  	s13 =	simm.s32 $0x400;
	v16 =	vld [tilespmem:s12+$0x80];
	v7 =	vadd.s32 v5, v0;
	v4 =	vimm.s32 $0x0;
	v5 =	vimm.s32 $0x0  }
.LBB2_2:
0x21: {  	p0 =	sne.s32 s13, $0x7C00;
	vm4 =	vge.f32 v13, $0.0e+00;
	v13 =	vsel vm1, $0x1, v0;
	v17 =	vld [tilespmem:s12+$0x90];
	s12 =	sshra.s32 s13, $0x2;
	s13 =	sadd.s32 $0x400, s13;
	v18 =	vsel vm2, $0x1, v0  }
0x22: {  	vm1 =	vge.f32 v12, $0.0e+00;
	v19 =	vld [tilespmem:s12+$0xD0];
	v4 =	vadd.s32 v13, v4;
	v11 =	vadd.s32 v18, v11  }
0x23: {  	v20 =	vsel vm0, $0x1, v0;
	v13 =	vsel vm1, $0x1, v0;
	v18 =	vsel vm3, $0x1, v0;
	v12 =	vld [tilespmem:s12+$0xF0]  }
0x24: {  	vm0 =	vge.f32 v14, $0.0e+00;
	v4 =	vadd.s32 v3, v4;
	v21 =	vld [tilespmem:s12+$0x0];
	vm1 =	vge.f32 v15, $0.0e+00  }
0x25: {  	v10 =	vadd.s32 v18, v10;
	v14 =	vsel vm0, $0x1, v0;
	v3 =	vld [tilespmem:s12+$0xE0];
	vm0 =	vge.f32 v16, $0.0e+00  }
0x26: {  	v16 =	vsel vm4, $0x1, v0;
	v15 =	vld [tilespmem:s12+$0x50];
	vm2 =	vge.f32 v17, $0.0e+00;
	v17 =	vsel vm1, $0x1, v0  }
0x27: {  	v5 =	vadd.s32 v16, v5;
	v16 =	vsel vm0, $0x1, v0;
	vm0 =	vge.f32 v9, $0.0e+00;
	v18 =	vld [tilespmem:s12+$0x70]  }
0x28: {  	v5 =	vadd.s32 v20, v5;
	v9 =	vld [tilespmem:s12+$0x60];
	vm1 =	vge.f32 v12, $0.0e+00;
	v12 =	vsel vm2, $0x1, v0  }
0x29: {  	v8 =	vadd.s32 v13, v8;
	v6 =	vadd.s32 v14, v6;
	v10 =	vadd.s32 v17, v10;
	v20 =	vld [tilespmem:s12+$0xB0]  }
0x2a: {  	v6 =	vadd.s32 v12, v6;
	v12 =	vsel vm0, $0x1, v0;
	v17 =	vld [tilespmem:s12+$0x40];
	vm2 =	vge.f32 v3, $0.0e+00  }
0x2b: {  	v7 =	vadd.s32 v16, v7;
	v8 =	vadd.s32 v12, v8;
	v13 =	vld [tilespmem:s12+$0x30];
	v3 =	vsel vm2, $0x1, v0  }
.Ltmp0:
0x2c: {  	v16 =	vsel vm1, $0x1, v0;
	vm0 =	vge.f32 v15, $0.0e+00;
	v12 =	vld [tilespmem:s12+$0x20];
	vm2 =	vge.f32 v18, $0.0e+00;
	(pc) =	sbr.rel @p0 .LBB2_2-.Ltmp0, $4  }
0x2d: {  	v15 =	vsel vm0, $0x1, v0;
	vm1 =	vge.f32 v9, $0.0e+00;
	v18 =	vsel vm2, $0x1, v0;
	v9 =	vld [tilespmem:s12+$0xA0]  }
0x2e: {  	vm0 =	vge.f32 v21, $0.0e+00;
	v11 =	vadd.s32 v15, v11;
	v14 =	vld [tilespmem:s12+$0x10];
	v2 =	vadd.s32 v18, v2  }
0x2f: {  	v18 =	vsel vm0, $0x1, v0;
	vm0 =	vge.f32 v20, $0.0e+00;
	v15 =	vld [tilespmem:s12+$0xC0];
	v2 =	vadd.s32 v16, v2  }
0x30: {  	vm2 =	vge.f32 v19, $0.0e+00;
	v7 =	vadd.s32 v18, v7;
	vm3 =	vge.f32 v17, $0.0e+00;
	v16 =	vld [tilespmem:s12+$0x80]  }
0x31: {  	v17 =	vld [tilespmem:s12+$0x90]  }
0x32: {  	vm4 =	vge.f32 v13, $0.0e+00;
	v53 =	vsel vm1, $0x1, v0;
	vm10 =	vge.f32 v12, $0.0e+00  }
0x33: {  	v18 =	vsel vm3, $0x1, v0;
	v54 =	vsel vm0, $0x1, v0;
	v12 =	vsel vm10, $0x1, v0  }
0x34: {  	v10 =	vadd.s32 v18, v10;
	v56 =	vsel vm4, $0x1, v0;
	vm15 =	vge.f32 v9, $0.0e+00  }
0x35: {  	vm11 =	vge.f32 v14, $0.0e+00;
	v8 =	vadd.s32 v12, v8;
	v59 =	vsel vm15, $0x1, v0  }
0x36: {  	v55 =	vsel vm11, $0x1, v0;
	vm13 =	vge.f32 v16, $0.0e+00;
	vm14 =	vge.f32 v17, $0.0e+00  }
0x37: {  	v6 =	vadd.s32 v55, v6;
	v57 =	vsel vm13, $0x1, v0;
	v58 =	vsel vm14, $0x1, v0  }
0x38: {  	v5 =	vadd.s32 v56, v5;
	v7 =	vadd.s32 v57, v7;
	v6 =	vadd.s32 v58, v6  }
0x39: {  	vm12 =	vge.f32 v15, $0.0e+00;
	v8 =	vadd.s32 v59, v8;
	v6 =	vadd.s32 v7, v6  }
0x3a: {  	v5 =	vadd.s32 v54, v5;
	v60 =	vsel vm12, $0x1, v0;
	v6 =	vadd.s32 v8, v6  }
0x3b: {  	v61 =	vsel vm2, $0x1, v0;
	v7 =	vadd.s32 v60, v10;
	v5 =	vadd.s32 v5, v6  }
0x3c: {  	v4 =	vadd.s32 v53, v4;
	v62 =	vadd.s32 v61, v11;
	v5 =	vadd.s32 v7, v5  }
0x3d: {  	v3 =	vadd.s32 v3, v4;
	v63 =	vadd.s32 v62, v5  }
0x3e: {  	v3 =	vadd.s32 v3, v63  }
0x3f: {  	v2 =	vadd.s32 v2, v3  }
0x40: {  	(v2sf) =	vpush v2, $0x0  }
0x41: {  	(v2sf) =	vpush v2, $0x1  }
0x42: {  	(v2sf) =	vpush v2, $0x2  }
0x43: {  	(v2sf) =	vpush v2, $0x3  }
0x44: {  	(v2sf) =	vpush v2, $0x4  }
0x45: {  	(v2sf) =	vpush v2, $0x5  }
0x46: {  	(v2sf) =	vpush v2, $0x6  }
0x47: {  	(v2sf) =	vpush v2, $0x7  }
0x48: {  	(v2sf) =	vpush v2, $0x8  }
0x49: {  	(v2sf) =	vpush v2, $0x9  }
0x4a: {  	(v2sf) =	vpush v2, $0xA  }
0x4b: {  	(v2sf) =	vpush v2, $0xB  }
0x4c: {  	(v2sf) =	vpush v2, $0xC  }
0x4d: {  	(v2sf) =	vpush v2, $0xD  }
0x4e: {  	(v2sf) =	vpush v2, $0xE  }
0x4f: {  	s17 =	spop (v2sf);
	(v2sf) =	vpush v2, $0xF  }
0x50: {  	s13 =	spop (v2sf)  }
0x51: {  	s14 =	spop (v2sf);
	s12 =	sadd.s32 s13, s17  }
0x52: {  	s18 =	spop (v2sf);
	s12 =	sadd.s32 s14, s12  }
0x53: {  	s19 =	spop (v2sf);
	s12 =	sadd.s32 s18, s12  }
0x54: {  	s20 =	spop (v2sf);
	s12 =	sadd.s32 s19, s12  }
0x55: {  	s21 =	spop (v2sf);
	s12 =	sadd.s32 s20, s12  }
0x56: {  	s22 =	spop (v2sf);
	s12 =	sadd.s32 s21, s12  }
0x57: {  	s23 =	spop (v2sf);
	s12 =	sadd.s32 s22, s12  }
0x58: {  	s24 =	spop (v2sf);
	s12 =	sadd.s32 s23, s12  }
0x59: {  	s25 =	spop (v2sf);
	s12 =	sadd.s32 s24, s12  }
0x5a: {  	s26 =	spop (v2sf);
	s12 =	sadd.s32 s25, s12  }
0x5b: {  	s28 =	spop (v2sf);
	s12 =	sadd.s32 s26, s12  }
0x5c: {  	s29 =	spop (v2sf);
	s12 =	sadd.s32 s28, s12  }
.Ltmp1:
0x5d: {  	s30 =	spop (v2sf);
	s12 =	sadd.s32 s29, s12;
	(pc) =	sbr.rel .LBB2_4-.Ltmp1, $4  }
0x5e: {  	s12 =	sadd.s32 s30, s12;
	s31 =	spop (v2sf)  }
0x5f: {  	s13 =	sadd.s32 s31, s12  }
0x60: {  	s12 =	simm.s32 $0x0;
	p0 =	sgt.s32 s13, $0x199  }
0x61: {  	s14 =	simm.s32 $0x0;
	s12 =	simm.s32 @!p0 $0x80000000  }
.LBB2_8:
0x62: {  	(v2sf) =	vpush v2, $0x0  }
0x63: {  	(v2sf) =	vpush v2, $0x1  }
0x64: {  	(v2sf) =	vpush v2, $0x2  }
0x65: {  	(v2sf) =	vpush v2, $0x3  }
0x66: {  	(v2sf) =	vpush v2, $0x4  }
0x67: {  	(v2sf) =	vpush v2, $0x5  }
0x68: {  	(v2sf) =	vpush v2, $0x6  }
0x69: {  	(v2sf) =	vpush v2, $0x7  }
0x6a: {  	(v2sf) =	vpush v2, $0x8  }
0x6b: {  	(v2sf) =	vpush v2, $0x9  }
0x6c: {  	(v2sf) =	vpush v2, $0xA  }
0x6d: {  	(v2sf) =	vpush v2, $0xB  }
0x6e: {  	(v2sf) =	vpush v2, $0xC  }
0x6f: {  	(v2sf) =	vpush v2, $0xD  }
0x70: {  	(v2sf) =	vpush v2, $0xE  }
0x71: {  	s16 =	spop (v2sf);
	(v2sf) =	vpush v2, $0xF  }
0x72: {  	s17 =	spop (v2sf)  }
0x73: {  	s16 =	sadd.s32 s17, s16;
	s31 =	spop (v2sf)  }
0x74: {  	s16 =	sadd.s32 s31, s16;
	s18 =	spop (v2sf)  }
0x75: {  	s16 =	sadd.s32 s18, s16;
	s19 =	spop (v2sf)  }
0x76: {  	s16 =	sadd.s32 s19, s16;
	s20 =	spop (v2sf)  }
0x77: {  	s16 =	sadd.s32 s20, s16;
	s21 =	spop (v2sf)  }
0x78: {  	s16 =	sadd.s32 s21, s16;
	s22 =	spop (v2sf)  }
0x79: {  	s16 =	sadd.s32 s22, s16;
	s23 =	spop (v2sf)  }
0x7a: {  	s16 =	sadd.s32 s23, s16;
	s24 =	spop (v2sf)  }
0x7b: {  	s16 =	sadd.s32 s24, s16;
	s25 =	spop (v2sf)  }
0x7c: {  	s16 =	sadd.s32 s25, s16;
	s26 =	spop (v2sf)  }
0x7d: {  	s16 =	sadd.s32 s26, s16;
	s28 =	spop (v2sf)  }
0x7e: {  	s16 =	sadd.s32 s28, s16;
	s29 =	spop (v2sf)  }
0x7f: {  	s16 =	sadd.s32 s29, s16;
	s30 =	spop (v2sf)  }
0x80: {  	s16 =	sadd.s32 s30, s16;
	s31 =	spop (v2sf)  }
0x81: {  	s16 =	sadd.s32 s31, s16  }
0x82: {  	p0 =	sne.s32 s13, $0x19A;
	s14 =	sadd.s32 $0x1, s14;
	p1 =	sgt.s32 s16, $0x199  }
0x83: {  	p0 =	por !p0, !p1;
	p1 =	sne.s32 s14, $0x1F  }
.Ltmp2:
0x84: {  	_ = 	snop;
	(pc) =	sbr.rel @!p1 .LBB2_9-.Ltmp2, $3  }
0x85: {  	_ =	sdelay $0x1  }
0x86: {  	p0 =	por !p0, !p0  }
0x87: {  	s12 =	smov.u32 @p0 s15;
	s13 =	smov.u32 @p0 s16  }
.LBB2_4:
0x88: {  	p0 =	seq.s32 s13, $0x19A  }
.Ltmp3:
0x89: {  	_ = 	snop;
	(pc) =	sbr.rel @p0 .LBB2_8-.Ltmp3, $3  }
0x8a: {  	_ =	sdelay $0x1  }
0x8b: {  	s15 =	sshrl.u32 s9, s14  }
0x8c: {  	v2 =	vimm.s32 $0x0;
	s15 =	sor.u32 s15, s12  }
0x8d: {  	s16 =	simm.s32 $0x0  }
0x8e: {  	v4 =	vld [tilespmem:s16+$0xF0]  }
0x8f: {  	v5 =	vld [tilespmem:s16+$0xE0]  }
0x90: {  	v7 =	vld [tilespmem:s16+$0x50]  }
0x91: {  	p0 =	slt.s32 s12, $0x0;
	s17 =	sxor.u32 $0x7FFFFFFF, s15;
	s18 =	smov.u32 s15;
	v8 =	vld [tilespmem:s16+$0x70]  }
0x92: {  	s18 =	smov.u32 @p0 s17;
	v17 =	vld [tilespmem:s16+$0x40]  }
0x93: {  	v9 =	vld [tilespmem:s16+$0x60];
	v2 =	vmov s18  }
0x94: {  	v11 =	vld [tilespmem:s16+$0xD0];
	v3 =	vbroadcast v2, $0x0  }
0x95: {  	v6 =	vld [tilespmem:s16+$0x0]  }
0x96: {  	v2 =	vimm.s32 $0x0;
	vm0 =	vge.f32 v5, v3  }
0x97: {  	v16 =	vld [tilespmem:s16+$0xB0];
	vm1 =	vge.f32 v4, v3;
	vm2 =	vge.f32 v8, v3;
	vm3 =	vge.f32 v17, v3  }
0x98: {  	v14 =	vld [tilespmem:s16+$0x30];
	v5 =	vsel vm0, $0x1, v0;
	vm0 =	vge.f32 v7, v3;
	v4 =	vsel vm1, $0x1, v0  }
0x99: {  	v13 =	vld [tilespmem:s16+$0x20];
	vm1 =	vge.f32 v9, v3;
	v8 =	vsel vm2, $0x1, v0;
	vm2 =	vge.f32 v11, v3  }
0x9a: {  	v10 =	vld [tilespmem:s16+$0xA0];
	v11 =	vimm.s32 $0x0;
	v7 =	vsel vm0, $0x1, v0;
	vm0 =	vge.f32 v6, v3  }
0x9b: {  	v15 =	vld [tilespmem:s16+$0x10];
	v6 =	vadd.s32 v8, v2;
	v8 =	vimm.s32 $0x0;
	v12 =	vadd.s32 v7, v2  }
0x9c: {  	v7 =	vsel vm0, $0x1, v0;
	vm0 =	vge.f32 v16, v3;
	v4 =	vadd.s32 v4, v6;
	v16 =	vld [tilespmem:s16+$0xC0]  }
0x9d: {  	s17 =	simm.s32 $0x400;
	v17 =	vld [tilespmem:s16+$0x80];
	v6 =	vimm.s32 $0x0;
	v9 =	vadd.s32 v7, v2;
	v7 =	vimm.s32 $0x0  }
.LBB2_6:
0x9e: {  	p0 =	sne.s32 s17, $0x7C00;
	vm4 =	vge.f32 v14, v3;
	v14 =	vsel vm1, $0x1, v0;
	v18 =	vld [tilespmem:s16+$0x90];
	s16 =	sshra.s32 s17, $0x2;
	s17 =	sadd.s32 $0x400, s17;
	v19 =	vsel vm2, $0x1, v0  }
0x9f: {  	vm1 =	vge.f32 v13, v3;
	v20 =	vld [tilespmem:s16+$0xD0];
	v2 =	vadd.s32 v14, v2;
	v12 =	vadd.s32 v19, v12  }
0xa0: {  	v21 =	vsel vm0, $0x1, v0;
	v14 =	vsel vm1, $0x1, v0;
	v19 =	vsel vm3, $0x1, v0;
	v13 =	vld [tilespmem:s16+$0xF0]  }
0xa1: {  	vm0 =	vge.f32 v15, v3;
	v2 =	vadd.s32 v5, v2;
	v22 =	vld [tilespmem:s16+$0x0];
	vm1 =	vge.f32 v16, v3  }
0xa2: {  	v11 =	vadd.s32 v19, v11;
	v15 =	vsel vm0, $0x1, v0;
	v5 =	vld [tilespmem:s16+$0xE0];
	vm0 =	vge.f32 v17, v3  }
0xa3: {  	v17 =	vsel vm4, $0x1, v0;
	v16 =	vld [tilespmem:s16+$0x50];
	vm2 =	vge.f32 v18, v3;
	v18 =	vsel vm1, $0x1, v0  }
0xa4: {  	v6 =	vadd.s32 v17, v6;
	v17 =	vsel vm0, $0x1, v0;
	vm0 =	vge.f32 v10, v3;
	v19 =	vld [tilespmem:s16+$0x70]  }
0xa5: {  	v6 =	vadd.s32 v21, v6;
	v10 =	vld [tilespmem:s16+$0x60];
	vm1 =	vge.f32 v13, v3;
	v13 =	vsel vm2, $0x1, v0  }
0xa6: {  	v8 =	vadd.s32 v14, v8;
	v7 =	vadd.s32 v15, v7;
	v11 =	vadd.s32 v18, v11;
	v21 =	vld [tilespmem:s16+$0xB0]  }
0xa7: {  	v7 =	vadd.s32 v13, v7;
	v13 =	vsel vm0, $0x1, v0;
	v18 =	vld [tilespmem:s16+$0x40];
	vm2 =	vge.f32 v5, v3  }
0xa8: {  	v9 =	vadd.s32 v17, v9;
	v8 =	vadd.s32 v13, v8;
	v14 =	vld [tilespmem:s16+$0x30];
	v5 =	vsel vm2, $0x1, v0  }
.Ltmp4:
0xa9: {  	v17 =	vsel vm1, $0x1, v0;
	vm0 =	vge.f32 v16, v3;
	v13 =	vld [tilespmem:s16+$0x20];
	vm2 =	vge.f32 v19, v3;
	(pc) =	sbr.rel @p0 .LBB2_6-.Ltmp4, $4  }
0xaa: {  	v16 =	vsel vm0, $0x1, v0;
	vm1 =	vge.f32 v10, v3;
	v19 =	vsel vm2, $0x1, v0;
	v10 =	vld [tilespmem:s16+$0xA0]  }
0xab: {  	vm0 =	vge.f32 v22, v3;
	v12 =	vadd.s32 v16, v12;
	v15 =	vld [tilespmem:s16+$0x10];
	v4 =	vadd.s32 v19, v4  }
0xac: {  	v19 =	vsel vm0, $0x1, v0;
	vm0 =	vge.f32 v21, v3;
	v16 =	vld [tilespmem:s16+$0xC0];
	v4 =	vadd.s32 v17, v4  }
0xad: {  	vm2 =	vge.f32 v20, v3;
	v9 =	vadd.s32 v19, v9;
	vm3 =	vge.f32 v18, v3;
	v17 =	vld [tilespmem:s16+$0x80]  }
0xae: {  	v18 =	vld [tilespmem:s16+$0x90]  }
0xaf: {  	vm4 =	vge.f32 v14, v3;
	v55 =	vsel vm1, $0x1, v0;
	vm10 =	vge.f32 v13, v3  }
0xb0: {  	v19 =	vsel vm3, $0x1, v0;
	v56 =	vsel vm0, $0x1, v0;
	v13 =	vsel vm10, $0x1, v0  }
0xb1: {  	v11 =	vadd.s32 v19, v11;
	v58 =	vsel vm4, $0x1, v0;
	vm15 =	vge.f32 v10, v3  }
0xb2: {  	vm11 =	vge.f32 v15, v3;
	v8 =	vadd.s32 v13, v8;
	vm12 =	vge.f32 v16, v3  }
0xb3: {  	v57 =	vsel vm11, $0x1, v0;
	vm13 =	vge.f32 v17, v3;
	vm14 =	vge.f32 v18, v3  }
0xb4: {  	v7 =	vadd.s32 v57, v7;
	v59 =	vsel vm13, $0x1, v0;
	v3 =	vsel vm14, $0x1, v0  }
0xb5: {  	v60 =	vsel vm15, $0x1, v0;
	v9 =	vadd.s32 v59, v9;
	v3 =	vadd.s32 v3, v7  }
0xb6: {  	v6 =	vadd.s32 v58, v6;
	v7 =	vadd.s32 v60, v8;
	v3 =	vadd.s32 v9, v3  }
0xb7: {  	v6 =	vadd.s32 v56, v6;
	v61 =	vsel vm12, $0x1, v0;
	v3 =	vadd.s32 v7, v3  }
.Ltmp5:
0xb8: {  	v62 =	vsel vm2, $0x1, v0;
	v8 =	vadd.s32 v61, v11;
	v3 =	vadd.s32 v6, v3;
	(pc) =	sbr.rel .LBB2_8-.Ltmp5, $4  }
0xb9: {  	v2 =	vadd.s32 v55, v2;
	v63 =	vadd.s32 v62, v12;
	v3 =	vadd.s32 v8, v3  }
0xba: {  	v2 =	vadd.s32 v5, v2;
	v3 =	vadd.s32 v63, v3  }
0xbb: {  	v2 =	vadd.s32 v2, v3  }
0xbc: {  	v2 =	vadd.s32 v4, v2  }
.LBB2_9:
0xbd: {  	s15 =	simm.s32 $0x0  }
0xbe: {  	v4 =	vld [tilespmem:s15+$0xA0]  }
0xbf: {  	v2 =	vld [tilespmem:s15+$0xF0]  }
0xc0: {  	v11 =	vld [tilespmem:s15+$0xD0]  }
0xc1: {  	v5 =	vld [tilespmem:s15+$0x90]  }
0xc2: {  	v12 =	vld [tilespmem:s15+$0x40]  }
0xc3: {  	v6 =	vld [tilespmem:s15+$0x50]  }
0xc4: {  	v10 =	vld [tilespmem:s15+$0xC0]  }
0xc5: {  	v3 =	vld [tilespmem:s15+$0x70]  }
0xc6: {  	v14 =	vld [tilespmem:s15+$0xE0]  }
0xc7: {  	s14 =	sxor.u32 $0x7FFFFFFF, s12;
	p0 =	slt.s32 s12, $0x0;
	v17 =	vld [tilespmem:s15+$0x30]  }
0xc8: {  	s12 =	smov.u32 @p0 s14;
	v13 =	vld [tilespmem:s15+$0x0]  }
0xc9: {  	v15 =	vimm.f32 $+Inf;
	v8 =	vimm.f32 $-Inf;
	v21 =	vld [tilespmem:s15+$0x10];
	v9 =	vmov s12  }
0xca: {  	vm0 =	vge.f32 v2, v9;
	vm2 =	vge.f32 v6, v9;
	v16 =	vmax.f32 v8, v6  }
0xcb: {  	v30 =	vld [tilespmem:s15+$0x20];
	v6 =	vmin.f32 v15, v6;
	vm1 =	vge.f32 v3, v9;
	vm11 =	vge.f32 v11, v9  }
0xcc: {  	vm5 =	vge.f32 v17, v9;
	vm4 =	vge.f32 v5, v9;
	vm8 =	vge.f32 v14, v9  }
0xcd: {  	v7 =	vld [tilespmem:s15+$0xB0];
	vm6 =	vge.f32 v13, v9;
	vm3 =	vge.f32 v4, v9;
	vm7 =	vge.f32 v10, v9  }
0xce: {  	v24 =	vmax.f32 v8, v21;
	vm9 =	vge.f32 v12, v9;
	v22 =	vmin.f32 v15, v17  }
0xcf: {  	v20 =	vmax.f32 v8, v17;
	vm10 =	vge.f32 v21, v9;
	v18 =	vsel vm2, v8, v16  }
0xd0: {  	v33 =	vmin.f32 v15, v30;
	vm0 =	vmmov vm0;
	v19 =	vmax.f32 v18, v11  }
0xd1: {  	v16 =	vmin.f32 v15, v3;
	v23 =	vsel vm2, v6, v15;
	v6 =	vsel vm11, v18, v19;
	v18 =	vld [tilespmem:s15+$0x60]  }
0xd2: {  	vm2 =	vge.f32 v7, v9;
	v22 =	vsel vm5, v22, v15;
	v28 =	vsel vm10, v8, v24  }
0xd3: {  	v24 =	vimm.f32 $+Inf;
	v19 =	vmin.f32 v15, v12;
	v12 =	vmax.f32 v8, v12  }
0xd4: {  	v11 =	vmin.f32 v23, v11;
	v25 =	vsel vm9, v8, v12;
	v12 =	vmin.f32 v15, v13  }
0xd5: {  	v26 =	vsel vm9, v19, v15;
	v19 =	vsel vm11, v11, v23;
	v27 =	vsel vm6, v12, v15  }
0xd6: {  	v23 =	vld [tilespmem:s15+$0x80];
	v32 =	vmin.f32 v26, v10;
	vm9 =	vge.f32 v18, v9;
	v17 =	vmin.f32 v15, v18  }
0xd7: {  	v12 =	vimm.f32 $-Inf;
	v18 =	vmax.f32 v8, v18;
	v29 =	vsel vm9, v17, v15  }
0xd8: {  	v17 =	vsel vm9, v8, v18;
	vm9 =	vge.f32 v30, v9;
	v30 =	vmax.f32 v8, v30  }
0xd9: {  	v18 =	vimm.f32 $+Inf;
	v31 =	vmin.f32 v29, v14;
	v11 =	vmax.f32 v17, v14  }
0xda: {  	s14 =	simm.s32 $0x400;
	v14 =	vimm.f32 $-Inf;
	v11 =	vsel vm8, v17, v11;
	v17 =	vimm.f32 $-Inf  }
.LBB2_10:
0xdb: {  	s15 =	sshra.s32 s14, $0x2;
	p0 =	sne.s32 s14, $0x7C00;
	s14 =	sadd.s32 $0x400, s14;
	v21 =	vmin.f32 v15, v21;
	v34 =	vmin.f32 v27, v23;
	v10 =	vmax.f32 v25, v10  }
0xdc: {  	v36 =	vmax.f32 v28, v5;
	v29 =	vsel vm8, v31, v29;
	v35 =	vld [tilespmem:s15+$0xA0];
	v25 =	vsel vm7, v25, v10  }
0xdd: {  	v10 =	vmax.f32 v8, v13;
	v13 =	vsel vm9, v17, v30;
	v28 =	vsel vm4, v28, v36;
	v31 =	vld [tilespmem:s15+$0xF0]  }
0xde: {  	v24 =	vsel vm9, v33, v24;
	v33 =	vmin.f32 v22, v7;
	v26 =	vsel vm7, v32, v26;
	v30 =	vld [tilespmem:s15+$0xD0]  }
0xdf: {  	v8 =	vsel vm6, v8, v10;
	v10 =	vsel vm5, v14, v20;
	v20 =	vmin.f32 v24, v4;
	v32 =	vld [tilespmem:s15+$0x90]  }
0xe0: {  	v16 =	vsel vm1, v16, v18;
	v15 =	vsel vm10, v21, v15;
	v7 =	vmax.f32 v10, v7;
	v36 =	vld [tilespmem:s15+$0x40]  }
0xe1: {  	v17 =	vmax.f32 v13, v4;
	v14 =	vsel vm2, v10, v7;
	v7 =	vmin.f32 v16, v2;
	v37 =	vld [tilespmem:s15+$0x50];
	v4 =	vmovc v35  }
0xe2: {  	vm5 =	vge.f32 v23, v9;
	v18 =	vmax.f32 v8, v23;
	v17 =	vsel vm3, v13, v17;
	v10 =	vld [tilespmem:s15+$0xC0]  }
0xe3: {  	v13 =	vmax.f32 v12, v3;
	v8 =	vsel vm5, v8, v18;
	v18 =	vsel vm0, v7, v16;
	v3 =	vld [tilespmem:s15+$0x70]  }
0xe4: {  	v27 =	vsel vm5, v34, v27;
	v12 =	vsel vm1, v12, v13;
	v13 =	vmin.f32 v15, v5;
	v35 =	vld [tilespmem:s15+$0xE0];
	v5 =	vmovc v32  }
0xe5: {  	v22 =	vsel vm2, v33, v22;
	v16 =	vmax.f32 v12, v2;
	vm1 =	vge.f32 v31, v9;
	v2 =	vmovc v31;
	v7 =	vld [tilespmem:s15+$0xB0]  }
0xe6: {  	v24 =	vsel vm3, v20, v24;
	v15 =	vsel vm4, v13, v15;
	v12 =	vsel vm0, v12, v16;
	v23 =	vld [tilespmem:s15+$0x30]  }
0xe7: {  	vm0 =	vmmov vm1;
	vm2 =	vge.f32 v37, v9;
	v16 =	vmax.f32 v6, v37;
	v13 =	vld [tilespmem:s15+$0x0]  }
0xe8: {  	v20 =	vmin.f32 v19, v37;
	v6 =	vsel vm2, v6, v16;
	v21 =	vld [tilespmem:s15+$0x10];
	vm1 =	vge.f32 v3, v9  }
0xe9: {  	vm11 =	vge.f32 v30, v9;
	v16 =	vmin.f32 v18, v3;
	v31 =	vmax.f32 v6, v30  }
0xea: {  	v19 =	vsel vm2, v20, v19;
	v6 =	vsel vm11, v6, v31;
	vm2 =	vge.f32 v7, v9  }
0xeb: {  	vm4 =	vge.f32 v5, v9;
	vm8 =	vge.f32 v35, v9;
	vm5 =	vge.f32 v23, v9;
	v31 =	vld [tilespmem:s15+$0x60]  }
0xec: {  	vm3 =	vge.f32 v4, v9;
	vm7 =	vge.f32 v10, v9;
	vm6 =	vge.f32 v13, v9  }
0xed: {  	vm9 =	vge.f32 v36, v9;
	v33 =	vmin.f32 v26, v36;
	v32 =	vmax.f32 v28, v21  }
0xee: {  	v36 =	vmax.f32 v25, v36;
	v30 =	vmin.f32 v19, v30;
	v37 =	vmin.f32 v22, v23;
	v34 =	vld [tilespmem:s15+$0x20]  }
0xef: {  	v26 =	vsel vm9, v33, v26;
	v25 =	vsel vm9, v25, v36;
	v20 =	vmax.f32 v14, v23  }
0xf0: {  	v33 =	vmin.f32 v27, v13;
	vm9 =	vge.f32 v31, v9;
	v23 =	vmin.f32 v29, v31  }
.Ltmp6:
0xf1: {  	v22 =	vsel vm5, v37, v22;
	v31 =	vmax.f32 v11, v31;
	v29 =	vsel vm9, v23, v29;
	v23 =	vld [tilespmem:s15+$0x80];
	(pc) =	sbr.rel @p0 .LBB2_10-.Ltmp6, $4  }
0xf2: {  	vm10 =	vge.f32 v21, v9;
	v11 =	vsel vm9, v11, v31;
	v31 =	vmin.f32 v29, v35  }
0xf3: {  	v19 =	vsel vm11, v30, v19;
	v35 =	vmax.f32 v11, v35;
	vm9 =	vge.f32 v34, v9  }
0xf4: {  	v27 =	vsel vm6, v33, v27;
	v28 =	vsel vm10, v28, v32;
	v33 =	vmin.f32 v24, v34  }
0xf5: {  	v32 =	vmin.f32 v26, v10;
	v30 =	vmax.f32 v17, v34;
	v11 =	vsel vm8, v11, v35  }
0xf6: {  	v21 =	vmin.f32 v15, v21  }
0xf7: {  	v34 =	vmin.f32 v27, v23;
	v15 =	vsel vm10, v21, v15  }
0xf8: {  	v55 =	vsel vm9, v33, v24;
	vm15 =	vge.f32 v23, v9;
	v9 =	vmin.f32 v15, v5  }
0xf9: {  	v24 =	vmin.f32 v55, v4;
	v27 =	vsel vm15, v34, v27;
	v9 =	vsel vm4, v9, v15  }
0xfa: {  	v56 =	vmin.f32 v22, v7;
	v21 =	vsel vm3, v24, v55;
	v9 =	vmin.f32 v27, v9  }
0xfb: {  	v15 =	vsel vm2, v56, v22;
	v9 =	vmin.f32 v9, v21  }
0xfc: {  	v57 =	vsel vm7, v32, v26;
	v9 =	vmin.f32 v9, v15  }
0xfd: {  	v58 =	vsel vm1, v16, v18;
	v9 =	vmin.f32 v9, v57  }
0xfe: {  	v59 =	vsel vm8, v31, v29;
	v18 =	vmin.f32 v58, v2;
	v9 =	vmin.f32 v9, v19  }
0xff: {  	v15 =	vsel vm0, v18, v58;
	v9 =	vmin.f32 v9, v59  }
0x100: {  	v9 =	vmin.f32 v9, v15  }
0x101: {  	(v2sf) =	vpush v9, $0x0  }
0x102: {  	(v2sf) =	vpush v9, $0x1  }
0x103: {  	(v2sf) =	vpush v9, $0x2  }
0x104: {  	v10 =	vmax.f32 v25, v10;
	v13 =	vmax.f32 v8, v13;
	(v2sf) =	vpush v9, $0x3  }
0x105: {  	v60 =	vsel vm9, v17, v30;
	v61 =	vsel vm5, v14, v20;
	(v2sf) =	vpush v9, $0x4  }
0x106: {  	v3 =	vmax.f32 v12, v3;
	v8 =	vsel vm6, v8, v13;
	(v2sf) =	vpush v9, $0x5  }
0x107: {  	v7 =	vmax.f32 v61, v7;
	v4 =	vmax.f32 v60, v4;
	(v2sf) =	vpush v9, $0x6  }
0x108: {  	v5 =	vmax.f32 v28, v5;
	v62 =	vmax.f32 v8, v23;
	(v2sf) =	vpush v9, $0x7  }
0x109: {  	v5 =	vsel vm4, v28, v5;
	v8 =	vsel vm15, v8, v62;
	(v2sf) =	vpush v9, $0x8  }
0x10a: {  	v4 =	vsel vm3, v60, v4;
	v5 =	vmax.f32 v8, v5;
	(v2sf) =	vpush v9, $0x9  }
0x10b: {  	v7 =	vsel vm2, v61, v7;
	v4 =	vmax.f32 v5, v4;
	(v2sf) =	vpush v9, $0xA  }
0x10c: {  	v10 =	vsel vm7, v25, v10;
	v4 =	vmax.f32 v4, v7;
	(v2sf) =	vpush v9, $0xB  }
0x10d: {  	v3 =	vsel vm1, v12, v3;
	v4 =	vmax.f32 v4, v10;
	(v2sf) =	vpush v9, $0xC  }
0x10e: {  	v2 =	vmax.f32 v3, v2;
	v4 =	vmax.f32 v4, v6;
	(v2sf) =	vpush v9, $0xD  }
0x10f: {  	v2 =	vsel vm0, v3, v2;
	v3 =	vmax.f32 v4, v11;
	(v2sf) =	vpush v9, $0xE  }
0x110: {  	v2 =	vmax.f32 v3, v2;
	s14 =	spop (v2sf);
	(v2sf) =	vpush v9, $0xF  }
0x111: {  	s15 =	spop (v2sf);
	(v2sf) =	vpush v2, $0x0  }
0x112: {  	s16 =	spop (v2sf);
	(v2sf) =	vpush v2, $0x1  }
0x113: {  	s17 =	spop (v2sf);
	(v2sf) =	vpush v2, $0x2  }
0x114: {  	s14 =	smin.f32 s14, s15;
	s31 =	spop (v2sf);
	(v2sf) =	vpush v2, $0x3  }
0x115: {  	s14 =	smin.f32 s14, s16;
	s18 =	spop (v2sf);
	(v2sf) =	vpush v2, $0x4  }
0x116: {  	s14 =	smin.f32 s14, s17;
	s19 =	spop (v2sf);
	(v2sf) =	vpush v2, $0x5  }
0x117: {  	s14 =	smin.f32 s14, s31;
	s20 =	spop (v2sf);
	(v2sf) =	vpush v2, $0x6  }
0x118: {  	s14 =	smin.f32 s14, s18;
	s21 =	spop (v2sf);
	(v2sf) =	vpush v2, $0x7  }
0x119: {  	s14 =	smin.f32 s14, s19;
	s22 =	spop (v2sf);
	(v2sf) =	vpush v2, $0x8  }
0x11a: {  	s14 =	smin.f32 s14, s20;
	s23 =	spop (v2sf);
	(v2sf) =	vpush v2, $0x9  }
0x11b: {  	s14 =	smin.f32 s14, s21;
	s24 =	spop (v2sf);
	(v2sf) =	vpush v2, $0xA  }
0x11c: {  	s14 =	smin.f32 s14, s22;
	s25 =	spop (v2sf);
	(v2sf) =	vpush v2, $0xB  }
0x11d: {  	s14 =	smin.f32 s14, s23;
	s26 =	spop (v2sf);
	(v2sf) =	vpush v2, $0xC  }
0x11e: {  	s14 =	smin.f32 s14, s24;
	s28 =	spop (v2sf);
	(v2sf) =	vpush v2, $0xD  }
0x11f: {  	s14 =	smin.f32 s14, s25;
	s17 =	spop (v2sf);
	(v2sf) =	vpush v2, $0xE  }
0x120: {  	s14 =	smin.f32 s14, s26;
	s29 =	spop (v2sf);
	(v2sf) =	vpush v2, $0xF  }
0x121: {  	s14 =	smin.f32 s14, s28;
	s30 =	spop (v2sf)  }
0x122: {  	s15 =	smax.f32 s29, s30;
	s31 =	spop (v2sf)  }
0x123: {  	s15 =	smax.f32 s15, s31;
	s18 =	spop (v2sf)  }
0x124: {  	s15 =	smax.f32 s15, s18;
	s19 =	spop (v2sf)  }
0x125: {  	s15 =	smax.f32 s15, s19;
	s20 =	spop (v2sf)  }
0x126: {  	s15 =	smax.f32 s15, s20;
	s21 =	spop (v2sf)  }
0x127: {  	s15 =	smax.f32 s15, s21;
	s22 =	spop (v2sf)  }
0x128: {  	s15 =	smax.f32 s15, s22;
	s23 =	spop (v2sf)  }
0x129: {  	s15 =	smax.f32 s15, s23;
	s24 =	spop (v2sf)  }
0x12a: {  	s15 =	smax.f32 s15, s24;
	s25 =	spop (v2sf)  }
0x12b: {  	s15 =	smax.f32 s15, s25;
	s26 =	spop (v2sf)  }
0x12c: {  	s15 =	smax.f32 s15, s26;
	s28 =	spop (v2sf)  }
0x12d: {  	s15 =	smax.f32 s15, s28;
	s29 =	spop (v2sf)  }
0x12e: {  	s15 =	smax.f32 s15, s29;
	s30 =	spop (v2sf)  }
0x12f: {  	s15 =	smax.f32 s15, s30;
	s31 =	spop (v2sf)  }
0x130: {  	s17 =	smin.f32 s14, s17;
	s15 =	smax.f32 s15, s31  }
0x131: {  	s14 =	simm.s32 $0x0;
	s15 =	sadd.f32 s15, s17  }
0x132: {  	v3 =	vld [tilespmem:s14+$0xF0]  }
0x133: {  	v4 =	vld [tilespmem:s14+$0x0];
	s15 =	smul.f32 $5.000000000e-01, s15  }
0x134: {  	p0 =	seq.s32 s13, $0x19A;
	v5 =	vld [tilespmem:s14+$0x10]  }
0x135: {  	v6 =	vld [tilespmem:s14+$0x20];
	s12 =	smov.u32 @p0 s15  }
0x136: {  	v7 =	vld [tilespmem:s14+$0x30];
	v2 =	vmov s12  }
0x137: {  	v8 =	vld [tilespmem:s14+$0x40];
	vm0 =	vgt.f32 v3, v2  }
0x138: {  	v9 =	vld [tilespmem:s14+$0x50];
	vm1 =	vgt.f32 v4, v2;
	v3 =	vsel vm0, $0x3F800000, v1  }
0x139: {  	v10 =	vld [tilespmem:s14+$0x60];
	v4 =	vsel vm1, $0x3F800000, v1;
	vm0 =	vgt.f32 v5, v2;
	[tilespmem:s14+$0x20F0] =	vst v3  }
0x13a: {  	v11 =	vld [tilespmem:s14+$0x70];
	[tilespmem:s14+$0x2000] =	vst v4;
	v3 =	vsel vm0, $0x3F800000, v1;
	vm0 =	vgt.f32 v6, v2  }
0x13b: {  	v63 =	vld [tilespmem:s14+$0x80];
	[tilespmem:s14+$0x2010] =	vst v3;
	v3 =	vsel vm0, $0x3F800000, v1;
	vm0 =	vgt.f32 v7, v2  }
0x13c: {  	v7 =	vld [tilespmem:s14+$0x90];
	[tilespmem:s14+$0x2020] =	vst v3;
	v3 =	vsel vm0, $0x3F800000, v1;
	vm0 =	vgt.f32 v8, v2  }
0x13d: {  	[tilespmem:s14+$0x2030] =	vst v3;
	v4 =	vsel vm0, $0x3F800000, v1;
	v3 =	vld [tilespmem:s14+$0xA0];
	vm0 =	vgt.f32 v9, v2  }
0x13e: {  	[tilespmem:s14+$0x2040] =	vst v4;
	v5 =	vsel vm0, $0x3F800000, v1;
	v4 =	vld [tilespmem:s14+$0xB0];
	vm0 =	vgt.f32 v10, v2  }
0x13f: {  	[tilespmem:s14+$0x2050] =	vst v5;
	v6 =	vsel vm0, $0x3F800000, v1;
	v5 =	vld [tilespmem:s14+$0xC0];
	vm0 =	vgt.f32 v11, v2  }
0x140: {  	[tilespmem:s14+$0x2060] =	vst v6;
	v8 =	vsel vm0, $0x3F800000, v1;
	v6 =	vld [tilespmem:s14+$0xD0];
	vm0 =	vgt.f32 v63, v2  }
0x141: {  	s13 =	simm.s32 $0x800;
	s12 =	simm.s32 $0x100;
	[tilespmem:s14+$0x2070] =	vst v8;
	v8 =	vsel vm0, $0x3F800000, v1;
	vm0 =	vgt.f32 v7, v2;
	v7 =	vld [tilespmem:s14+$0xE0]  }
.LBB2_12:
0x142: {  	p0 =	sne.s32 s13, $0x7C00;
	v9 =	vld [tilespmem:s12+$0xF0];
	[tilespmem:s14+$0x2080] =	vst v8;
	v8 =	vsel vm0, $0x3F800000, v1;
	vm0 =	vgt.f32 v3, v2  }
0x143: {  	v3 =	vld [tilespmem:s12+$0x0];
	[tilespmem:s14+$0x2090] =	vst v8;
	v8 =	vsel vm0, $0x3F800000, v1;
	vm0 =	vgt.f32 v4, v2  }
0x144: {  	v4 =	vld [tilespmem:s12+$0x10];
	[tilespmem:s14+$0x20A0] =	vst v8;
	v8 =	vsel vm0, $0x3F800000, v1;
	vm0 =	vgt.f32 v5, v2  }
0x145: {  	v5 =	vld [tilespmem:s12+$0x20];
	[tilespmem:s14+$0x20B0] =	vst v8;
	v8 =	vsel vm0, $0x3F800000, v1;
	vm0 =	vgt.f32 v6, v2  }
0x146: {  	v6 =	vld [tilespmem:s12+$0x30];
	[tilespmem:s14+$0x20C0] =	vst v8;
	v8 =	vsel vm0, $0x3F800000, v1;
	vm0 =	vgt.f32 v7, v2  }
0x147: {  	v7 =	vld [tilespmem:s12+$0x40];
	vm1 =	vgt.f32 v9, v2;
	[tilespmem:s14+$0x20D0] =	vst v8;
	v8 =	vsel vm0, $0x3F800000, v1  }
0x148: {  	vm0 =	vgt.f32 v3, v2;
	v3 =	vld [tilespmem:s12+$0x50];
	v9 =	vsel vm1, $0x3F800000, v1;
	[tilespmem:s14+$0x20E0] =	vst v8;
	s14 =	smov.u32 s12  }
0x149: {  	v8 =	vsel vm0, $0x3F800000, v1;
	vm0 =	vgt.f32 v4, v2;
	v4 =	vld [tilespmem:s14+$0x60];
	[tilespmem:s14+$0x20F0] =	vst v9  }
0x14a: {  	[tilespmem:s14+$0x2000] =	vst v8;
	v8 =	vsel vm0, $0x3F800000, v1;
	vm0 =	vgt.f32 v5, v2;
	v5 =	vld [tilespmem:s14+$0x70]  }
0x14b: {  	[tilespmem:s14+$0x2010] =	vst v8;
	v8 =	vsel vm0, $0x3F800000, v1;
	vm0 =	vgt.f32 v6, v2;
	v6 =	vld [tilespmem:s14+$0x80]  }
0x14c: {  	[tilespmem:s14+$0x2020] =	vst v8;
	v8 =	vsel vm0, $0x3F800000, v1;
	vm0 =	vgt.f32 v7, v2;
	v7 =	vld [tilespmem:s14+$0x90]  }
.Ltmp7:
0x14d: {  	[tilespmem:s14+$0x2030] =	vst v8;
	v8 =	vsel vm0, $0x3F800000, v1;
	vm0 =	vgt.f32 v3, v2;
	v3 =	vld [tilespmem:s14+$0xA0];
	(pc) =	sbr.rel @p0 .LBB2_12-.Ltmp7, $4  }
0x14e: {  	[tilespmem:s14+$0x2040] =	vst v8;
	v8 =	vsel vm0, $0x3F800000, v1;
	vm0 =	vgt.f32 v4, v2;
	v4 =	vld [tilespmem:s14+$0xB0]  }
0x14f: {  	[tilespmem:s14+$0x2050] =	vst v8;
	v8 =	vsel vm0, $0x3F800000, v1;
	vm0 =	vgt.f32 v5, v2;
	v5 =	vld [tilespmem:s14+$0xC0]  }
0x150: {  	[tilespmem:s14+$0x2060] =	vst v8;
	v8 =	vsel vm0, $0x3F800000, v1;
	vm0 =	vgt.f32 v6, v2;
	v6 =	vld [tilespmem:s14+$0xD0]  }
0x151: {  	s12 =	sshra.s32 s13, $0x2;
	s13 =	sadd.s32 $0x400, s13;
	[tilespmem:s14+$0x2070] =	vst v8;
	v8 =	vsel vm0, $0x3F800000, v1;
	vm0 =	vgt.f32 v7, v2;
	v7 =	vld [tilespmem:s14+$0xE0]  }
0x152: {  	v9 =	vld [tilespmem:s12+$0xF0];
	[tilespmem:s14+$0x2080] =	vst v8;
	v50 =	vsel vm0, $0x3F800000, v1;
	vm8 =	vgt.f32 v3, v2  }
0x153: {  	v10 =	vld [tilespmem:s12+$0x0];
	[tilespmem:s14+$0x2090] =	vst v50;
	v3 =	vsel vm8, $0x3F800000, v1;
	vm9 =	vgt.f32 v4, v2  }
0x154: {  	v8 =	vld [tilespmem:s12+$0x10];
	[tilespmem:s14+$0x20A0] =	vst v3;
	v3 =	vsel vm9, $0x3F800000, v1;
	vm10 =	vgt.f32 v5, v2  }
0x155: {  	v51 =	vld [tilespmem:s12+$0x20];
	[tilespmem:s14+$0x20B0] =	vst v3;
	v3 =	vsel vm10, $0x3F800000, v1;
	vm11 =	vgt.f32 v6, v2  }
0x156: {  	v52 =	vld [tilespmem:s12+$0x30];
	[tilespmem:s14+$0x20C0] =	vst v3;
	v3 =	vsel vm11, $0x3F800000, v1;
	vm12 =	vgt.f32 v7, v2  }
0x157: {  	v53 =	vld [tilespmem:s12+$0x40];
	[tilespmem:s14+$0x20D0] =	vst v3;
	v3 =	vsel vm12, $0x3F800000, v1  }
0x158: {  	v54 =	vld [tilespmem:s12+$0x50];
	[tilespmem:s14+$0x20E0] =	vst v3  }
0x159: {  	v55 =	vld [tilespmem:s12+$0x60]  }
0x15a: {  	v56 =	vld [tilespmem:s12+$0x70]  }
0x15b: {  	v57 =	vld [tilespmem:s12+$0x80]  }
0x15c: {  	vm13 =	vgt.f32 v9, v2;
	v58 =	vld [tilespmem:s12+$0x90]  }
0x15d: {  	vm1 =	vgt.f32 v10, v2;
	v3 =	vsel vm13, $0x3F800000, v1;
	v59 =	vld [tilespmem:s12+$0xA0]  }
0x15e: {  	[tilespmem:s12+$0x20F0] =	vst v3;
	v3 =	vsel vm1, $0x3F800000, v1;
	vm14 =	vgt.f32 v8, v2;
	v60 =	vld [tilespmem:s12+$0xB0]  }
0x15f: {  	v61 =	vld [tilespmem:s12+$0xC0];
	[tilespmem:s12+$0x2000] =	vst v3;
	v3 =	vsel vm14, $0x3F800000, v1;
	vm15 =	vgt.f32 v51, v2  }
0x160: {  	v63 =	vld [tilespmem:s12+$0xE0];
	[tilespmem:s12+$0x2010] =	vst v3;
	v3 =	vsel vm15, $0x3F800000, v1;
	vm4 =	vgt.f32 v52, v2  }
0x161: {  	v62 =	vld [tilespmem:s12+$0xD0];
	[tilespmem:s12+$0x2020] =	vst v3;
	v3 =	vsel vm4, $0x3F800000, v1;
	vm5 =	vgt.f32 v53, v2  }
0x162: {  	[tilespmem:s12+$0x2030] =	vst v3;
	v3 =	vsel vm5, $0x3F800000, v1;
	vm6 =	vgt.f32 v54, v2  }
0x163: {  	[tilespmem:s12+$0x2040] =	vst v3;
	v3 =	vsel vm6, $0x3F800000, v1;
	vm7 =	vgt.f32 v55, v2;
	vm8 =	vgt.f32 v56, v2  }
0x164: {  	vm9 =	vgt.f32 v57, v2;
	vm10 =	vgt.f32 v58, v2;
	vm11 =	vgt.f32 v59, v2  }
0x165: {  	vm12 =	vgt.f32 v60, v2;
	vm15 =	vgt.f32 v63, v2;
	[tilespmem:s12+$0x2050] =	vst v3;
	v3 =	vsel vm7, $0x3F800000, v1  }
0x166: {  	vm13 =	vgt.f32 v61, v2;
	vm14 =	vgt.f32 v62, v2;
	v2 =	vsel vm15, $0x3F800000, v1;
	[tilespmem:s12+$0x2060] =	vst v3  }
0x167: {  	v3 =	vsel vm8, $0x3F800000, v1;
	[tilespmem:s12+$0x20E0] =	vst v2  }
0x168: {  	[tilespmem:s12+$0x2070] =	vst v3;
	v3 =	vsel vm9, $0x3F800000, v1  }
0x169: {  	[tilespmem:s12+$0x2080] =	vst v3;
	v3 =	vsel vm10, $0x3F800000, v1  }
0x16a: {  	[tilespmem:s12+$0x2090] =	vst v3;
	v3 =	vsel vm11, $0x3F800000, v1  }
0x16b: {  	[tilespmem:s12+$0x20A0] =	vst v3;
	v3 =	vsel vm12, $0x3F800000, v1  }
0x16c: {  	s11 =	sadd.s32 $0x1, s11;
	[tilespmem:s12+$0x20B0] =	vst v3;
	v3 =	vsel vm13, $0x3F800000, v1  }
0x16d: {  	p0 =	sne.s32 s11, s5;
	[tilespmem:s12+$0x20C0] =	vst v3;
	v3 =	vsel vm14, $0x3F800000, v1  }
.Ltmp8:
0x16e: {  	[tilespmem:s12+$0x20D0] =	vst v3;
	(pc) =	sbr.rel @p0 .LBB2_1-.Ltmp8, $4  }
0x16f: {  	[hbm4b:s4+s6] =	stream.strided.scatter [tilespmem:s10], [sflag:$0x1], $0x2000, s7, s6, $0x38;
	[tilespmem:$0x4000] =	vst v63  }
0x170: {  	_ =	swait.ge [sflag:s8], $0x2000  }
0x171: {  	[sflag:s8] =	ssyncset.done $0x0  }
0x172: {  	[sflag:s8] =	ssyncadd.s32 $0xFFFFE000  }
0x173: {  	_ =	sfence.sel $0x180000  }
0x174: {  	[bflag:$0x0] =	sbarrier.arrive $0xFFFF  }
0x175: {  	p0 =	sne.s32 s1, $0x0;
	_ =	strace $0x90000047  }
0x176: {  	s0 =	sadd.s32 @!p0 $0x100000, s0;
	[bflag:$0x2] =	sbarrier.arrive $0xFFFF  }
0x177: {  	[sflag:s0] =	ssyncadd.tile.s32 @!p0 $0x1;
	_ =	shalt  }
.Lfunc_end2:
_tile_overlayer_lowered:
.L_overlay_start_2:
0x178: {  	(tag) =	ssettag $0x2  }
0x179: {  	s0 =	rddreg [dreg:$0x0];
	s2 =	stileid.u32  }
0x17a: {  	s1 =	rddreg [dreg:$0x1];
	p0 =	sne.s32 s2, $0x0  }
0x17b: {  	s3 =	rddreg [dreg:$0x2];
	[bflag:$0x3] =	sbarrier.arrive $0xFFFF;
	s2 =	simm.s32 @!p0 $0x1C01  }
0x17c: {  	[timem:s3], [sflag:s2] =	dma.local @!p0 [hbm:s0], s1  }
0x17d: {  	s0 =	simm.s32 @!p0 $0x1  }
0x17e: {  	_ =	swait.ge @!p0 [sflag:s0], s1  }
0x17f: {  	s1 =	ssub.s32 @!p0 $0x0, s1;
	[sflag:s0] =	ssyncset.done @!p0 $0x0  }
0x180: {  	[sflag:s0] =	ssyncadd.s32 @!p0 s1  }
0x181: {  	[bflag:$0x3] =	sbarrier.arrive $0xFFFF  }
0x182: {  	_ =	shalt  }

</sc_bundles>
